<compile_context>
chip_gen: v7x
topology: tpu7x:2x2x1
jax: 0.10.2.dev20260603
libtpu: 0.0.44.dev20260713+nightly
codegen_flags: <defaults>
</compile_context>

<pallas_src>
import functools

import jax
import jax.numpy as jnp
from jax import lax
from jax.experimental import pallas as pl
from jax.experimental.pallas import tpu as pltpu
from jax.experimental.pallas import tpu_sc as plsc

MAXP = 128
D = 128
K = 8
B = 16
N = 2048
NT = B * N
NW = 32
TPW = NT // NW
OUT_CHUNK = 128
GROUPS = OUT_CHUNK // 16

OFF_Y = MAXP
OFF_W = 2 * MAXP
OFF_H = 2 * MAXP + 257
PR = 776


def _proj_body(tbl_ref, w_ref, b_ref, out_ref):
    proj = lax.dot_general(
        tbl_ref[...], w_ref[...], (((1,), (1,)), ((), ())),
        preferred_element_type=jnp.float32,
        precision=lax.Precision.HIGHEST)
    rows = lax.broadcasted_iota(jnp.int32, (PR, D), 0)
    out_ref[...] = proj + jnp.where(rows < MAXP, b_ref[...] * 0.25, 0.0)


_proj = pl.pallas_call(
    _proj_body,
    out_shape=jax.ShapeDtypeStruct((PR, D), jnp.float32),
)

_mesh = plsc.VectorSubcoreMesh(core_axis_name="c", subcore_axis_name="s")


@functools.partial(
    pl.kernel,
    out_type=jax.ShapeDtypeStruct((NT * D,), jnp.float32),
    mesh=_mesh,
    scratch_types=[
        pltpu.VMEM((PR * D,), jnp.float32),
        pltpu.VMEM((K, TPW), jnp.float32),
        pltpu.VMEM((K, 16), jnp.float32),
        pltpu.VMEM((OUT_CHUNK * D,), jnp.float32),
    ],
    compiler_params=pltpu.CompilerParams(needs_layout_passes=False),
)
def _sc_gather(p_hbm, boxes_hbm, mult_hbm, out_hbm, p_v, box_v, mult_v, out_v):
    wid = lax.axis_index("s") * 2 + lax.axis_index("c")
    pltpu.sync_copy(p_hbm, p_v)
    pltpu.sync_copy(boxes_hbm.at[wid], box_v)
    pltpu.sync_copy(mult_hbm.at[wid], mult_v)
    lane = lax.iota(jnp.int32, 16)
    mults = [mult_v[k, :] for k in range(K)]

    def chunk_body(ci, carry):
        def group_body(gi, carry2):
            tok0 = ci * OUT_CHUNK + gi * 16
            idx = []
            for k in range(K):
                f = box_v[k, pl.ds(tok0, 16)] * mults[k]
                f = jnp.maximum(jnp.minimum(f, 127.0), 0.0)
                fi = f.astype(jnp.int32)
                fi = fi - (fi.astype(jnp.float32) > f).astype(jnp.int32)
                idx.append(fi)
            rows = []
            for i in range(4):
                rows.append(idx[2 * i])
                rows.append(idx[2 * i + 1] + OFF_Y)
            for i in range(4):
                rows.append(idx[(2 * i + 2) % 8] - idx[2 * i] + (OFF_W + MAXP))
            for i in range(4):
                rows.append(idx[(2 * i + 3) % 8] - idx[2 * i + 1] + (OFF_H + MAXP))
            rowsf = [r * D for r in rows]
            zero16 = jnp.zeros((16,), jnp.int32)

            def tok_body(th, c2):
              for dt in range(2):
                t = th * 2 + dt
                tsel = zero16 + t
                base = [jnp.take(rowsf[j], tsel) + lane
                        for j in range(16)]
                obase = (gi * 16 + t) * D
                for c in range(0, D, 32):
                    pa = p_v.at[pl.ds(c, PR * D - c)]
                    pb = p_v.at[pl.ds(c + 16, PR * D - c - 16)]
                    va = [plsc.load_gather(pa, [base[j]])
                          for j in range(16)]
                    vb = [plsc.load_gather(pb, [base[j]])
                          for j in range(16)]
                    sa = [(va[2 * j] + va[2 * j + 1]) for j in range(8)]
                    sb = [(vb[2 * j] + vb[2 * j + 1]) for j in range(8)]
                    ua = [(sa[2 * j] + sa[2 * j + 1]) for j in range(4)]
                    ub = [(sb[2 * j] + sb[2 * j + 1]) for j in range(4)]
                    out_v[pl.ds(obase + c, 16)] = (
                        (ua[0] + ua[1]) + (ua[2] + ua[3]))
                    out_v[pl.ds(obase + c + 16, 16)] = (
                        (ub[0] + ub[1]) + (ub[2] + ub[3]))
              return c2
            lax.fori_loop(0, 8, tok_body, 0)
            return carry2
        lax.fori_loop(0, GROUPS, group_body, 0)
        pltpu.sync_copy(
            out_v,
            out_hbm.at[pl.ds((wid * TPW + ci * OUT_CHUNK) * D, OUT_CHUNK * D)])
        return carry
    lax.fori_loop(0, TPW // OUT_CHUNK, chunk_body, 0)


def kernel(boxes, img_shapes, x_table, y_table, w_table, h_table, W, b):
    ptbl = jnp.concatenate([x_table, y_table, w_table, h_table], axis=0)
    ptbl = jnp.pad(ptbl, ((0, PR - ptbl.shape[0]), (0, 0)))
    p = _proj(ptbl, W, b.reshape(1, D))

    bt = boxes.reshape(NT, K).T.reshape(K, NW, TPW).transpose(1, 0, 2)

    w_sc = img_shapes[:, 1].astype(jnp.float32)
    h_sc = img_shapes[:, 0].astype(jnp.float32)
    even = (jnp.arange(K) % 2 == 0)
    mult_b = MAXP / jnp.where(even[None, :], w_sc[:, None], h_sc[:, None])
    mult_w = jnp.repeat(mult_b, NW // B, axis=0)
    mult16 = jnp.broadcast_to(mult_w[:, :, None], (NW, K, 16))

    out_flat = _sc_gather(p.reshape(PR * D), bt, mult16)
    return out_flat.reshape(B, N, D)

# --- scband reference (transcript-rebuilt; emitter-appended) ---
"""Pipeline reference for scband-position-embedding2-d-2327872274588 (READ-ONLY COPY).

The authoritative reference and input builder live on the scoring server;
editing this copy changes nothing except your own understanding.
"""

import jax, jax.numpy as jnp
import numpy as np

MAX_POS = 128
DIM = 128

def setup_inputs(seed: int = 0) -> dict:
    key = jax.random.key(seed)
    ks = jax.random.split(key, 8)
    B, N, K = 16, 2048, 8
    boxes = jax.random.uniform(ks[0], (B, N, K), dtype=jnp.float32)
    img_shapes = jnp.ones((B, 2), dtype=jnp.int32)  # (H, W) per image; ones -> normalization is identity
    x_table = jax.random.normal(ks[1], (MAX_POS, DIM), dtype=jnp.float32)
    y_table = jax.random.normal(ks[2], (MAX_POS, DIM), dtype=jnp.float32)
    w_table = jax.random.normal(ks[3], (2 * MAX_POS + 1, DIM), dtype=jnp.float32)
    h_table = jax.random.normal(ks[4], (2 * MAX_POS + 1, DIM), dtype=jnp.float32)
    W = jax.random.normal(ks[5], (DIM, DIM), dtype=jnp.float32) * 0.02
    b = jnp.zeros((DIM,), dtype=jnp.float32)
    return {"boxes": boxes, "img_shapes": img_shapes, "x_table": x_table,
            "y_table": y_table, "w_table": w_table, "h_table": h_table,
            "W": W, "b": b}

def reference(boxes, img_shapes, x_table, y_table, w_table, h_table, W, b):
    B, N, K = boxes.shape
    pts = K // 2
    even = (jnp.arange(K) % 2 == 0)
    w_sc = img_shapes[:, 1].astype(jnp.float32)[:, None, None]
    h_sc = img_shapes[:, 0].astype(jnp.float32)[:, None, None]
    scale = jnp.where(even[None, None, :], w_sc, h_sc)
    norm = boxes / scale
    idx = jnp.clip(norm * MAX_POS, 0, MAX_POS - 1).astype(jnp.int32)
    idx = jax.lax.stop_gradient(idx)  # .long() cast in torch kills grads
    out = jnp.zeros((B, N, DIM), dtype=jnp.float32)
    for i in range(pts):
        out = out + jnp.take(x_table, idx[:, :, 2 * i], axis=0)
        out = out + jnp.take(y_table, idx[:, :, 2 * i + 1], axis=0)
    for i in range(pts):
        wi = idx[:, :, 2 * ((i + 1) % pts)] - idx[:, :, 2 * i] + MAX_POS
        out = out + jnp.take(w_table, wi, axis=0)
    for i in range(pts):
        hi = idx[:, :, 2 * ((i + 1) % pts) + 1] - idx[:, :, 2 * i + 1] + MAX_POS
        out = out + jnp.take(h_table, hi, axis=0)
    return out @ W.T + b

if __name__ == "__main__":
    import jax
    _d = setup_inputs()
    print(jax.jit(kernel)(*tuple(_d.values())))

</pallas_src>

<mosaic_0001>
#map = affine_map<(d0, d1) -> (0)>
#map1 = affine_map<(d0, d1) -> (0, 0, 0)>
module attributes {stable_mosaic.version = 14 : i64} {
  func.func @_sc_gather(%arg0: i32, %arg1: i32, %arg2: memref<99328xf32, #tpu.memory_space<hbm>>, %arg3: memref<32x8x1024xf32, #tpu.memory_space<hbm>>, %arg4: memref<32x8x16xf32, #tpu.memory_space<hbm>>, %arg5: memref<4194304xf32, #tpu.memory_space<hbm>>, %arg6: memref<99328xf32, #tpu.memory_space<vmem>>, %arg7: memref<8x1024xf32, #tpu.memory_space<vmem>>, %arg8: memref<8x16xf32, #tpu.memory_space<vmem>>, %arg9: memref<16384xf32, #tpu.memory_space<vmem>>) attributes {dimension_semantics = [#tpu.dimension_semantics<core_parallel>, #tpu.dimension_semantics<subcore_parallel>], iteration_bounds = array<i64: 2, 16>, scalar_prefetch = 0 : i64, scratch_operands = 4 : i64, tpu.core_type = #tpu.core_type<sc_vector_subcore>, window_params = [{transform_indices = #map}, {transform_indices = #map1}, {transform_indices = #map1}, {transform_indices = #map}]} {
    %mul3A = arith.constant 2 : i32
    %mul3A_0 = arith.muli %arg1, %mul3A : i32
    %add3A = arith.addi %mul3A_0, %arg0 : i32
    "tpu.region"() ({
      %run_scoped3A = tpu.sem_alloc : memref<!tpu.dma_semaphore, #tpu.memory_space<semaphore_mem>>
      tpu.enqueue_dma source(%arg2 : memref<99328xf32, #tpu.memory_space<hbm>>) target(%arg6 : memref<99328xf32, #tpu.memory_space<vmem>>) target_semaphore(%run_scoped3A : memref<!tpu.dma_semaphore, #tpu.memory_space<semaphore_mem>>)
      tpu.wait_dma2 semaphore(%run_scoped3A : memref<!tpu.dma_semaphore, #tpu.memory_space<semaphore_mem>>) src(%arg2 : memref<99328xf32, #tpu.memory_space<hbm>>) dst(%arg6 : memref<99328xf32, #tpu.memory_space<vmem>>)
      tpu.yield
    }) : () -> ()
    "tpu.region"() ({
      %run_scoped3A = tpu.sem_alloc : memref<!tpu.dma_semaphore, #tpu.memory_space<semaphore_mem>>
      %dma_start3A = arith.constant 0 : i32
      %dma_start3A_37 = arith.constant 0 : i32
      %dma_start3A_38 = tpu.memref_slice %arg3[%add3A, %dma_start3A, %dma_start3A_37] : memref<32x8x1024xf32, #tpu.memory_space<hbm>> -> memref<1x8x1024xf32, #tpu.memory_space<hbm>>
      %dma_start3A_39 = tpu.memref_squeeze %dma_start3A_38 : memref<1x8x1024xf32, #tpu.memory_space<hbm>> -> memref<8x1024xf32, #tpu.memory_space<hbm>>
      %dma_start3A_40 = arith.constant 0 : i32
      %dma_start3A_41 = arith.constant 0 : i32
      %dma_start3A_42 = tpu.memref_slice %arg3[%add3A, %dma_start3A_40, %dma_start3A_41] : memref<32x8x1024xf32, #tpu.memory_space<hbm>> -> memref<1x8x1024xf32, #tpu.memory_space<hbm>>
      %dma_start3A_43 = tpu.memref_squeeze %dma_start3A_42 : memref<1x8x1024xf32, #tpu.memory_space<hbm>> -> memref<8x1024xf32, #tpu.memory_space<hbm>>
      tpu.enqueue_dma source(%dma_start3A_43 : memref<8x1024xf32, #tpu.memory_space<hbm>>) target(%arg7 : memref<8x1024xf32, #tpu.memory_space<vmem>>) target_semaphore(%run_scoped3A : memref<!tpu.dma_semaphore, #tpu.memory_space<semaphore_mem>>)
      %dma_wait3A = arith.constant 0 : i32
      %dma_wait3A_44 = arith.constant 0 : i32
      %dma_wait3A_45 = tpu.memref_slice %arg3[%add3A, %dma_wait3A, %dma_wait3A_44] : memref<32x8x1024xf32, #tpu.memory_space<hbm>> -> memref<1x8x1024xf32, #tpu.memory_space<hbm>>
      %dma_wait3A_46 = tpu.memref_squeeze %dma_wait3A_45 : memref<1x8x1024xf32, #tpu.memory_space<hbm>> -> memref<8x1024xf32, #tpu.memory_space<hbm>>
      %dma_wait3A_47 = arith.constant 0 : i32
      %dma_wait3A_48 = arith.constant 0 : i32
      %dma_wait3A_49 = tpu.memref_slice %arg3[%add3A, %dma_wait3A_47, %dma_wait3A_48] : memref<32x8x1024xf32, #tpu.memory_space<hbm>> -> memref<1x8x1024xf32, #tpu.memory_space<hbm>>
      %dma_wait3A_50 = tpu.memref_squeeze %dma_wait3A_49 : memref<1x8x1024xf32, #tpu.memory_space<hbm>> -> memref<8x1024xf32, #tpu.memory_space<hbm>>
      tpu.wait_dma2 semaphore(%run_scoped3A : memref<!tpu.dma_semaphore, #tpu.memory_space<semaphore_mem>>) src(%dma_wait3A_50 : memref<8x1024xf32, #tpu.memory_space<hbm>>) dst(%arg7 : memref<8x1024xf32, #tpu.memory_space<vmem>>)
      tpu.yield
    }) : () -> ()
    "tpu.region"() ({
      %run_scoped3A = tpu.sem_alloc : memref<!tpu.dma_semaphore, #tpu.memory_space<semaphore_mem>>
      %dma_start3A = arith.constant 0 : i32
      %dma_start3A_37 = arith.constant 0 : i32
      %dma_start3A_38 = tpu.memref_slice %arg4[%add3A, %dma_start3A, %dma_start3A_37] : memref<32x8x16xf32, #tpu.memory_space<hbm>> -> memref<1x8x16xf32, #tpu.memory_space<hbm>>
      %dma_start3A_39 = tpu.memref_squeeze %dma_start3A_38 : memref<1x8x16xf32, #tpu.memory_space<hbm>> -> memref<8x16xf32, #tpu.memory_space<hbm>>
      %dma_start3A_40 = arith.constant 0 : i32
      %dma_start3A_41 = arith.constant 0 : i32
      %dma_start3A_42 = tpu.memref_slice %arg4[%add3A, %dma_start3A_40, %dma_start3A_41] : memref<32x8x16xf32, #tpu.memory_space<hbm>> -> memref<1x8x16xf32, #tpu.memory_space<hbm>>
      %dma_start3A_43 = tpu.memref_squeeze %dma_start3A_42 : memref<1x8x16xf32, #tpu.memory_space<hbm>> -> memref<8x16xf32, #tpu.memory_space<hbm>>
      tpu.enqueue_dma source(%dma_start3A_43 : memref<8x16xf32, #tpu.memory_space<hbm>>) target(%arg8 : memref<8x16xf32, #tpu.memory_space<vmem>>) target_semaphore(%run_scoped3A : memref<!tpu.dma_semaphore, #tpu.memory_space<semaphore_mem>>)
      %dma_wait3A = arith.constant 0 : i32
      %dma_wait3A_44 = arith.constant 0 : i32
      %dma_wait3A_45 = tpu.memref_slice %arg4[%add3A, %dma_wait3A, %dma_wait3A_44] : memref<32x8x16xf32, #tpu.memory_space<hbm>> -> memref<1x8x16xf32, #tpu.memory_space<hbm>>
      %dma_wait3A_46 = tpu.memref_squeeze %dma_wait3A_45 : memref<1x8x16xf32, #tpu.memory_space<hbm>> -> memref<8x16xf32, #tpu.memory_space<hbm>>
      %dma_wait3A_47 = arith.constant 0 : i32
      %dma_wait3A_48 = arith.constant 0 : i32
      %dma_wait3A_49 = tpu.memref_slice %arg4[%add3A, %dma_wait3A_47, %dma_wait3A_48] : memref<32x8x16xf32, #tpu.memory_space<hbm>> -> memref<1x8x16xf32, #tpu.memory_space<hbm>>
      %dma_wait3A_50 = tpu.memref_squeeze %dma_wait3A_49 : memref<1x8x16xf32, #tpu.memory_space<hbm>> -> memref<8x16xf32, #tpu.memory_space<hbm>>
      tpu.wait_dma2 semaphore(%run_scoped3A : memref<!tpu.dma_semaphore, #tpu.memory_space<semaphore_mem>>) src(%dma_wait3A_50 : memref<8x16xf32, #tpu.memory_space<hbm>>) dst(%arg8 : memref<8x16xf32, #tpu.memory_space<vmem>>)
      tpu.yield
    }) : () -> ()
    %iota3A = tpu.iota {dimensions = array<i32: 0>} : vector<16xi32>
    %get3A = arith.constant 0 : i32
    %get3A_1 = arith.index_cast %get3A : i32 to index
    %get3A_2 = arith.constant 0 : index
    %get3A_3 = tpu.vector_load %arg8[%get3A_1, %get3A_2] {strides = array<i32>} : memref<8x16xf32, #tpu.memory_space<vmem>>, vector<16xf32>,
    %get3A_4 = arith.constant 1 : i32
    %get3A_5 = arith.index_cast %get3A_4 : i32 to index
    %get3A_6 = arith.constant 0 : index
    %get3A_7 = tpu.vector_load %arg8[%get3A_5, %get3A_6] {strides = array<i32>} : memref<8x16xf32, #tpu.memory_space<vmem>>, vector<16xf32>,
    %get3A_8 = arith.constant 2 : i32
    %get3A_9 = arith.index_cast %get3A_8 : i32 to index
    %get3A_10 = arith.constant 0 : index
    %get3A_11 = tpu.vector_load %arg8[%get3A_9, %get3A_10] {strides = array<i32>} : memref<8x16xf32, #tpu.memory_space<vmem>>, vector<16xf32>,
    %get3A_12 = arith.constant 3 : i32
    %get3A_13 = arith.index_cast %get3A_12 : i32 to index
    %get3A_14 = arith.constant 0 : index
    %get3A_15 = tpu.vector_load %arg8[%get3A_13, %get3A_14] {strides = array<i32>} : memref<8x16xf32, #tpu.memory_space<vmem>>, vector<16xf32>,
    %get3A_16 = arith.constant 4 : i32
    %get3A_17 = arith.index_cast %get3A_16 : i32 to index
    %get3A_18 = arith.constant 0 : index
    %get3A_19 = tpu.vector_load %arg8[%get3A_17, %get3A_18] {strides = array<i32>} : memref<8x16xf32, #tpu.memory_space<vmem>>, vector<16xf32>,
    %get3A_20 = arith.constant 5 : i32
    %get3A_21 = arith.index_cast %get3A_20 : i32 to index
    %get3A_22 = arith.constant 0 : index
    %get3A_23 = tpu.vector_load %arg8[%get3A_21, %get3A_22] {strides = array<i32>} : memref<8x16xf32, #tpu.memory_space<vmem>>, vector<16xf32>,
    %get3A_24 = arith.constant 6 : i32
    %get3A_25 = arith.index_cast %get3A_24 : i32 to index
    %get3A_26 = arith.constant 0 : index
    %get3A_27 = tpu.vector_load %arg8[%get3A_25, %get3A_26] {strides = array<i32>} : memref<8x16xf32, #tpu.memory_space<vmem>>, vector<16xf32>,
    %get3A_28 = arith.constant 7 : i32
    %get3A_29 = arith.index_cast %get3A_28 : i32 to index
    %get3A_30 = arith.constant 0 : index
    %get3A_31 = tpu.vector_load %arg8[%get3A_29, %get3A_30] {strides = array<i32>} : memref<8x16xf32, #tpu.memory_space<vmem>>, vector<16xf32>,
    %scan3A = arith.constant 0 : i32
    %scan3A_32 = arith.constant 0 : i32
    %scan3A_33 = arith.constant 8 : i32
    %scan3A_34 = arith.addi %scan3A_32, %scan3A_33 : i32
    %scan3A_35 = arith.constant 1 : i32
    scf.for %scan3A_37 = %scan3A_32 to %scan3A_34 step %scan3A_35  : i32 {
      %scan3A_38 = arith.constant 0 : i32
      %scan3A_39 = arith.constant 0 : i32
      %scan3A_40 = arith.constant 8 : i32
      %scan3A_41 = arith.addi %scan3A_39, %scan3A_40 : i32
      %scan3A_42 = arith.constant 1 : i32
      scf.for %scan3A_51 = %scan3A_39 to %scan3A_41 step %scan3A_42  : i32 {
        %mul3A_52 = arith.constant 128 : i32
        %mul3A_53 = arith.muli %scan3A_37, %mul3A_52 : i32
        %mul3A_54 = arith.constant 16 : i32
        %mul3A_55 = arith.muli %scan3A_51, %mul3A_54 : i32
        %add3A_56 = arith.addi %mul3A_53, %mul3A_55 : i32
        %get3A_57 = arith.constant 0 : i32
        %get3A_58 = arith.index_cast %get3A_57 : i32 to index
        %get3A_59 = arith.index_cast %add3A_56 : i32 to index
        %get3A_60 = tpu.vector_load %arg7[%get3A_58, %get3A_59] {strides = array<i32>} : memref<8x1024xf32, #tpu.memory_space<vmem>>, vector<16xf32>,
        %mul3A_61 = arith.mulf %get3A_60, %get3A_3 : vector<16xf32>
        %min3A = arith.constant 1.270000e+02 : f32
        %min3A_62 = vector.broadcast %min3A : f32 to vector<16xf32>
        %min3A_63 = arith.minimumf %mul3A_61, %min3A_62 : vector<16xf32>
        %max3A = arith.constant 0.000000e+00 : f32
        %max3A_64 = vector.broadcast %max3A : f32 to vector<16xf32>
        %max3A_65 = arith.maximumf %min3A_63, %max3A_64 : vector<16xf32>
        %convert_element_type3A = arith.fptosi %max3A_65 : vector<16xf32> to vector<16xi32>
        %convert_element_type3A_66 = arith.sitofp %convert_element_type3A : vector<16xi32> to vector<16xf32>
        %gt3A = arith.cmpf ogt, %convert_element_type3A_66, %max3A_65 : vector<16xf32>
        %convert_element_type3A_67 = arith.extui %gt3A : vector<16xi1> to vector<16xi32>
        %sub3A = arith.subi %convert_element_type3A, %convert_element_type3A_67 : vector<16xi32>
        %get3A_68 = arith.constant 1 : i32
        %get3A_69 = arith.index_cast %get3A_68 : i32 to index
        %get3A_70 = arith.index_cast %add3A_56 : i32 to index
        %get3A_71 = tpu.vector_load %arg7[%get3A_69, %get3A_70] {strides = array<i32>} : memref<8x1024xf32, #tpu.memory_space<vmem>>, vector<16xf32>,
        %mul3A_72 = arith.mulf %get3A_71, %get3A_7 : vector<16xf32>
        %min3A_73 = arith.constant 1.270000e+02 : f32
        %min3A_74 = vector.broadcast %min3A_73 : f32 to vector<16xf32>
        %min3A_75 = arith.minimumf %mul3A_72, %min3A_74 : vector<16xf32>
        %max3A_76 = arith.constant 0.000000e+00 : f32
        %max3A_77 = vector.broadcast %max3A_76 : f32 to vector<16xf32>
        %max3A_78 = arith.maximumf %min3A_75, %max3A_77 : vector<16xf32>
        %convert_element_type3A_79 = arith.fptosi %max3A_78 : vector<16xf32> to vector<16xi32>
        %convert_element_type3A_80 = arith.sitofp %convert_element_type3A_79 : vector<16xi32> to vector<16xf32>
        %gt3A_81 = arith.cmpf ogt, %convert_element_type3A_80, %max3A_78 : vector<16xf32>
        %convert_element_type3A_82 = arith.extui %gt3A_81 : vector<16xi1> to vector<16xi32>
        %sub3A_83 = arith.subi %convert_element_type3A_79, %convert_element_type3A_82 : vector<16xi32>
        %get3A_84 = arith.constant 2 : i32
        %get3A_85 = arith.index_cast %get3A_84 : i32 to index
        %get3A_86 = arith.index_cast %add3A_56 : i32 to index
        %get3A_87 = tpu.vector_load %arg7[%get3A_85, %get3A_86] {strides = array<i32>} : memref<8x1024xf32, #tpu.memory_space<vmem>>, vector<16xf32>,
        %mul3A_88 = arith.mulf %get3A_87, %get3A_11 : vector<16xf32>
        %min3A_89 = arith.constant 1.270000e+02 : f32
        %min3A_90 = vector.broadcast %min3A_89 : f32 to vector<16xf32>
        %min3A_91 = arith.minimumf %mul3A_88, %min3A_90 : vector<16xf32>
        %max3A_92 = arith.constant 0.000000e+00 : f32
        %max3A_93 = vector.broadcast %max3A_92 : f32 to vector<16xf32>
        %max3A_94 = arith.maximumf %min3A_91, %max3A_93 : vector<16xf32>
        %convert_element_type3A_95 = arith.fptosi %max3A_94 : vector<16xf32> to vector<16xi32>
        %convert_element_type3A_96 = arith.sitofp %convert_element_type3A_95 : vector<16xi32> to vector<16xf32>
        %gt3A_97 = arith.cmpf ogt, %convert_element_type3A_96, %max3A_94 : vector<16xf32>
        %convert_element_type3A_98 = arith.extui %gt3A_97 : vector<16xi1> to vector<16xi32>
        %sub3A_99 = arith.subi %convert_element_type3A_95, %convert_element_type3A_98 : vector<16xi32>
        %get3A_100 = arith.constant 3 : i32
        %get3A_101 = arith.index_cast %get3A_100 : i32 to index
        %get3A_102 = arith.index_cast %add3A_56 : i32 to index
        %get3A_103 = tpu.vector_load %arg7[%get3A_101, %get3A_102] {strides = array<i32>} : memref<8x1024xf32, #tpu.memory_space<vmem>>, vector<16xf32>,
        %mul3A_104 = arith.mulf %get3A_103, %get3A_15 : vector<16xf32>
        %min3A_105 = arith.constant 1.270000e+02 : f32
        %min3A_106 = vector.broadcast %min3A_105 : f32 to vector<16xf32>
        %min3A_107 = arith.minimumf %mul3A_104, %min3A_106 : vector<16xf32>
        %max3A_108 = arith.constant 0.000000e+00 : f32
        %max3A_109 = vector.broadcast %max3A_108 : f32 to vector<16xf32>
        %max3A_110 = arith.maximumf %min3A_107, %max3A_109 : vector<16xf32>
        %convert_element_type3A_111 = arith.fptosi %max3A_110 : vector<16xf32> to vector<16xi32>
        %convert_element_type3A_112 = arith.sitofp %convert_element_type3A_111 : vector<16xi32> to vector<16xf32>
        %gt3A_113 = arith.cmpf ogt, %convert_element_type3A_112, %max3A_110 : vector<16xf32>
        %convert_element_type3A_114 = arith.extui %gt3A_113 : vector<16xi1> to vector<16xi32>
        %sub3A_115 = arith.subi %convert_element_type3A_111, %convert_element_type3A_114 : vector<16xi32>
        %get3A_116 = arith.constant 4 : i32
        %get3A_117 = arith.index_cast %get3A_116 : i32 to index
        %get3A_118 = arith.index_cast %add3A_56 : i32 to index
        %get3A_119 = tpu.vector_load %arg7[%get3A_117, %get3A_118] {strides = array<i32>} : memref<8x1024xf32, #tpu.memory_space<vmem>>, vector<16xf32>,
        %mul3A_120 = arith.mulf %get3A_119, %get3A_19 : vector<16xf32>
        %min3A_121 = arith.constant 1.270000e+02 : f32
        %min3A_122 = vector.broadcast %min3A_121 : f32 to vector<16xf32>
        %min3A_123 = arith.minimumf %mul3A_120, %min3A_122 : vector<16xf32>
        %max3A_124 = arith.constant 0.000000e+00 : f32
        %max3A_125 = vector.broadcast %max3A_124 : f32 to vector<16xf32>
        %max3A_126 = arith.maximumf %min3A_123, %max3A_125 : vector<16xf32>
        %convert_element_type3A_127 = arith.fptosi %max3A_126 : vector<16xf32> to vector<16xi32>
        %convert_element_type3A_128 = arith.sitofp %convert_element_type3A_127 : vector<16xi32> to vector<16xf32>
        %gt3A_129 = arith.cmpf ogt, %convert_element_type3A_128, %max3A_126 : vector<16xf32>
        %convert_element_type3A_130 = arith.extui %gt3A_129 : vector<16xi1> to vector<16xi32>
        %sub3A_131 = arith.subi %convert_element_type3A_127, %convert_element_type3A_130 : vector<16xi32>
        %get3A_132 = arith.constant 5 : i32
        %get3A_133 = arith.index_cast %get3A_132 : i32 to index
        %get3A_134 = arith.index_cast %add3A_56 : i32 to index
        %get3A_135 = tpu.vector_load %arg7[%get3A_133, %get3A_134] {strides = array<i32>} : memref<8x1024xf32, #tpu.memory_space<vmem>>, vector<16xf32>,
        %mul3A_136 = arith.mulf %get3A_135, %get3A_23 : vector<16xf32>
        %min3A_137 = arith.constant 1.270000e+02 : f32
        %min3A_138 = vector.broadcast %min3A_137 : f32 to vector<16xf32>
        %min3A_139 = arith.minimumf %mul3A_136, %min3A_138 : vector<16xf32>
        %max3A_140 = arith.constant 0.000000e+00 : f32
        %max3A_141 = vector.broadcast %max3A_140 : f32 to vector<16xf32>
        %max3A_142 = arith.maximumf %min3A_139, %max3A_141 : vector<16xf32>
        %convert_element_type3A_143 = arith.fptosi %max3A_142 : vector<16xf32> to vector<16xi32>
        %convert_element_type3A_144 = arith.sitofp %convert_element_type3A_143 : vector<16xi32> to vector<16xf32>
        %gt3A_145 = arith.cmpf ogt, %convert_element_type3A_144, %max3A_142 : vector<16xf32>
        %convert_element_type3A_146 = arith.extui %gt3A_145 : vector<16xi1> to vector<16xi32>
        %sub3A_147 = arith.subi %convert_element_type3A_143, %convert_element_type3A_146 : vector<16xi32>
        %get3A_148 = arith.constant 6 : i32
        %get3A_149 = arith.index_cast %get3A_148 : i32 to index
        %get3A_150 = arith.index_cast %add3A_56 : i32 to index
        %get3A_151 = tpu.vector_load %arg7[%get3A_149, %get3A_150] {strides = array<i32>} : memref<8x1024xf32, #tpu.memory_space<vmem>>, vector<16xf32>,
        %mul3A_152 = arith.mulf %get3A_151, %get3A_27 : vector<16xf32>
        %min3A_153 = arith.constant 1.270000e+02 : f32
        %min3A_154 = vector.broadcast %min3A_153 : f32 to vector<16xf32>
        %min3A_155 = arith.minimumf %mul3A_152, %min3A_154 : vector<16xf32>
        %max3A_156 = arith.constant 0.000000e+00 : f32
        %max3A_157 = vector.broadcast %max3A_156 : f32 to vector<16xf32>
        %max3A_158 = arith.maximumf %min3A_155, %max3A_157 : vector<16xf32>
        %convert_element_type3A_159 = arith.fptosi %max3A_158 : vector<16xf32> to vector<16xi32>
        %convert_element_type3A_160 = arith.sitofp %convert_element_type3A_159 : vector<16xi32> to vector<16xf32>
        %gt3A_161 = arith.cmpf ogt, %convert_element_type3A_160, %max3A_158 : vector<16xf32>
        %convert_element_type3A_162 = arith.extui %gt3A_161 : vector<16xi1> to vector<16xi32>
        %sub3A_163 = arith.subi %convert_element_type3A_159, %convert_element_type3A_162 : vector<16xi32>
        %get3A_164 = arith.constant 7 : i32
        %get3A_165 = arith.index_cast %get3A_164 : i32 to index
        %get3A_166 = arith.index_cast %add3A_56 : i32 to index
        %get3A_167 = tpu.vector_load %arg7[%get3A_165, %get3A_166] {strides = array<i32>} : memref<8x1024xf32, #tpu.memory_space<vmem>>, vector<16xf32>,
        %mul3A_168 = arith.mulf %get3A_167, %get3A_31 : vector<16xf32>
        %min3A_169 = arith.constant 1.270000e+02 : f32
        %min3A_170 = vector.broadcast %min3A_169 : f32 to vector<16xf32>
        %min3A_171 = arith.minimumf %mul3A_168, %min3A_170 : vector<16xf32>
        %max3A_172 = arith.constant 0.000000e+00 : f32
        %max3A_173 = vector.broadcast %max3A_172 : f32 to vector<16xf32>
        %max3A_174 = arith.maximumf %min3A_171, %max3A_173 : vector<16xf32>
        %convert_element_type3A_175 = arith.fptosi %max3A_174 : vector<16xf32> to vector<16xi32>
        %convert_element_type3A_176 = arith.sitofp %convert_element_type3A_175 : vector<16xi32> to vector<16xf32>
        %gt3A_177 = arith.cmpf ogt, %convert_element_type3A_176, %max3A_174 : vector<16xf32>
        %convert_element_type3A_178 = arith.extui %gt3A_177 : vector<16xi1> to vector<16xi32>
        %sub3A_179 = arith.subi %convert_element_type3A_175, %convert_element_type3A_178 : vector<16xi32>
        %add3A_180 = arith.constant 128 : i32
        %add3A_181 = vector.broadcast %add3A_180 : i32 to vector<16xi32>
        %add3A_182 = arith.addi %sub3A_83, %add3A_181 : vector<16xi32>
        %add3A_183 = arith.constant 128 : i32
        %add3A_184 = vector.broadcast %add3A_183 : i32 to vector<16xi32>
        %add3A_185 = arith.addi %sub3A_115, %add3A_184 : vector<16xi32>
        %add3A_186 = arith.constant 128 : i32
        %add3A_187 = vector.broadcast %add3A_186 : i32 to vector<16xi32>
        %add3A_188 = arith.addi %sub3A_147, %add3A_187 : vector<16xi32>
        %add3A_189 = arith.constant 128 : i32
        %add3A_190 = vector.broadcast %add3A_189 : i32 to vector<16xi32>
        %add3A_191 = arith.addi %sub3A_179, %add3A_190 : vector<16xi32>
        %sub3A_192 = arith.subi %sub3A_99, %sub3A : vector<16xi32>
        %add3A_193 = arith.constant 384 : i32
        %add3A_194 = vector.broadcast %add3A_193 : i32 to vector<16xi32>
        %add3A_195 = arith.addi %sub3A_192, %add3A_194 : vector<16xi32>
        %sub3A_196 = arith.subi %sub3A_131, %sub3A_99 : vector<16xi32>
        %add3A_197 = arith.constant 384 : i32
        %add3A_198 = vector.broadcast %add3A_197 : i32 to vector<16xi32>
        %add3A_199 = arith.addi %sub3A_196, %add3A_198 : vector<16xi32>
        %sub3A_200 = arith.subi %sub3A_163, %sub3A_131 : vector<16xi32>
        %add3A_201 = arith.constant 384 : i32
        %add3A_202 = vector.broadcast %add3A_201 : i32 to vector<16xi32>
        %add3A_203 = arith.addi %sub3A_200, %add3A_202 : vector<16xi32>
        %sub3A_204 = arith.subi %sub3A, %sub3A_163 : vector<16xi32>
        %add3A_205 = arith.constant 384 : i32
        %add3A_206 = vector.broadcast %add3A_205 : i32 to vector<16xi32>
        %add3A_207 = arith.addi %sub3A_204, %add3A_206 : vector<16xi32>
        %sub3A_208 = arith.subi %sub3A_115, %sub3A_83 : vector<16xi32>
        %add3A_209 = arith.constant 641 : i32
        %add3A_210 = vector.broadcast %add3A_209 : i32 to vector<16xi32>
        %add3A_211 = arith.addi %sub3A_208, %add3A_210 : vector<16xi32>
        %sub3A_212 = arith.subi %sub3A_147, %sub3A_115 : vector<16xi32>
        %add3A_213 = arith.constant 641 : i32
        %add3A_214 = vector.broadcast %add3A_213 : i32 to vector<16xi32>
        %add3A_215 = arith.addi %sub3A_212, %add3A_214 : vector<16xi32>
        %sub3A_216 = arith.subi %sub3A_179, %sub3A_147 : vector<16xi32>
        %add3A_217 = arith.constant 641 : i32
        %add3A_218 = vector.broadcast %add3A_217 : i32 to vector<16xi32>
        %add3A_219 = arith.addi %sub3A_216, %add3A_218 : vector<16xi32>
        %sub3A_220 = arith.subi %sub3A_83, %sub3A_179 : vector<16xi32>
        %add3A_221 = arith.constant 641 : i32
        %add3A_222 = vector.broadcast %add3A_221 : i32 to vector<16xi32>
        %add3A_223 = arith.addi %sub3A_220, %add3A_222 : vector<16xi32>
        %mul3A_224 = arith.constant 128 : i32
        %mul3A_225 = vector.broadcast %mul3A_224 : i32 to vector<16xi32>
        %mul3A_226 = arith.muli %sub3A, %mul3A_225 : vector<16xi32>
        %mul3A_227 = arith.constant 128 : i32
        %mul3A_228 = vector.broadcast %mul3A_227 : i32 to vector<16xi32>
        %mul3A_229 = arith.muli %add3A_182, %mul3A_228 : vector<16xi32>
        %mul3A_230 = arith.constant 128 : i32
        %mul3A_231 = vector.broadcast %mul3A_230 : i32 to vector<16xi32>
        %mul3A_232 = arith.muli %sub3A_99, %mul3A_231 : vector<16xi32>
        %mul3A_233 = arith.constant 128 : i32
        %mul3A_234 = vector.broadcast %mul3A_233 : i32 to vector<16xi32>
        %mul3A_235 = arith.muli %add3A_185, %mul3A_234 : vector<16xi32>
        %mul3A_236 = arith.constant 128 : i32
        %mul3A_237 = vector.broadcast %mul3A_236 : i32 to vector<16xi32>
        %mul3A_238 = arith.muli %sub3A_131, %mul3A_237 : vector<16xi32>
        %mul3A_239 = arith.constant 128 : i32
        %mul3A_240 = vector.broadcast %mul3A_239 : i32 to vector<16xi32>
        %mul3A_241 = arith.muli %add3A_188, %mul3A_240 : vector<16xi32>
        %mul3A_242 = arith.constant 128 : i32
        %mul3A_243 = vector.broadcast %mul3A_242 : i32 to vector<16xi32>
        %mul3A_244 = arith.muli %sub3A_163, %mul3A_243 : vector<16xi32>
        %mul3A_245 = arith.constant 128 : i32
        %mul3A_246 = vector.broadcast %mul3A_245 : i32 to vector<16xi32>
        %mul3A_247 = arith.muli %add3A_191, %mul3A_246 : vector<16xi32>
        %mul3A_248 = arith.constant 128 : i32
        %mul3A_249 = vector.broadcast %mul3A_248 : i32 to vector<16xi32>
        %mul3A_250 = arith.muli %add3A_195, %mul3A_249 : vector<16xi32>
        %mul3A_251 = arith.constant 128 : i32
        %mul3A_252 = vector.broadcast %mul3A_251 : i32 to vector<16xi32>
        %mul3A_253 = arith.muli %add3A_199, %mul3A_252 : vector<16xi32>
        %mul3A_254 = arith.constant 128 : i32
        %mul3A_255 = vector.broadcast %mul3A_254 : i32 to vector<16xi32>
        %mul3A_256 = arith.muli %add3A_203, %mul3A_255 : vector<16xi32>
        %mul3A_257 = arith.constant 128 : i32
        %mul3A_258 = vector.broadcast %mul3A_257 : i32 to vector<16xi32>
        %mul3A_259 = arith.muli %add3A_207, %mul3A_258 : vector<16xi32>
        %mul3A_260 = arith.constant 128 : i32
        %mul3A_261 = vector.broadcast %mul3A_260 : i32 to vector<16xi32>
        %mul3A_262 = arith.muli %add3A_211, %mul3A_261 : vector<16xi32>
        %mul3A_263 = arith.constant 128 : i32
        %mul3A_264 = vector.broadcast %mul3A_263 : i32 to vector<16xi32>
        %mul3A_265 = arith.muli %add3A_215, %mul3A_264 : vector<16xi32>
        %mul3A_266 = arith.constant 128 : i32
        %mul3A_267 = vector.broadcast %mul3A_266 : i32 to vector<16xi32>
        %mul3A_268 = arith.muli %add3A_219, %mul3A_267 : vector<16xi32>
        %mul3A_269 = arith.constant 128 : i32
        %mul3A_270 = vector.broadcast %mul3A_269 : i32 to vector<16xi32>
        %mul3A_271 = arith.muli %add3A_223, %mul3A_270 : vector<16xi32>
        %broadcast_in_dim3A = arith.constant 0 : i32
        %broadcast_in_dim3A_272 = vector.broadcast %broadcast_in_dim3A : i32 to vector<16xi32>
        %scan3A_273 = arith.constant 0 : i32
        %scan3A_274 = arith.constant 0 : i32
        %scan3A_275 = arith.constant 8 : i32
        %scan3A_276 = arith.addi %scan3A_274, %scan3A_275 : i32
        %scan3A_277 = arith.constant 1 : i32
        scf.for %scan3A_279 = %scan3A_274 to %scan3A_276 step %scan3A_277  : i32 {
          %mul3A_280 = arith.constant 2 : i32
          %mul3A_281 = arith.muli %scan3A_279, %mul3A_280 : i32
          %add3A_282 = arith.constant 0 : i32
          %add3A_283 = arith.addi %mul3A_281, %add3A_282 : i32
          %add3A_284 = vector.broadcast %add3A_283 : i32 to vector<16xi32>
          %add3A_285 = arith.addi %broadcast_in_dim3A_272, %add3A_284 : vector<16xi32>
          %lt3A = arith.constant 0 : i32
          %lt3A_286 = vector.broadcast %lt3A : i32 to vector<16xi32>
          %lt3A_287 = arith.cmpi slt, %add3A_285, %lt3A_286 : vector<16xi32>
          %add3A_288 = arith.constant 16 : i32
          %add3A_289 = vector.broadcast %add3A_288 : i32 to vector<16xi32>
          %add3A_290 = arith.addi %add3A_285, %add3A_289 : vector<16xi32>
          %select_n3A = arith.select %lt3A_287, %add3A_290, %add3A_285 : vector<16xi1>, vector<16xi32>
          %broadcast_in_dim3A_291 = vector.shape_cast %select_n3A : vector<16xi32> to vector<16x1xi32>
          %gather3A = vector.shape_cast %broadcast_in_dim3A_291 : vector<16x1xi32> to vector<16xi32>
          %gather3A_292 = tpu.dynamic_gather %mul3A_226[%gather3A] in [0] : vector<16xi32>, vector<16xi32> -> vector<16xi32>
          %add3A_293 = arith.addi %gather3A_292, %iota3A : vector<16xi32>
          %lt3A_294 = arith.constant 0 : i32
          %lt3A_295 = vector.broadcast %lt3A_294 : i32 to vector<16xi32>
          %lt3A_296 = arith.cmpi slt, %add3A_285, %lt3A_295 : vector<16xi32>
          %add3A_297 = arith.constant 16 : i32
          %add3A_298 = vector.broadcast %add3A_297 : i32 to vector<16xi32>
          %add3A_299 = arith.addi %add3A_285, %add3A_298 : vector<16xi32>
          %select_n3A_300 = arith.select %lt3A_296, %add3A_299, %add3A_285 : vector<16xi1>, vector<16xi32>
          %broadcast_in_dim3A_301 = vector.shape_cast %select_n3A_300 : vector<16xi32> to vector<16x1xi32>
          %gather3A_302 = vector.shape_cast %broadcast_in_dim3A_301 : vector<16x1xi32> to vector<16xi32>
          %gather3A_303 = tpu.dynamic_gather %mul3A_229[%gather3A_302] in [0] : vector<16xi32>, vector<16xi32> -> vector<16xi32>
          %add3A_304 = arith.addi %gather3A_303, %iota3A : vector<16xi32>
          %lt3A_305 = arith.constant 0 : i32
          %lt3A_306 = vector.broadcast %lt3A_305 : i32 to vector<16xi32>
          %lt3A_307 = arith.cmpi slt, %add3A_285, %lt3A_306 : vector<16xi32>
          %add3A_308 = arith.constant 16 : i32
          %add3A_309 = vector.broadcast %add3A_308 : i32 to vector<16xi32>
          %add3A_310 = arith.addi %add3A_285, %add3A_309 : vector<16xi32>
          %select_n3A_311 = arith.select %lt3A_307, %add3A_310, %add3A_285 : vector<16xi1>, vector<16xi32>
          %broadcast_in_dim3A_312 = vector.shape_cast %select_n3A_311 : vector<16xi32> to vector<16x1xi32>
          %gather3A_313 = vector.shape_cast %broadcast_in_dim3A_312 : vector<16x1xi32> to vector<16xi32>
          %gather3A_314 = tpu.dynamic_gather %mul3A_232[%gather3A_313] in [0] : vector<16xi32>, vector<16xi32> -> vector<16xi32>
          %add3A_315 = arith.addi %gather3A_314, %iota3A : vector<16xi32>
          %lt3A_316 = arith.constant 0 : i32
          %lt3A_317 = vector.broadcast %lt3A_316 : i32 to vector<16xi32>
          %lt3A_318 = arith.cmpi slt, %add3A_285, %lt3A_317 : vector<16xi32>
          %add3A_319 = arith.constant 16 : i32
          %add3A_320 = vector.broadcast %add3A_319 : i32 to vector<16xi32>
          %add3A_321 = arith.addi %add3A_285, %add3A_320 : vector<16xi32>
          %select_n3A_322 = arith.select %lt3A_318, %add3A_321, %add3A_285 : vector<16xi1>, vector<16xi32>
          %broadcast_in_dim3A_323 = vector.shape_cast %select_n3A_322 : vector<16xi32> to vector<16x1xi32>
          %gather3A_324 = vector.shape_cast %broadcast_in_dim3A_323 : vector<16x1xi32> to vector<16xi32>
          %gather3A_325 = tpu.dynamic_gather %mul3A_235[%gather3A_324] in [0] : vector<16xi32>, vector<16xi32> -> vector<16xi32>
          %add3A_326 = arith.addi %gather3A_325, %iota3A : vector<16xi32>
          %lt3A_327 = arith.constant 0 : i32
          %lt3A_328 = vector.broadcast %lt3A_327 : i32 to vector<16xi32>
          %lt3A_329 = arith.cmpi slt, %add3A_285, %lt3A_328 : vector<16xi32>
          %add3A_330 = arith.constant 16 : i32
          %add3A_331 = vector.broadcast %add3A_330 : i32 to vector<16xi32>
          %add3A_332 = arith.addi %add3A_285, %add3A_331 : vector<16xi32>
          %select_n3A_333 = arith.select %lt3A_329, %add3A_332, %add3A_285 : vector<16xi1>, vector<16xi32>
          %broadcast_in_dim3A_334 = vector.shape_cast %select_n3A_333 : vector<16xi32> to vector<16x1xi32>
          %gather3A_335 = vector.shape_cast %broadcast_in_dim3A_334 : vector<16x1xi32> to vector<16xi32>
          %gather3A_336 = tpu.dynamic_gather %mul3A_238[%gather3A_335] in [0] : vector<16xi32>, vector<16xi32> -> vector<16xi32>
          %add3A_337 = arith.addi %gather3A_336, %iota3A : vector<16xi32>
          %lt3A_338 = arith.constant 0 : i32
          %lt3A_339 = vector.broadcast %lt3A_338 : i32 to vector<16xi32>
          %lt3A_340 = arith.cmpi slt, %add3A_285, %lt3A_339 : vector<16xi32>
          %add3A_341 = arith.constant 16 : i32
          %add3A_342 = vector.broadcast %add3A_341 : i32 to vector<16xi32>
          %add3A_343 = arith.addi %add3A_285, %add3A_342 : vector<16xi32>
          %select_n3A_344 = arith.select %lt3A_340, %add3A_343, %add3A_285 : vector<16xi1>, vector<16xi32>
          %broadcast_in_dim3A_345 = vector.shape_cast %select_n3A_344 : vector<16xi32> to vector<16x1xi32>
          %gather3A_346 = vector.shape_cast %broadcast_in_dim3A_345 : vector<16x1xi32> to vector<16xi32>
          %gather3A_347 = tpu.dynamic_gather %mul3A_241[%gather3A_346] in [0] : vector<16xi32>, vector<16xi32> -> vector<16xi32>
          %add3A_348 = arith.addi %gather3A_347, %iota3A : vector<16xi32>
          %lt3A_349 = arith.constant 0 : i32
          %lt3A_350 = vector.broadcast %lt3A_349 : i32 to vector<16xi32>
          %lt3A_351 = arith.cmpi slt, %add3A_285, %lt3A_350 : vector<16xi32>
          %add3A_352 = arith.constant 16 : i32
          %add3A_353 = vector.broadcast %add3A_352 : i32 to vector<16xi32>
          %add3A_354 = arith.addi %add3A_285, %add3A_353 : vector<16xi32>
          %select_n3A_355 = arith.select %lt3A_351, %add3A_354, %add3A_285 : vector<16xi1>, vector<16xi32>
          %broadcast_in_dim3A_356 = vector.shape_cast %select_n3A_355 : vector<16xi32> to vector<16x1xi32>
          %gather3A_357 = vector.shape_cast %broadcast_in_dim3A_356 : vector<16x1xi32> to vector<16xi32>
          %gather3A_358 = tpu.dynamic_gather %mul3A_244[%gather3A_357] in [0] : vector<16xi32>, vector<16xi32> -> vector<16xi32>
          %add3A_359 = arith.addi %gather3A_358, %iota3A : vector<16xi32>
          %lt3A_360 = arith.constant 0 : i32
          %lt3A_361 = vector.broadcast %lt3A_360 : i32 to vector<16xi32>
          %lt3A_362 = arith.cmpi slt, %add3A_285, %lt3A_361 : vector<16xi32>
          %add3A_363 = arith.constant 16 : i32
          %add3A_364 = vector.broadcast %add3A_363 : i32 to vector<16xi32>
          %add3A_365 = arith.addi %add3A_285, %add3A_364 : vector<16xi32>
          %select_n3A_366 = arith.select %lt3A_362, %add3A_365, %add3A_285 : vector<16xi1>, vector<16xi32>
          %broadcast_in_dim3A_367 = vector.shape_cast %select_n3A_366 : vector<16xi32> to vector<16x1xi32>
          %gather3A_368 = vector.shape_cast %broadcast_in_dim3A_367 : vector<16x1xi32> to vector<16xi32>
          %gather3A_369 = tpu.dynamic_gather %mul3A_247[%gather3A_368] in [0] : vector<16xi32>, vector<16xi32> -> vector<16xi32>
          %add3A_370 = arith.addi %gather3A_369, %iota3A : vector<16xi32>
          %lt3A_371 = arith.constant 0 : i32
          %lt3A_372 = vector.broadcast %lt3A_371 : i32 to vector<16xi32>
          %lt3A_373 = arith.cmpi slt, %add3A_285, %lt3A_372 : vector<16xi32>
          %add3A_374 = arith.constant 16 : i32
          %add3A_375 = vector.broadcast %add3A_374 : i32 to vector<16xi32>
          %add3A_376 = arith.addi %add3A_285, %add3A_375 : vector<16xi32>
          %select_n3A_377 = arith.select %lt3A_373, %add3A_376, %add3A_285 : vector<16xi1>, vector<16xi32>
          %broadcast_in_dim3A_378 = vector.shape_cast %select_n3A_377 : vector<16xi32> to vector<16x1xi32>
          %gather3A_379 = vector.shape_cast %broadcast_in_dim3A_378 : vector<16x1xi32> to vector<16xi32>
          %gather3A_380 = tpu.dynamic_gather %mul3A_250[%gather3A_379] in [0] : vector<16xi32>, vector<16xi32> -> vector<16xi32>
          %add3A_381 = arith.addi %gather3A_380, %iota3A : vector<16xi32>
          %lt3A_382 = arith.constant 0 : i32
          %lt3A_383 = vector.broadcast %lt3A_382 : i32 to vector<16xi32>
          %lt3A_384 = arith.cmpi slt, %add3A_285, %lt3A_383 : vector<16xi32>
          %add3A_385 = arith.constant 16 : i32
          %add3A_386 = vector.broadcast %add3A_385 : i32 to vector<16xi32>
          %add3A_387 = arith.addi %add3A_285, %add3A_386 : vector<16xi32>
          %select_n3A_388 = arith.select %lt3A_384, %add3A_387, %add3A_285 : vector<16xi1>, vector<16xi32>
          %broadcast_in_dim3A_389 = vector.shape_cast %select_n3A_388 : vector<16xi32> to vector<16x1xi32>
          %gather3A_390 = vector.shape_cast %broadcast_in_dim3A_389 : vector<16x1xi32> to vector<16xi32>
          %gather3A_391 = tpu.dynamic_gather %mul3A_253[%gather3A_390] in [0] : vector<16xi32>, vector<16xi32> -> vector<16xi32>
          %add3A_392 = arith.addi %gather3A_391, %iota3A : vector<16xi32>
          %lt3A_393 = arith.constant 0 : i32
          %lt3A_394 = vector.broadcast %lt3A_393 : i32 to vector<16xi32>
          %lt3A_395 = arith.cmpi slt, %add3A_285, %lt3A_394 : vector<16xi32>
          %add3A_396 = arith.constant 16 : i32
          %add3A_397 = vector.broadcast %add3A_396 : i32 to vector<16xi32>
          %add3A_398 = arith.addi %add3A_285, %add3A_397 : vector<16xi32>
          %select_n3A_399 = arith.select %lt3A_395, %add3A_398, %add3A_285 : vector<16xi1>, vector<16xi32>
          %broadcast_in_dim3A_400 = vector.shape_cast %select_n3A_399 : vector<16xi32> to vector<16x1xi32>
          %gather3A_401 = vector.shape_cast %broadcast_in_dim3A_400 : vector<16x1xi32> to vector<16xi32>
          %gather3A_402 = tpu.dynamic_gather %mul3A_256[%gather3A_401] in [0] : vector<16xi32>, vector<16xi32> -> vector<16xi32>
          %add3A_403 = arith.addi %gather3A_402, %iota3A : vector<16xi32>
          %lt3A_404 = arith.constant 0 : i32
          %lt3A_405 = vector.broadcast %lt3A_404 : i32 to vector<16xi32>
          %lt3A_406 = arith.cmpi slt, %add3A_285, %lt3A_405 : vector<16xi32>
          %add3A_407 = arith.constant 16 : i32
          %add3A_408 = vector.broadcast %add3A_407 : i32 to vector<16xi32>
          %add3A_409 = arith.addi %add3A_285, %add3A_408 : vector<16xi32>
          %select_n3A_410 = arith.select %lt3A_406, %add3A_409, %add3A_285 : vector<16xi1>, vector<16xi32>
          %broadcast_in_dim3A_411 = vector.shape_cast %select_n3A_410 : vector<16xi32> to vector<16x1xi32>
          %gather3A_412 = vector.shape_cast %broadcast_in_dim3A_411 : vector<16x1xi32> to vector<16xi32>
          %gather3A_413 = tpu.dynamic_gather %mul3A_259[%gather3A_412] in [0] : vector<16xi32>, vector<16xi32> -> vector<16xi32>
          %add3A_414 = arith.addi %gather3A_413, %iota3A : vector<16xi32>
          %lt3A_415 = arith.constant 0 : i32
          %lt3A_416 = vector.broadcast %lt3A_415 : i32 to vector<16xi32>
          %lt3A_417 = arith.cmpi slt, %add3A_285, %lt3A_416 : vector<16xi32>
          %add3A_418 = arith.constant 16 : i32
          %add3A_419 = vector.broadcast %add3A_418 : i32 to vector<16xi32>
          %add3A_420 = arith.addi %add3A_285, %add3A_419 : vector<16xi32>
          %select_n3A_421 = arith.select %lt3A_417, %add3A_420, %add3A_285 : vector<16xi1>, vector<16xi32>
          %broadcast_in_dim3A_422 = vector.shape_cast %select_n3A_421 : vector<16xi32> to vector<16x1xi32>
          %gather3A_423 = vector.shape_cast %broadcast_in_dim3A_422 : vector<16x1xi32> to vector<16xi32>
          %gather3A_424 = tpu.dynamic_gather %mul3A_262[%gather3A_423] in [0] : vector<16xi32>, vector<16xi32> -> vector<16xi32>
          %add3A_425 = arith.addi %gather3A_424, %iota3A : vector<16xi32>
          %lt3A_426 = arith.constant 0 : i32
          %lt3A_427 = vector.broadcast %lt3A_426 : i32 to vector<16xi32>
          %lt3A_428 = arith.cmpi slt, %add3A_285, %lt3A_427 : vector<16xi32>
          %add3A_429 = arith.constant 16 : i32
          %add3A_430 = vector.broadcast %add3A_429 : i32 to vector<16xi32>
          %add3A_431 = arith.addi %add3A_285, %add3A_430 : vector<16xi32>
          %select_n3A_432 = arith.select %lt3A_428, %add3A_431, %add3A_285 : vector<16xi1>, vector<16xi32>
          %broadcast_in_dim3A_433 = vector.shape_cast %select_n3A_432 : vector<16xi32> to vector<16x1xi32>
          %gather3A_434 = vector.shape_cast %broadcast_in_dim3A_433 : vector<16x1xi32> to vector<16xi32>
          %gather3A_435 = tpu.dynamic_gather %mul3A_265[%gather3A_434] in [0] : vector<16xi32>, vector<16xi32> -> vector<16xi32>
          %add3A_436 = arith.addi %gather3A_435, %iota3A : vector<16xi32>
          %lt3A_437 = arith.constant 0 : i32
          %lt3A_438 = vector.broadcast %lt3A_437 : i32 to vector<16xi32>
          %lt3A_439 = arith.cmpi slt, %add3A_285, %lt3A_438 : vector<16xi32>
          %add3A_440 = arith.constant 16 : i32
          %add3A_441 = vector.broadcast %add3A_440 : i32 to vector<16xi32>
          %add3A_442 = arith.addi %add3A_285, %add3A_441 : vector<16xi32>
          %select_n3A_443 = arith.select %lt3A_439, %add3A_442, %add3A_285 : vector<16xi1>, vector<16xi32>
          %broadcast_in_dim3A_444 = vector.shape_cast %select_n3A_443 : vector<16xi32> to vector<16x1xi32>
          %gather3A_445 = vector.shape_cast %broadcast_in_dim3A_444 : vector<16x1xi32> to vector<16xi32>
          %gather3A_446 = tpu.dynamic_gather %mul3A_268[%gather3A_445] in [0] : vector<16xi32>, vector<16xi32> -> vector<16xi32>
          %add3A_447 = arith.addi %gather3A_446, %iota3A : vector<16xi32>
          %lt3A_448 = arith.constant 0 : i32
          %lt3A_449 = vector.broadcast %lt3A_448 : i32 to vector<16xi32>
          %lt3A_450 = arith.cmpi slt, %add3A_285, %lt3A_449 : vector<16xi32>
          %add3A_451 = arith.constant 16 : i32
          %add3A_452 = vector.broadcast %add3A_451 : i32 to vector<16xi32>
          %add3A_453 = arith.addi %add3A_285, %add3A_452 : vector<16xi32>
          %select_n3A_454 = arith.select %lt3A_450, %add3A_453, %add3A_285 : vector<16xi1>, vector<16xi32>
          %broadcast_in_dim3A_455 = vector.shape_cast %select_n3A_454 : vector<16xi32> to vector<16x1xi32>
          %gather3A_456 = vector.shape_cast %broadcast_in_dim3A_455 : vector<16x1xi32> to vector<16xi32>
          %gather3A_457 = tpu.dynamic_gather %mul3A_271[%gather3A_456] in [0] : vector<16xi32>, vector<16xi32> -> vector<16xi32>
          %add3A_458 = arith.addi %gather3A_457, %iota3A : vector<16xi32>
          %mul3A_459 = arith.constant 16 : i32
          %mul3A_460 = arith.muli %scan3A_51, %mul3A_459 : i32
          %add3A_461 = arith.addi %mul3A_460, %add3A_283 : i32
          %mul3A_462 = arith.constant 128 : i32
          %mul3A_463 = arith.muli %add3A_461, %mul3A_462 : i32
          %gather3A_464 = arith.constant 0 : i32
          %gather3A_465 = tpu.memref_slice %arg6[%gather3A_464] : memref<99328xf32, #tpu.memory_space<vmem>> -> memref<99328xf32, #tpu.memory_space<vmem>>
          %gather3A_466 = tpu.vector_load_idx %gather3A_465[%add3A_293] : memref<99328xf32, #tpu.memory_space<vmem>>[vector<16xi32>], vector<16xf32>,
          %gather3A_467 = arith.constant 0 : i32
          %gather3A_468 = tpu.memref_slice %arg6[%gather3A_467] : memref<99328xf32, #tpu.memory_space<vmem>> -> memref<99328xf32, #tpu.memory_space<vmem>>
          %gather3A_469 = tpu.vector_load_idx %gather3A_468[%add3A_304] : memref<99328xf32, #tpu.memory_space<vmem>>[vector<16xi32>], vector<16xf32>,
          %gather3A_470 = arith.constant 0 : i32
          %gather3A_471 = tpu.memref_slice %arg6[%gather3A_470] : memref<99328xf32, #tpu.memory_space<vmem>> -> memref<99328xf32, #tpu.memory_space<vmem>>
          %gather3A_472 = tpu.vector_load_idx %gather3A_471[%add3A_315] : memref<99328xf32, #tpu.memory_space<vmem>>[vector<16xi32>], vector<16xf32>,
          %gather3A_473 = arith.constant 0 : i32
          %gather3A_474 = tpu.memref_slice %arg6[%gather3A_473] : memref<99328xf32, #tpu.memory_space<vmem>> -> memref<99328xf32, #tpu.memory_space<vmem>>
          %gather3A_475 = tpu.vector_load_idx %gather3A_474[%add3A_326] : memref<99328xf32, #tpu.memory_space<vmem>>[vector<16xi32>], vector<16xf32>,
          %gather3A_476 = arith.constant 0 : i32
          %gather3A_477 = tpu.memref_slice %arg6[%gather3A_476] : memref<99328xf32, #tpu.memory_space<vmem>> -> memref<99328xf32, #tpu.memory_space<vmem>>
          %gather3A_478 = tpu.vector_load_idx %gather3A_477[%add3A_337] : memref<99328xf32, #tpu.memory_space<vmem>>[vector<16xi32>], vector<16xf32>,
          %gather3A_479 = arith.constant 0 : i32
          %gather3A_480 = tpu.memref_slice %arg6[%gather3A_479] : memref<99328xf32, #tpu.memory_space<vmem>> -> memref<99328xf32, #tpu.memory_space<vmem>>
          %gather3A_481 = tpu.vector_load_idx %gather3A_480[%add3A_348] : memref<99328xf32, #tpu.memory_space<vmem>>[vector<16xi32>], vector<16xf32>,
          %gather3A_482 = arith.constant 0 : i32
          %gather3A_483 = tpu.memref_slice %arg6[%gather3A_482] : memref<99328xf32, #tpu.memory_space<vmem>> -> memref<99328xf32, #tpu.memory_space<vmem>>
          %gather3A_484 = tpu.vector_load_idx %gather3A_483[%add3A_359] : memref<99328xf32, #tpu.memory_space<vmem>>[vector<16xi32>], vector<16xf32>,
          %gather3A_485 = arith.constant 0 : i32
          %gather3A_486 = tpu.memref_slice %arg6[%gather3A_485] : memref<99328xf32, #tpu.memory_space<vmem>> -> memref<99328xf32, #tpu.memory_space<vmem>>
          %gather3A_487 = tpu.vector_load_idx %gather3A_486[%add3A_370] : memref<99328xf32, #tpu.memory_space<vmem>>[vector<16xi32>], vector<16xf32>,
          %gather3A_488 = arith.constant 0 : i32
          %gather3A_489 = tpu.memref_slice %arg6[%gather3A_488] : memref<99328xf32, #tpu.memory_space<vmem>> -> memref<99328xf32, #tpu.memory_space<vmem>>
          %gather3A_490 = tpu.vector_load_idx %gather3A_489[%add3A_381] : memref<99328xf32, #tpu.memory_space<vmem>>[vector<16xi32>], vector<16xf32>,
          %gather3A_491 = arith.constant 0 : i32
          %gather3A_492 = tpu.memref_slice %arg6[%gather3A_491] : memref<99328xf32, #tpu.memory_space<vmem>> -> memref<99328xf32, #tpu.memory_space<vmem>>
          %gather3A_493 = tpu.vector_load_idx %gather3A_492[%add3A_392] : memref<99328xf32, #tpu.memory_space<vmem>>[vector<16xi32>], vector<16xf32>,
          %gather3A_494 = arith.constant 0 : i32
          %gather3A_495 = tpu.memref_slice %arg6[%gather3A_494] : memref<99328xf32, #tpu.memory_space<vmem>> -> memref<99328xf32, #tpu.memory_space<vmem>>
          %gather3A_496 = tpu.vector_load_idx %gather3A_495[%add3A_403] : memref<99328xf32, #tpu.memory_space<vmem>>[vector<16xi32>], vector<16xf32>,
          %gather3A_497 = arith.constant 0 : i32
          %gather3A_498 = tpu.memref_slice %arg6[%gather3A_497] : memref<99328xf32, #tpu.memory_space<vmem>> -> memref<99328xf32, #tpu.memory_space<vmem>>
          %gather3A_499 = tpu.vector_load_idx %gather3A_498[%add3A_414] : memref<99328xf32, #tpu.memory_space<vmem>>[vector<16xi32>], vector<16xf32>,
          %gather3A_500 = arith.constant 0 : i32
          %gather3A_501 = tpu.memref_slice %arg6[%gather3A_500] : memref<99328xf32, #tpu.memory_space<vmem>> -> memref<99328xf32, #tpu.memory_space<vmem>>
          %gather3A_502 = tpu.vector_load_idx %gather3A_501[%add3A_425] : memref<99328xf32, #tpu.memory_space<vmem>>[vector<16xi32>], vector<16xf32>,
          %gather3A_503 = arith.constant 0 : i32
          %gather3A_504 = tpu.memref_slice %arg6[%gather3A_503] : memref<99328xf32, #tpu.memory_space<vmem>> -> memref<99328xf32, #tpu.memory_space<vmem>>
          %gather3A_505 = tpu.vector_load_idx %gather3A_504[%add3A_436] : memref<99328xf32, #tpu.memory_space<vmem>>[vector<16xi32>], vector<16xf32>,
          %gather3A_506 = arith.constant 0 : i32
          %gather3A_507 = tpu.memref_slice %arg6[%gather3A_506] : memref<99328xf32, #tpu.memory_space<vmem>> -> memref<99328xf32, #tpu.memory_space<vmem>>
          %gather3A_508 = tpu.vector_load_idx %gather3A_507[%add3A_447] : memref<99328xf32, #tpu.memory_space<vmem>>[vector<16xi32>], vector<16xf32>,
          %gather3A_509 = arith.constant 0 : i32
          %gather3A_510 = tpu.memref_slice %arg6[%gather3A_509] : memref<99328xf32, #tpu.memory_space<vmem>> -> memref<99328xf32, #tpu.memory_space<vmem>>
          %gather3A_511 = tpu.vector_load_idx %gather3A_510[%add3A_458] : memref<99328xf32, #tpu.memory_space<vmem>>[vector<16xi32>], vector<16xf32>,
          %gather3A_512 = arith.constant 16 : i32
          %gather3A_513 = tpu.memref_slice %arg6[%gather3A_512] : memref<99328xf32, #tpu.memory_space<vmem>> -> memref<99312xf32, #tpu.memory_space<vmem>>
          %gather3A_514 = tpu.vector_load_idx %gather3A_513[%add3A_293] : memref<99312xf32, #tpu.memory_space<vmem>>[vector<16xi32>], vector<16xf32>,
          %gather3A_515 = arith.constant 16 : i32
          %gather3A_516 = tpu.memref_slice %arg6[%gather3A_515] : memref<99328xf32, #tpu.memory_space<vmem>> -> memref<99312xf32, #tpu.memory_space<vmem>>
          %gather3A_517 = tpu.vector_load_idx %gather3A_516[%add3A_304] : memref<99312xf32, #tpu.memory_space<vmem>>[vector<16xi32>], vector<16xf32>,
          %gather3A_518 = arith.constant 16 : i32
          %gather3A_519 = tpu.memref_slice %arg6[%gather3A_518] : memref<99328xf32, #tpu.memory_space<vmem>> -> memref<99312xf32, #tpu.memory_space<vmem>>
          %gather3A_520 = tpu.vector_load_idx %gather3A_519[%add3A_315] : memref<99312xf32, #tpu.memory_space<vmem>>[vector<16xi32>], vector<16xf32>,
          %gather3A_521 = arith.constant 16 : i32
          %gather3A_522 = tpu.memref_slice %arg6[%gather3A_521] : memref<99328xf32, #tpu.memory_space<vmem>> -> memref<99312xf32, #tpu.memory_space<vmem>>
          %gather3A_523 = tpu.vector_load_idx %gather3A_522[%add3A_326] : memref<99312xf32, #tpu.memory_space<vmem>>[vector<16xi32>], vector<16xf32>,
          %gather3A_524 = arith.constant 16 : i32
          %gather3A_525 = tpu.memref_slice %arg6[%gather3A_524] : memref<99328xf32, #tpu.memory_space<vmem>> -> memref<99312xf32, #tpu.memory_space<vmem>>
          %gather3A_526 = tpu.vector_load_idx %gather3A_525[%add3A_337] : memref<99312xf32, #tpu.memory_space<vmem>>[vector<16xi32>], vector<16xf32>,
          %gather3A_527 = arith.constant 16 : i32
          %gather3A_528 = tpu.memref_slice %arg6[%gather3A_527] : memref<99328xf32, #tpu.memory_space<vmem>> -> memref<99312xf32, #tpu.memory_space<vmem>>
          %gather3A_529 = tpu.vector_load_idx %gather3A_528[%add3A_348] : memref<99312xf32, #tpu.memory_space<vmem>>[vector<16xi32>], vector<16xf32>,
          %gather3A_530 = arith.constant 16 : i32
          %gather3A_531 = tpu.memref_slice %arg6[%gather3A_530] : memref<99328xf32, #tpu.memory_space<vmem>> -> memref<99312xf32, #tpu.memory_space<vmem>>
          %gather3A_532 = tpu.vector_load_idx %gather3A_531[%add3A_359] : memref<99312xf32, #tpu.memory_space<vmem>>[vector<16xi32>], vector<16xf32>,
          %gather3A_533 = arith.constant 16 : i32
          %gather3A_534 = tpu.memref_slice %arg6[%gather3A_533] : memref<99328xf32, #tpu.memory_space<vmem>> -> memref<99312xf32, #tpu.memory_space<vmem>>
          %gather3A_535 = tpu.vector_load_idx %gather3A_534[%add3A_370] : memref<99312xf32, #tpu.memory_space<vmem>>[vector<16xi32>], vector<16xf32>,
          %gather3A_536 = arith.constant 16 : i32
          %gather3A_537 = tpu.memref_slice %arg6[%gather3A_536] : memref<99328xf32, #tpu.memory_space<vmem>> -> memref<99312xf32, #tpu.memory_space<vmem>>
          %gather3A_538 = tpu.vector_load_idx %gather3A_537[%add3A_381] : memref<99312xf32, #tpu.memory_space<vmem>>[vector<16xi32>], vector<16xf32>,
          %gather3A_539 = arith.constant 16 : i32
          %gather3A_540 = tpu.memref_slice %arg6[%gather3A_539] : memref<99328xf32, #tpu.memory_space<vmem>> -> memref<99312xf32, #tpu.memory_space<vmem>>
          %gather3A_541 = tpu.vector_load_idx %gather3A_540[%add3A_392] : memref<99312xf32, #tpu.memory_space<vmem>>[vector<16xi32>], vector<16xf32>,
          %gather3A_542 = arith.constant 16 : i32
          %gather3A_543 = tpu.memref_slice %arg6[%gather3A_542] : memref<99328xf32, #tpu.memory_space<vmem>> -> memref<99312xf32, #tpu.memory_space<vmem>>
          %gather3A_544 = tpu.vector_load_idx %gather3A_543[%add3A_403] : memref<99312xf32, #tpu.memory_space<vmem>>[vector<16xi32>], vector<16xf32>,
          %gather3A_545 = arith.constant 16 : i32
          %gather3A_546 = tpu.memref_slice %arg6[%gather3A_545] : memref<99328xf32, #tpu.memory_space<vmem>> -> memref<99312xf32, #tpu.memory_space<vmem>>
          %gather3A_547 = tpu.vector_load_idx %gather3A_546[%add3A_414] : memref<99312xf32, #tpu.memory_space<vmem>>[vector<16xi32>], vector<16xf32>,
          %gather3A_548 = arith.constant 16 : i32
          %gather3A_549 = tpu.memref_slice %arg6[%gather3A_548] : memref<99328xf32, #tpu.memory_space<vmem>> -> memref<99312xf32, #tpu.memory_space<vmem>>
          %gather3A_550 = tpu.vector_load_idx %gather3A_549[%add3A_425] : memref<99312xf32, #tpu.memory_space<vmem>>[vector<16xi32>], vector<16xf32>,
          %gather3A_551 = arith.constant 16 : i32
          %gather3A_552 = tpu.memref_slice %arg6[%gather3A_551] : memref<99328xf32, #tpu.memory_space<vmem>> -> memref<99312xf32, #tpu.memory_space<vmem>>
          %gather3A_553 = tpu.vector_load_idx %gather3A_552[%add3A_436] : memref<99312xf32, #tpu.memory_space<vmem>>[vector<16xi32>], vector<16xf32>,
          %gather3A_554 = arith.constant 16 : i32
          %gather3A_555 = tpu.memref_slice %arg6[%gather3A_554] : memref<99328xf32, #tpu.memory_space<vmem>> -> memref<99312xf32, #tpu.memory_space<vmem>>
          %gather3A_556 = tpu.vector_load_idx %gather3A_555[%add3A_447] : memref<99312xf32, #tpu.memory_space<vmem>>[vector<16xi32>], vector<16xf32>,
          %gather3A_557 = arith.constant 16 : i32
          %gather3A_558 = tpu.memref_slice %arg6[%gather3A_557] : memref<99328xf32, #tpu.memory_space<vmem>> -> memref<99312xf32, #tpu.memory_space<vmem>>
          %gather3A_559 = tpu.vector_load_idx %gather3A_558[%add3A_458] : memref<99312xf32, #tpu.memory_space<vmem>>[vector<16xi32>], vector<16xf32>,
          %add3A_560 = arith.addf %gather3A_466, %gather3A_469 : vector<16xf32>
          %add3A_561 = arith.addf %gather3A_472, %gather3A_475 : vector<16xf32>
          %add3A_562 = arith.addf %gather3A_478, %gather3A_481 : vector<16xf32>
          %add3A_563 = arith.addf %gather3A_484, %gather3A_487 : vector<16xf32>
          %add3A_564 = arith.addf %gather3A_490, %gather3A_493 : vector<16xf32>
          %add3A_565 = arith.addf %gather3A_496, %gather3A_499 : vector<16xf32>
          %add3A_566 = arith.addf %gather3A_502, %gather3A_505 : vector<16xf32>
          %add3A_567 = arith.addf %gather3A_508, %gather3A_511 : vector<16xf32>
          %add3A_568 = arith.addf %gather3A_514, %gather3A_517 : vector<16xf32>
          %add3A_569 = arith.addf %gather3A_520, %gather3A_523 : vector<16xf32>
          %add3A_570 = arith.addf %gather3A_526, %gather3A_529 : vector<16xf32>
          %add3A_571 = arith.addf %gather3A_532, %gather3A_535 : vector<16xf32>
          %add3A_572 = arith.addf %gather3A_538, %gather3A_541 : vector<16xf32>
          %add3A_573 = arith.addf %gather3A_544, %gather3A_547 : vector<16xf32>
          %add3A_574 = arith.addf %gather3A_550, %gather3A_553 : vector<16xf32>
          %add3A_575 = arith.addf %gather3A_556, %gather3A_559 : vector<16xf32>
          %add3A_576 = arith.addf %add3A_560, %add3A_561 : vector<16xf32>
          %add3A_577 = arith.addf %add3A_562, %add3A_563 : vector<16xf32>
          %add3A_578 = arith.addf %add3A_564, %add3A_565 : vector<16xf32>
          %add3A_579 = arith.addf %add3A_566, %add3A_567 : vector<16xf32>
          %add3A_580 = arith.addf %add3A_568, %add3A_569 : vector<16xf32>
          %add3A_581 = arith.addf %add3A_570, %add3A_571 : vector<16xf32>
          %add3A_582 = arith.addf %add3A_572, %add3A_573 : vector<16xf32>
          %add3A_583 = arith.addf %add3A_574, %add3A_575 : vector<16xf32>
          %add3A_584 = arith.addf %add3A_576, %add3A_577 : vector<16xf32>
          %add3A_585 = arith.addf %add3A_578, %add3A_579 : vector<16xf32>
          %add3A_586 = arith.addf %add3A_584, %add3A_585 : vector<16xf32>
          %add3A_587 = arith.constant 0 : i32
          %add3A_588 = arith.addi %mul3A_463, %add3A_587 : i32
          %swap3A = arith.index_cast %add3A_588 : i32 to index
          %swap3A_589 = tpu.vector_load %arg9[%swap3A] {strides = array<i32>} : memref<16384xf32, #tpu.memory_space<vmem>>, vector<16xf32>,
          tpu.vector_store %arg9[%swap3A], %add3A_586 {strides = array<i32>} : memref<16384xf32, #tpu.memory_space<vmem>>, vector<16xf32>,
          %add3A_590 = arith.addf %add3A_580, %add3A_581 : vector<16xf32>
          %add3A_591 = arith.addf %add3A_582, %add3A_583 : vector<16xf32>
          %add3A_592 = arith.addf %add3A_590, %add3A_591 : vector<16xf32>
          %add3A_593 = arith.constant 0 : i32
          %add3A_594 = arith.addi %mul3A_463, %add3A_593 : i32
          %add3A_595 = arith.constant 16 : i32
          %add3A_596 = arith.addi %add3A_594, %add3A_595 : i32
          %swap3A_597 = arith.index_cast %add3A_596 : i32 to index
          %swap3A_598 = tpu.vector_load %arg9[%swap3A_597] {strides = array<i32>} : memref<16384xf32, #tpu.memory_space<vmem>>, vector<16xf32>,
          tpu.vector_store %arg9[%swap3A_597], %add3A_592 {strides = array<i32>} : memref<16384xf32, #tpu.memory_space<vmem>>, vector<16xf32>,
          %gather3A_599 = arith.constant 32 : i32
          %gather3A_600 = tpu.memref_slice %arg6[%gather3A_599] : memref<99328xf32, #tpu.memory_space<vmem>> -> memref<99296xf32, #tpu.memory_space<vmem>>
          %gather3A_601 = tpu.vector_load_idx %gather3A_600[%add3A_293] : memref<99296xf32, #tpu.memory_space<vmem>>[vector<16xi32>], vector<16xf32>,
          %gather3A_602 = arith.constant 32 : i32
          %gather3A_603 = tpu.memref_slice %arg6[%gather3A_602] : memref<99328xf32, #tpu.memory_space<vmem>> -> memref<99296xf32, #tpu.memory_space<vmem>>
          %gather3A_604 = tpu.vector_load_idx %gather3A_603[%add3A_304] : memref<99296xf32, #tpu.memory_space<vmem>>[vector<16xi32>], vector<16xf32>,
          %gather3A_605 = arith.constant 32 : i32
          %gather3A_606 = tpu.memref_slice %arg6[%gather3A_605] : memref<99328xf32, #tpu.memory_space<vmem>> -> memref<99296xf32, #tpu.memory_space<vmem>>
          %gather3A_607 = tpu.vector_load_idx %gather3A_606[%add3A_315] : memref<99296xf32, #tpu.memory_space<vmem>>[vector<16xi32>], vector<16xf32>,
          %gather3A_608 = arith.constant 32 : i32
          %gather3A_609 = tpu.memref_slice %arg6[%gather3A_608] : memref<99328xf32, #tpu.memory_space<vmem>> -> memref<99296xf32, #tpu.memory_space<vmem>>
          %gather3A_610 = tpu.vector_load_idx %gather3A_609[%add3A_326] : memref<99296xf32, #tpu.memory_space<vmem>>[vector<16xi32>], vector<16xf32>,
          %gather3A_611 = arith.constant 32 : i32
          %gather3A_612 = tpu.memref_slice %arg6[%gather3A_611] : memref<99328xf32, #tpu.memory_space<vmem>> -> memref<99296xf32, #tpu.memory_space<vmem>>
          %gather3A_613 = tpu.vector_load_idx %gather3A_612[%add3A_337] : memref<99296xf32, #tpu.memory_space<vmem>>[vector<16xi32>], vector<16xf32>,
          %gather3A_614 = arith.constant 32 : i32
          %gather3A_615 = tpu.memref_slice %arg6[%gather3A_614] : memref<99328xf32, #tpu.memory_space<vmem>> -> memref<99296xf32, #tpu.memory_space<vmem>>
          %gather3A_616 = tpu.vector_load_idx %gather3A_615[%add3A_348] : memref<99296xf32, #tpu.memory_space<vmem>>[vector<16xi32>], vector<16xf32>,
          %gather3A_617 = arith.constant 32 : i32
          %gather3A_618 = tpu.memref_slice %arg6[%gather3A_617] : memref<99328xf32, #tpu.memory_space<vmem>> -> memref<99296xf32, #tpu.memory_space<vmem>>
          %gather3A_619 = tpu.vector_load_idx %gather3A_618[%add3A_359] : memref<99296xf32, #tpu.memory_space<vmem>>[vector<16xi32>], vector<16xf32>,
          %gather3A_620 = arith.constant 32 : i32
          %gather3A_621 = tpu.memref_slice %arg6[%gather3A_620] : memref<99328xf32, #tpu.memory_space<vmem>> -> memref<99296xf32, #tpu.memory_space<vmem>>
          %gather3A_622 = tpu.vector_load_idx %gather3A_621[%add3A_370] : memref<99296xf32, #tpu.memory_space<vmem>>[vector<16xi32>], vector<16xf32>,
          %gather3A_623 = arith.constant 32 : i32
          %gather3A_624 = tpu.memref_slice %arg6[%gather3A_623] : memref<99328xf32, #tpu.memory_space<vmem>> -> memref<99296xf32, #tpu.memory_space<vmem>>
          %gather3A_625 = tpu.vector_load_idx %gather3A_624[%add3A_381] : memref<99296xf32, #tpu.memory_space<vmem>>[vector<16xi32>], vector<16xf32>,
          %gather3A_626 = arith.constant 32 : i32
          %gather3A_627 = tpu.memref_slice %arg6[%gather3A_626] : memref<99328xf32, #tpu.memory_space<vmem>> -> memref<99296xf32, #tpu.memory_space<vmem>>
          %gather3A_628 = tpu.vector_load_idx %gather3A_627[%add3A_392] : memref<99296xf32, #tpu.memory_space<vmem>>[vector<16xi32>], vector<16xf32>,
          %gather3A_629 = arith.constant 32 : i32
          %gather3A_630 = tpu.memref_slice %arg6[%gather3A_629] : memref<99328xf32, #tpu.memory_space<vmem>> -> memref<99296xf32, #tpu.memory_space<vmem>>
          %gather3A_631 = tpu.vector_load_idx %gather3A_630[%add3A_403] : memref<99296xf32, #tpu.memory_space<vmem>>[vector<16xi32>], vector<16xf32>,
          %gather3A_632 = arith.constant 32 : i32
          %gather3A_633 = tpu.memref_slice %arg6[%gather3A_632] : memref<99328xf32, #tpu.memory_space<vmem>> -> memref<99296xf32, #tpu.memory_space<vmem>>
          %gather3A_634 = tpu.vector_load_idx %gather3A_633[%add3A_414] : memref<99296xf32, #tpu.memory_space<vmem>>[vector<16xi32>], vector<16xf32>,
          %gather3A_635 = arith.constant 32 : i32
          %gather3A_636 = tpu.memref_slice %arg6[%gather3A_635] : memref<99328xf32, #tpu.memory_space<vmem>> -> memref<99296xf32, #tpu.memory_space<vmem>>
          %gather3A_637 = tpu.vector_load_idx %gather3A_636[%add3A_425] : memref<99296xf32, #tpu.memory_space<vmem>>[vector<16xi32>], vector<16xf32>,
          %gather3A_638 = arith.constant 32 : i32
          %gather3A_639 = tpu.memref_slice %arg6[%gather3A_638] : memref<99328xf32, #tpu.memory_space<vmem>> -> memref<99296xf32, #tpu.memory_space<vmem>>
          %gather3A_640 = tpu.vector_load_idx %gather3A_639[%add3A_436] : memref<99296xf32, #tpu.memory_space<vmem>>[vector<16xi32>], vector<16xf32>,
          %gather3A_641 = arith.constant 32 : i32
          %gather3A_642 = tpu.memref_slice %arg6[%gather3A_641] : memref<99328xf32, #tpu.memory_space<vmem>> -> memref<99296xf32, #tpu.memory_space<vmem>>
          %gather3A_643 = tpu.vector_load_idx %gather3A_642[%add3A_447] : memref<99296xf32, #tpu.memory_space<vmem>>[vector<16xi32>], vector<16xf32>,
          %gather3A_644 = arith.constant 32 : i32
          %gather3A_645 = tpu.memref_slice %arg6[%gather3A_644] : memref<99328xf32, #tpu.memory_space<vmem>> -> memref<99296xf32, #tpu.memory_space<vmem>>
          %gather3A_646 = tpu.vector_load_idx %gather3A_645[%add3A_458] : memref<99296xf32, #tpu.memory_space<vmem>>[vector<16xi32>], vector<16xf32>,
          %gather3A_647 = arith.constant 48 : i32
          %gather3A_648 = tpu.memref_slice %arg6[%gather3A_647] : memref<99328xf32, #tpu.memory_space<vmem>> -> memref<99280xf32, #tpu.memory_space<vmem>>
          %gather3A_649 = tpu.vector_load_idx %gather3A_648[%add3A_293] : memref<99280xf32, #tpu.memory_space<vmem>>[vector<16xi32>], vector<16xf32>,
          %gather3A_650 = arith.constant 48 : i32
          %gather3A_651 = tpu.memref_slice %arg6[%gather3A_650] : memref<99328xf32, #tpu.memory_space<vmem>> -> memref<99280xf32, #tpu.memory_space<vmem>>
          %gather3A_652 = tpu.vector_load_idx %gather3A_651[%add3A_304] : memref<99280xf32, #tpu.memory_space<vmem>>[vector<16xi32>], vector<16xf32>,
          %gather3A_653 = arith.constant 48 : i32
          %gather3A_654 = tpu.memref_slice %arg6[%gather3A_653] : memref<99328xf32, #tpu.memory_space<vmem>> -> memref<99280xf32, #tpu.memory_space<vmem>>
          %gather3A_655 = tpu.vector_load_idx %gather3A_654[%add3A_315] : memref<99280xf32, #tpu.memory_space<vmem>>[vector<16xi32>], vector<16xf32>,
          %gather3A_656 = arith.constant 48 : i32
          %gather3A_657 = tpu.memref_slice %arg6[%gather3A_656] : memref<99328xf32, #tpu.memory_space<vmem>> -> memref<99280xf32, #tpu.memory_space<vmem>>
          %gather3A_658 = tpu.vector_load_idx %gather3A_657[%add3A_326] : memref<99280xf32, #tpu.memory_space<vmem>>[vector<16xi32>], vector<16xf32>,
          %gather3A_659 = arith.constant 48 : i32
          %gather3A_660 = tpu.memref_slice %arg6[%gather3A_659] : memref<99328xf32, #tpu.memory_space<vmem>> -> memref<99280xf32, #tpu.memory_space<vmem>>
          %gather3A_661 = tpu.vector_load_idx %gather3A_660[%add3A_337] : memref<99280xf32, #tpu.memory_space<vmem>>[vector<16xi32>], vector<16xf32>,
          %gather3A_662 = arith.constant 48 : i32
          %gather3A_663 = tpu.memref_slice %arg6[%gather3A_662] : memref<99328xf32, #tpu.memory_space<vmem>> -> memref<99280xf32, #tpu.memory_space<vmem>>
          %gather3A_664 = tpu.vector_load_idx %gather3A_663[%add3A_348] : memref<99280xf32, #tpu.memory_space<vmem>>[vector<16xi32>], vector<16xf32>,
          %gather3A_665 = arith.constant 48 : i32
          %gather3A_666 = tpu.memref_slice %arg6[%gather3A_665] : memref<99328xf32, #tpu.memory_space<vmem>> -> memref<99280xf32, #tpu.memory_space<vmem>>
          %gather3A_667 = tpu.vector_load_idx %gather3A_666[%add3A_359] : memref<99280xf32, #tpu.memory_space<vmem>>[vector<16xi32>], vector<16xf32>,
          %gather3A_668 = arith.constant 48 : i32
          %gather3A_669 = tpu.memref_slice %arg6[%gather3A_668] : memref<99328xf32, #tpu.memory_space<vmem>> -> memref<99280xf32, #tpu.memory_space<vmem>>
          %gather3A_670 = tpu.vector_load_idx %gather3A_669[%add3A_370] : memref<99280xf32, #tpu.memory_space<vmem>>[vector<16xi32>], vector<16xf32>,
          %gather3A_671 = arith.constant 48 : i32
          %gather3A_672 = tpu.memref_slice %arg6[%gather3A_671] : memref<99328xf32, #tpu.memory_space<vmem>> -> memref<99280xf32, #tpu.memory_space<vmem>>
          %gather3A_673 = tpu.vector_load_idx %gather3A_672[%add3A_381] : memref<99280xf32, #tpu.memory_space<vmem>>[vector<16xi32>], vector<16xf32>,
          %gather3A_674 = arith.constant 48 : i32
          %gather3A_675 = tpu.memref_slice %arg6[%gather3A_674] : memref<99328xf32, #tpu.memory_space<vmem>> -> memref<99280xf32, #tpu.memory_space<vmem>>
          %gather3A_676 = tpu.vector_load_idx %gather3A_675[%add3A_392] : memref<99280xf32, #tpu.memory_space<vmem>>[vector<16xi32>], vector<16xf32>,
          %gather3A_677 = arith.constant 48 : i32
          %gather3A_678 = tpu.memref_slice %arg6[%gather3A_677] : memref<99328xf32, #tpu.memory_space<vmem>> -> memref<99280xf32, #tpu.memory_space<vmem>>
          %gather3A_679 = tpu.vector_load_idx %gather3A_678[%add3A_403] : memref<99280xf32, #tpu.memory_space<vmem>>[vector<16xi32>], vector<16xf32>,
          %gather3A_680 = arith.constant 48 : i32
          %gather3A_681 = tpu.memref_slice %arg6[%gather3A_680] : memref<99328xf32, #tpu.memory_space<vmem>> -> memref<99280xf32, #tpu.memory_space<vmem>>
          %gather3A_682 = tpu.vector_load_idx %gather3A_681[%add3A_414] : memref<99280xf32, #tpu.memory_space<vmem>>[vector<16xi32>], vector<16xf32>,
          %gather3A_683 = arith.constant 48 : i32
          %gather3A_684 = tpu.memref_slice %arg6[%gather3A_683] : memref<99328xf32, #tpu.memory_space<vmem>> -> memref<99280xf32, #tpu.memory_space<vmem>>
          %gather3A_685 = tpu.vector_load_idx %gather3A_684[%add3A_425] : memref<99280xf32, #tpu.memory_space<vmem>>[vector<16xi32>], vector<16xf32>,
          %gather3A_686 = arith.constant 48 : i32
          %gather3A_687 = tpu.memref_slice %arg6[%gather3A_686] : memref<99328xf32, #tpu.memory_space<vmem>> -> memref<99280xf32, #tpu.memory_space<vmem>>
          %gather3A_688 = tpu.vector_load_idx %gather3A_687[%add3A_436] : memref<99280xf32, #tpu.memory_space<vmem>>[vector<16xi32>], vector<16xf32>,
          %gather3A_689 = arith.constant 48 : i32
          %gather3A_690 = tpu.memref_slice %arg6[%gather3A_689] : memref<99328xf32, #tpu.memory_space<vmem>> -> memref<99280xf32, #tpu.memory_space<vmem>>
          %gather3A_691 = tpu.vector_load_idx %gather3A_690[%add3A_447] : memref<99280xf32, #tpu.memory_space<vmem>>[vector<16xi32>], vector<16xf32>,
          %gather3A_692 = arith.constant 48 : i32
          %gather3A_693 = tpu.memref_slice %arg6[%gather3A_692] : memref<99328xf32, #tpu.memory_space<vmem>> -> memref<99280xf32, #tpu.memory_space<vmem>>
          %gather3A_694 = tpu.vector_load_idx %gather3A_693[%add3A_458] : memref<99280xf32, #tpu.memory_space<vmem>>[vector<16xi32>], vector<16xf32>,
          %add3A_695 = arith.addf %gather3A_601, %gather3A_604 : vector<16xf32>
          %add3A_696 = arith.addf %gather3A_607, %gather3A_610 : vector<16xf32>
          %add3A_697 = arith.addf %gather3A_613, %gather3A_616 : vector<16xf32>
          %add3A_698 = arith.addf %gather3A_619, %gather3A_622 : vector<16xf32>
          %add3A_699 = arith.addf %gather3A_625, %gather3A_628 : vector<16xf32>
          %add3A_700 = arith.addf %gather3A_631, %gather3A_634 : vector<16xf32>
          %add3A_701 = arith.addf %gather3A_637, %gather3A_640 : vector<16xf32>
          %add3A_702 = arith.addf %gather3A_643, %gather3A_646 : vector<16xf32>
          %add3A_703 = arith.addf %gather3A_649, %gather3A_652 : vector<16xf32>
          %add3A_704 = arith.addf %gather3A_655, %gather3A_658 : vector<16xf32>
          %add3A_705 = arith.addf %gather3A_661, %gather3A_664 : vector<16xf32>
          %add3A_706 = arith.addf %gather3A_667, %gather3A_670 : vector<16xf32>
          %add3A_707 = arith.addf %gather3A_673, %gather3A_676 : vector<16xf32>
          %add3A_708 = arith.addf %gather3A_679, %gather3A_682 : vector<16xf32>
          %add3A_709 = arith.addf %gather3A_685, %gather3A_688 : vector<16xf32>
          %add3A_710 = arith.addf %gather3A_691, %gather3A_694 : vector<16xf32>
          %add3A_711 = arith.addf %add3A_695, %add3A_696 : vector<16xf32>
          %add3A_712 = arith.addf %add3A_697, %add3A_698 : vector<16xf32>
          %add3A_713 = arith.addf %add3A_699, %add3A_700 : vector<16xf32>
          %add3A_714 = arith.addf %add3A_701, %add3A_702 : vector<16xf32>
          %add3A_715 = arith.addf %add3A_703, %add3A_704 : vector<16xf32>
          %add3A_716 = arith.addf %add3A_705, %add3A_706 : vector<16xf32>
          %add3A_717 = arith.addf %add3A_707, %add3A_708 : vector<16xf32>
          %add3A_718 = arith.addf %add3A_709, %add3A_710 : vector<16xf32>
          %add3A_719 = arith.addf %add3A_711, %add3A_712 : vector<16xf32>
          %add3A_720 = arith.addf %add3A_713, %add3A_714 : vector<16xf32>
          %add3A_721 = arith.addf %add3A_719, %add3A_720 : vector<16xf32>
          %add3A_722 = arith.constant 32 : i32
          %add3A_723 = arith.addi %mul3A_463, %add3A_722 : i32
          %swap3A_724 = arith.index_cast %add3A_723 : i32 to index
          %swap3A_725 = tpu.vector_load %arg9[%swap3A_724] {strides = array<i32>} : memref<16384xf32, #tpu.memory_space<vmem>>, vector<16xf32>,
          tpu.vector_store %arg9[%swap3A_724], %add3A_721 {strides = array<i32>} : memref<16384xf32, #tpu.memory_space<vmem>>, vector<16xf32>,
          %add3A_726 = arith.addf %add3A_715, %add3A_716 : vector<16xf32>
          %add3A_727 = arith.addf %add3A_717, %add3A_718 : vector<16xf32>
          %add3A_728 = arith.addf %add3A_726, %add3A_727 : vector<16xf32>
          %add3A_729 = arith.constant 32 : i32
          %add3A_730 = arith.addi %mul3A_463, %add3A_729 : i32
          %add3A_731 = arith.constant 16 : i32
          %add3A_732 = arith.addi %add3A_730, %add3A_731 : i32
          %swap3A_733 = arith.index_cast %add3A_732 : i32 to index
          %swap3A_734 = tpu.vector_load %arg9[%swap3A_733] {strides = array<i32>} : memref<16384xf32, #tpu.memory_space<vmem>>, vector<16xf32>,
          tpu.vector_store %arg9[%swap3A_733], %add3A_728 {strides = array<i32>} : memref<16384xf32, #tpu.memory_space<vmem>>, vector<16xf32>,
          %gather3A_735 = arith.constant 64 : i32
          %gather3A_736 = tpu.memref_slice %arg6[%gather3A_735] : memref<99328xf32, #tpu.memory_space<vmem>> -> memref<99264xf32, #tpu.memory_space<vmem>>
          %gather3A_737 = tpu.vector_load_idx %gather3A_736[%add3A_293] : memref<99264xf32, #tpu.memory_space<vmem>>[vector<16xi32>], vector<16xf32>,
          %gather3A_738 = arith.constant 64 : i32
          %gather3A_739 = tpu.memref_slice %arg6[%gather3A_738] : memref<99328xf32, #tpu.memory_space<vmem>> -> memref<99264xf32, #tpu.memory_space<vmem>>
          %gather3A_740 = tpu.vector_load_idx %gather3A_739[%add3A_304] : memref<99264xf32, #tpu.memory_space<vmem>>[vector<16xi32>], vector<16xf32>,
          %gather3A_741 = arith.constant 64 : i32
          %gather3A_742 = tpu.memref_slice %arg6[%gather3A_741] : memref<99328xf32, #tpu.memory_space<vmem>> -> memref<99264xf32, #tpu.memory_space<vmem>>
          %gather3A_743 = tpu.vector_load_idx %gather3A_742[%add3A_315] : memref<99264xf32, #tpu.memory_space<vmem>>[vector<16xi32>], vector<16xf32>,
          %gather3A_744 = arith.constant 64 : i32
          %gather3A_745 = tpu.memref_slice %arg6[%gather3A_744] : memref<99328xf32, #tpu.memory_space<vmem>> -> memref<99264xf32, #tpu.memory_space<vmem>>
          %gather3A_746 = tpu.vector_load_idx %gather3A_745[%add3A_326] : memref<99264xf32, #tpu.memory_space<vmem>>[vector<16xi32>], vector<16xf32>,
          %gather3A_747 = arith.constant 64 : i32
          %gather3A_748 = tpu.memref_slice %arg6[%gather3A_747] : memref<99328xf32, #tpu.memory_space<vmem>> -> memref<99264xf32, #tpu.memory_space<vmem>>
          %gather3A_749 = tpu.vector_load_idx %gather3A_748[%add3A_337] : memref<99264xf32, #tpu.memory_space<vmem>>[vector<16xi32>], vector<16xf32>,
          %gather3A_750 = arith.constant 64 : i32
          %gather3A_751 = tpu.memref_slice %arg6[%gather3A_750] : memref<99328xf32, #tpu.memory_space<vmem>> -> memref<99264xf32, #tpu.memory_space<vmem>>
          %gather3A_752 = tpu.vector_load_idx %gather3A_751[%add3A_348] : memref<99264xf32, #tpu.memory_space<vmem>>[vector<16xi32>], vector<16xf32>,
          %gather3A_753 = arith.constant 64 : i32
          %gather3A_754 = tpu.memref_slice %arg6[%gather3A_753] : memref<99328xf32, #tpu.memory_space<vmem>> -> memref<99264xf32, #tpu.memory_space<vmem>>
          %gather3A_755 = tpu.vector_load_idx %gather3A_754[%add3A_359] : memref<99264xf32, #tpu.memory_space<vmem>>[vector<16xi32>], vector<16xf32>,
          %gather3A_756 = arith.constant 64 : i32
          %gather3A_757 = tpu.memref_slice %arg6[%gather3A_756] : memref<99328xf32, #tpu.memory_space<vmem>> -> memref<99264xf32, #tpu.memory_space<vmem>>
          %gather3A_758 = tpu.vector_load_idx %gather3A_757[%add3A_370] : memref<99264xf32, #tpu.memory_space<vmem>>[vector<16xi32>], vector<16xf32>,
          %gather3A_759 = arith.constant 64 : i32
          %gather3A_760 = tpu.memref_slice %arg6[%gather3A_759] : memref<99328xf32, #tpu.memory_space<vmem>> -> memref<99264xf32, #tpu.memory_space<vmem>>
          %gather3A_761 = tpu.vector_load_idx %gather3A_760[%add3A_381] : memref<99264xf32, #tpu.memory_space<vmem>>[vector<16xi32>], vector<16xf32>,
          %gather3A_762 = arith.constant 64 : i32
          %gather3A_763 = tpu.memref_slice %arg6[%gather3A_762] : memref<99328xf32, #tpu.memory_space<vmem>> -> memref<99264xf32, #tpu.memory_space<vmem>>
          %gather3A_764 = tpu.vector_load_idx %gather3A_763[%add3A_392] : memref<99264xf32, #tpu.memory_space<vmem>>[vector<16xi32>], vector<16xf32>,
          %gather3A_765 = arith.constant 64 : i32
          %gather3A_766 = tpu.memref_slice %arg6[%gather3A_765] : memref<99328xf32, #tpu.memory_space<vmem>> -> memref<99264xf32, #tpu.memory_space<vmem>>
          %gather3A_767 = tpu.vector_load_idx %gather3A_766[%add3A_403] : memref<99264xf32, #tpu.memory_space<vmem>>[vector<16xi32>], vector<16xf32>,
          %gather3A_768 = arith.constant 64 : i32
          %gather3A_769 = tpu.memref_slice %arg6[%gather3A_768] : memref<99328xf32, #tpu.memory_space<vmem>> -> memref<99264xf32, #tpu.memory_space<vmem>>
          %gather3A_770 = tpu.vector_load_idx %gather3A_769[%add3A_414] : memref<99264xf32, #tpu.memory_space<vmem>>[vector<16xi32>], vector<16xf32>,
          %gather3A_771 = arith.constant 64 : i32
          %gather3A_772 = tpu.memref_slice %arg6[%gather3A_771] : memref<99328xf32, #tpu.memory_space<vmem>> -> memref<99264xf32, #tpu.memory_space<vmem>>
          %gather3A_773 = tpu.vector_load_idx %gather3A_772[%add3A_425] : memref<99264xf32, #tpu.memory_space<vmem>>[vector<16xi32>], vector<16xf32>,
          %gather3A_774 = arith.constant 64 : i32
          %gather3A_775 = tpu.memref_slice %arg6[%gather3A_774] : memref<99328xf32, #tpu.memory_space<vmem>> -> memref<99264xf32, #tpu.memory_space<vmem>>
          %gather3A_776 = tpu.vector_load_idx %gather3A_775[%add3A_436] : memref<99264xf32, #tpu.memory_space<vmem>>[vector<16xi32>], vector<16xf32>,
          %gather3A_777 = arith.constant 64 : i32
          %gather3A_778 = tpu.memref_slice %arg6[%gather3A_777] : memref<99328xf32, #tpu.memory_space<vmem>> -> memref<99264xf32, #tpu.memory_space<vmem>>
          %gather3A_779 = tpu.vector_load_idx %gather3A_778[%add3A_447] : memref<99264xf32, #tpu.memory_space<vmem>>[vector<16xi32>], vector<16xf32>,
          %gather3A_780 = arith.constant 64 : i32
          %gather3A_781 = tpu.memref_slice %arg6[%gather3A_780] : memref<99328xf32, #tpu.memory_space<vmem>> -> memref<99264xf32, #tpu.memory_space<vmem>>
          %gather3A_782 = tpu.vector_load_idx %gather3A_781[%add3A_458] : memref<99264xf32, #tpu.memory_space<vmem>>[vector<16xi32>], vector<16xf32>,
          %gather3A_783 = arith.constant 80 : i32
          %gather3A_784 = tpu.memref_slice %arg6[%gather3A_783] : memref<99328xf32, #tpu.memory_space<vmem>> -> memref<99248xf32, #tpu.memory_space<vmem>>
          %gather3A_785 = tpu.vector_load_idx %gather3A_784[%add3A_293] : memref<99248xf32, #tpu.memory_space<vmem>>[vector<16xi32>], vector<16xf32>,
          %gather3A_786 = arith.constant 80 : i32
          %gather3A_787 = tpu.memref_slice %arg6[%gather3A_786] : memref<99328xf32, #tpu.memory_space<vmem>> -> memref<99248xf32, #tpu.memory_space<vmem>>
          %gather3A_788 = tpu.vector_load_idx %gather3A_787[%add3A_304] : memref<99248xf32, #tpu.memory_space<vmem>>[vector<16xi32>], vector<16xf32>,
          %gather3A_789 = arith.constant 80 : i32
          %gather3A_790 = tpu.memref_slice %arg6[%gather3A_789] : memref<99328xf32, #tpu.memory_space<vmem>> -> memref<99248xf32, #tpu.memory_space<vmem>>
          %gather3A_791 = tpu.vector_load_idx %gather3A_790[%add3A_315] : memref<99248xf32, #tpu.memory_space<vmem>>[vector<16xi32>], vector<16xf32>,
          %gather3A_792 = arith.constant 80 : i32
          %gather3A_793 = tpu.memref_slice %arg6[%gather3A_792] : memref<99328xf32, #tpu.memory_space<vmem>> -> memref<99248xf32, #tpu.memory_space<vmem>>
          %gather3A_794 = tpu.vector_load_idx %gather3A_793[%add3A_326] : memref<99248xf32, #tpu.memory_space<vmem>>[vector<16xi32>], vector<16xf32>,
          %gather3A_795 = arith.constant 80 : i32
          %gather3A_796 = tpu.memref_slice %arg6[%gather3A_795] : memref<99328xf32, #tpu.memory_space<vmem>> -> memref<99248xf32, #tpu.memory_space<vmem>>
          %gather3A_797 = tpu.vector_load_idx %gather3A_796[%add3A_337] : memref<99248xf32, #tpu.memory_space<vmem>>[vector<16xi32>], vector<16xf32>,
          %gather3A_798 = arith.constant 80 : i32
          %gather3A_799 = tpu.memref_slice %arg6[%gather3A_798] : memref<99328xf32, #tpu.memory_space<vmem>> -> memref<99248xf32, #tpu.memory_space<vmem>>
          %gather3A_800 = tpu.vector_load_idx %gather3A_799[%add3A_348] : memref<99248xf32, #tpu.memory_space<vmem>>[vector<16xi32>], vector<16xf32>,
          %gather3A_801 = arith.constant 80 : i32
          %gather3A_802 = tpu.memref_slice %arg6[%gather3A_801] : memref<99328xf32, #tpu.memory_space<vmem>> -> memref<99248xf32, #tpu.memory_space<vmem>>
          %gather3A_803 = tpu.vector_load_idx %gather3A_802[%add3A_359] : memref<99248xf32, #tpu.memory_space<vmem>>[vector<16xi32>], vector<16xf32>,
          %gather3A_804 = arith.constant 80 : i32
          %gather3A_805 = tpu.memref_slice %arg6[%gather3A_804] : memref<99328xf32, #tpu.memory_space<vmem>> -> memref<99248xf32, #tpu.memory_space<vmem>>
          %gather3A_806 = tpu.vector_load_idx %gather3A_805[%add3A_370] : memref<99248xf32, #tpu.memory_space<vmem>>[vector<16xi32>], vector<16xf32>,
          %gather3A_807 = arith.constant 80 : i32
          %gather3A_808 = tpu.memref_slice %arg6[%gather3A_807] : memref<99328xf32, #tpu.memory_space<vmem>> -> memref<99248xf32, #tpu.memory_space<vmem>>
          %gather3A_809 = tpu.vector_load_idx %gather3A_808[%add3A_381] : memref<99248xf32, #tpu.memory_space<vmem>>[vector<16xi32>], vector<16xf32>,
          %gather3A_810 = arith.constant 80 : i32
          %gather3A_811 = tpu.memref_slice %arg6[%gather3A_810] : memref<99328xf32, #tpu.memory_space<vmem>> -> memref<99248xf32, #tpu.memory_space<vmem>>
          %gather3A_812 = tpu.vector_load_idx %gather3A_811[%add3A_392] : memref<99248xf32, #tpu.memory_space<vmem>>[vector<16xi32>], vector<16xf32>,
          %gather3A_813 = arith.constant 80 : i32
          %gather3A_814 = tpu.memref_slice %arg6[%gather3A_813] : memref<99328xf32, #tpu.memory_space<vmem>> -> memref<99248xf32, #tpu.memory_space<vmem>>
          %gather3A_815 = tpu.vector_load_idx %gather3A_814[%add3A_403] : memref<99248xf32, #tpu.memory_space<vmem>>[vector<16xi32>], vector<16xf32>,
          %gather3A_816 = arith.constant 80 : i32
          %gather3A_817 = tpu.memref_slice %arg6[%gather3A_816] : memref<99328xf32, #tpu.memory_space<vmem>> -> memref<99248xf32, #tpu.memory_space<vmem>>
          %gather3A_818 = tpu.vector_load_idx %gather3A_817[%add3A_414] : memref<99248xf32, #tpu.memory_space<vmem>>[vector<16xi32>], vector<16xf32>,
          %gather3A_819 = arith.constant 80 : i32
          %gather3A_820 = tpu.memref_slice %arg6[%gather3A_819] : memref<99328xf32, #tpu.memory_space<vmem>> -> memref<99248xf32, #tpu.memory_space<vmem>>
          %gather3A_821 = tpu.vector_load_idx %gather3A_820[%add3A_425] : memref<99248xf32, #tpu.memory_space<vmem>>[vector<16xi32>], vector<16xf32>,
          %gather3A_822 = arith.constant 80 : i32
          %gather3A_823 = tpu.memref_slice %arg6[%gather3A_822] : memref<99328xf32, #tpu.memory_space<vmem>> -> memref<99248xf32, #tpu.memory_space<vmem>>
          %gather3A_824 = tpu.vector_load_idx %gather3A_823[%add3A_436] : memref<99248xf32, #tpu.memory_space<vmem>>[vector<16xi32>], vector<16xf32>,
          %gather3A_825 = arith.constant 80 : i32
          %gather3A_826 = tpu.memref_slice %arg6[%gather3A_825] : memref<99328xf32, #tpu.memory_space<vmem>> -> memref<99248xf32, #tpu.memory_space<vmem>>
          %gather3A_827 = tpu.vector_load_idx %gather3A_826[%add3A_447] : memref<99248xf32, #tpu.memory_space<vmem>>[vector<16xi32>], vector<16xf32>,
          %gather3A_828 = arith.constant 80 : i32
          %gather3A_829 = tpu.memref_slice %arg6[%gather3A_828] : memref<99328xf32, #tpu.memory_space<vmem>> -> memref<99248xf32, #tpu.memory_space<vmem>>
          %gather3A_830 = tpu.vector_load_idx %gather3A_829[%add3A_458] : memref<99248xf32, #tpu.memory_space<vmem>>[vector<16xi32>], vector<16xf32>,
          %add3A_831 = arith.addf %gather3A_737, %gather3A_740 : vector<16xf32>
          %add3A_832 = arith.addf %gather3A_743, %gather3A_746 : vector<16xf32>
          %add3A_833 = arith.addf %gather3A_749, %gather3A_752 : vector<16xf32>
          %add3A_834 = arith.addf %gather3A_755, %gather3A_758 : vector<16xf32>
          %add3A_835 = arith.addf %gather3A_761, %gather3A_764 : vector<16xf32>
          %add3A_836 = arith.addf %gather3A_767, %gather3A_770 : vector<16xf32>
          %add3A_837 = arith.addf %gather3A_773, %gather3A_776 : vector<16xf32>
          %add3A_838 = arith.addf %gather3A_779, %gather3A_782 : vector<16xf32>
          %add3A_839 = arith.addf %gather3A_785, %gather3A_788 : vector<16xf32>
          %add3A_840 = arith.addf %gather3A_791, %gather3A_794 : vector<16xf32>
          %add3A_841 = arith.addf %gather3A_797, %gather3A_800 : vector<16xf32>
          %add3A_842 = arith.addf %gather3A_803, %gather3A_806 : vector<16xf32>
          %add3A_843 = arith.addf %gather3A_809, %gather3A_812 : vector<16xf32>
          %add3A_844 = arith.addf %gather3A_815, %gather3A_818 : vector<16xf32>
          %add3A_845 = arith.addf %gather3A_821, %gather3A_824 : vector<16xf32>
          %add3A_846 = arith.addf %gather3A_827, %gather3A_830 : vector<16xf32>
          %add3A_847 = arith.addf %add3A_831, %add3A_832 : vector<16xf32>
          %add3A_848 = arith.addf %add3A_833, %add3A_834 : vector<16xf32>
          %add3A_849 = arith.addf %add3A_835, %add3A_836 : vector<16xf32>
          %add3A_850 = arith.addf %add3A_837, %add3A_838 : vector<16xf32>
          %add3A_851 = arith.addf %add3A_839, %add3A_840 : vector<16xf32>
          %add3A_852 = arith.addf %add3A_841, %add3A_842 : vector<16xf32>
          %add3A_853 = arith.addf %add3A_843, %add3A_844 : vector<16xf32>
          %add3A_854 = arith.addf %add3A_845, %add3A_846 : vector<16xf32>
          %add3A_855 = arith.addf %add3A_847, %add3A_848 : vector<16xf32>
          %add3A_856 = arith.addf %add3A_849, %add3A_850 : vector<16xf32>
          %add3A_857 = arith.addf %add3A_855, %add3A_856 : vector<16xf32>
          %add3A_858 = arith.constant 64 : i32
          %add3A_859 = arith.addi %mul3A_463, %add3A_858 : i32
          %swap3A_860 = arith.index_cast %add3A_859 : i32 to index
          %swap3A_861 = tpu.vector_load %arg9[%swap3A_860] {strides = array<i32>} : memref<16384xf32, #tpu.memory_space<vmem>>, vector<16xf32>,
          tpu.vector_store %arg9[%swap3A_860], %add3A_857 {strides = array<i32>} : memref<16384xf32, #tpu.memory_space<vmem>>, vector<16xf32>,
          %add3A_862 = arith.addf %add3A_851, %add3A_852 : vector<16xf32>
          %add3A_863 = arith.addf %add3A_853, %add3A_854 : vector<16xf32>
          %add3A_864 = arith.addf %add3A_862, %add3A_863 : vector<16xf32>
          %add3A_865 = arith.constant 64 : i32
          %add3A_866 = arith.addi %mul3A_463, %add3A_865 : i32
          %add3A_867 = arith.constant 16 : i32
          %add3A_868 = arith.addi %add3A_866, %add3A_867 : i32
          %swap3A_869 = arith.index_cast %add3A_868 : i32 to index
          %swap3A_870 = tpu.vector_load %arg9[%swap3A_869] {strides = array<i32>} : memref<16384xf32, #tpu.memory_space<vmem>>, vector<16xf32>,
          tpu.vector_store %arg9[%swap3A_869], %add3A_864 {strides = array<i32>} : memref<16384xf32, #tpu.memory_space<vmem>>, vector<16xf32>,
          %gather3A_871 = arith.constant 96 : i32
          %gather3A_872 = tpu.memref_slice %arg6[%gather3A_871] : memref<99328xf32, #tpu.memory_space<vmem>> -> memref<99232xf32, #tpu.memory_space<vmem>>
          %gather3A_873 = tpu.vector_load_idx %gather3A_872[%add3A_293] : memref<99232xf32, #tpu.memory_space<vmem>>[vector<16xi32>], vector<16xf32>,
          %gather3A_874 = arith.constant 96 : i32
          %gather3A_875 = tpu.memref_slice %arg6[%gather3A_874] : memref<99328xf32, #tpu.memory_space<vmem>> -> memref<99232xf32, #tpu.memory_space<vmem>>
          %gather3A_876 = tpu.vector_load_idx %gather3A_875[%add3A_304] : memref<99232xf32, #tpu.memory_space<vmem>>[vector<16xi32>], vector<16xf32>,
          %gather3A_877 = arith.constant 96 : i32
          %gather3A_878 = tpu.memref_slice %arg6[%gather3A_877] : memref<99328xf32, #tpu.memory_space<vmem>> -> memref<99232xf32, #tpu.memory_space<vmem>>
          %gather3A_879 = tpu.vector_load_idx %gather3A_878[%add3A_315] : memref<99232xf32, #tpu.memory_space<vmem>>[vector<16xi32>], vector<16xf32>,
          %gather3A_880 = arith.constant 96 : i32
          %gather3A_881 = tpu.memref_slice %arg6[%gather3A_880] : memref<99328xf32, #tpu.memory_space<vmem>> -> memref<99232xf32, #tpu.memory_space<vmem>>
          %gather3A_882 = tpu.vector_load_idx %gather3A_881[%add3A_326] : memref<99232xf32, #tpu.memory_space<vmem>>[vector<16xi32>], vector<16xf32>,
          %gather3A_883 = arith.constant 96 : i32
          %gather3A_884 = tpu.memref_slice %arg6[%gather3A_883] : memref<99328xf32, #tpu.memory_space<vmem>> -> memref<99232xf32, #tpu.memory_space<vmem>>
          %gather3A_885 = tpu.vector_load_idx %gather3A_884[%add3A_337] : memref<99232xf32, #tpu.memory_space<vmem>>[vector<16xi32>], vector<16xf32>,
          %gather3A_886 = arith.constant 96 : i32
          %gather3A_887 = tpu.memref_slice %arg6[%gather3A_886] : memref<99328xf32, #tpu.memory_space<vmem>> -> memref<99232xf32, #tpu.memory_space<vmem>>
          %gather3A_888 = tpu.vector_load_idx %gather3A_887[%add3A_348] : memref<99232xf32, #tpu.memory_space<vmem>>[vector<16xi32>], vector<16xf32>,
          %gather3A_889 = arith.constant 96 : i32
          %gather3A_890 = tpu.memref_slice %arg6[%gather3A_889] : memref<99328xf32, #tpu.memory_space<vmem>> -> memref<99232xf32, #tpu.memory_space<vmem>>
          %gather3A_891 = tpu.vector_load_idx %gather3A_890[%add3A_359] : memref<99232xf32, #tpu.memory_space<vmem>>[vector<16xi32>], vector<16xf32>,
          %gather3A_892 = arith.constant 96 : i32
          %gather3A_893 = tpu.memref_slice %arg6[%gather3A_892] : memref<99328xf32, #tpu.memory_space<vmem>> -> memref<99232xf32, #tpu.memory_space<vmem>>
          %gather3A_894 = tpu.vector_load_idx %gather3A_893[%add3A_370] : memref<99232xf32, #tpu.memory_space<vmem>>[vector<16xi32>], vector<16xf32>,
          %gather3A_895 = arith.constant 96 : i32
          %gather3A_896 = tpu.memref_slice %arg6[%gather3A_895] : memref<99328xf32, #tpu.memory_space<vmem>> -> memref<99232xf32, #tpu.memory_space<vmem>>
          %gather3A_897 = tpu.vector_load_idx %gather3A_896[%add3A_381] : memref<99232xf32, #tpu.memory_space<vmem>>[vector<16xi32>], vector<16xf32>,
          %gather3A_898 = arith.constant 96 : i32
          %gather3A_899 = tpu.memref_slice %arg6[%gather3A_898] : memref<99328xf32, #tpu.memory_space<vmem>> -> memref<99232xf32, #tpu.memory_space<vmem>>
          %gather3A_900 = tpu.vector_load_idx %gather3A_899[%add3A_392] : memref<99232xf32, #tpu.memory_space<vmem>>[vector<16xi32>], vector<16xf32>,
          %gather3A_901 = arith.constant 96 : i32
          %gather3A_902 = tpu.memref_slice %arg6[%gather3A_901] : memref<99328xf32, #tpu.memory_space<vmem>> -> memref<99232xf32, #tpu.memory_space<vmem>>
          %gather3A_903 = tpu.vector_load_idx %gather3A_902[%add3A_403] : memref<99232xf32, #tpu.memory_space<vmem>>[vector<16xi32>], vector<16xf32>,
          %gather3A_904 = arith.constant 96 : i32
          %gather3A_905 = tpu.memref_slice %arg6[%gather3A_904] : memref<99328xf32, #tpu.memory_space<vmem>> -> memref<99232xf32, #tpu.memory_space<vmem>>
          %gather3A_906 = tpu.vector_load_idx %gather3A_905[%add3A_414] : memref<99232xf32, #tpu.memory_space<vmem>>[vector<16xi32>], vector<16xf32>,
          %gather3A_907 = arith.constant 96 : i32
          %gather3A_908 = tpu.memref_slice %arg6[%gather3A_907] : memref<99328xf32, #tpu.memory_space<vmem>> -> memref<99232xf32, #tpu.memory_space<vmem>>
          %gather3A_909 = tpu.vector_load_idx %gather3A_908[%add3A_425] : memref<99232xf32, #tpu.memory_space<vmem>>[vector<16xi32>], vector<16xf32>,
          %gather3A_910 = arith.constant 96 : i32
          %gather3A_911 = tpu.memref_slice %arg6[%gather3A_910] : memref<99328xf32, #tpu.memory_space<vmem>> -> memref<99232xf32, #tpu.memory_space<vmem>>
          %gather3A_912 = tpu.vector_load_idx %gather3A_911[%add3A_436] : memref<99232xf32, #tpu.memory_space<vmem>>[vector<16xi32>], vector<16xf32>,
          %gather3A_913 = arith.constant 96 : i32
          %gather3A_914 = tpu.memref_slice %arg6[%gather3A_913] : memref<99328xf32, #tpu.memory_space<vmem>> -> memref<99232xf32, #tpu.memory_space<vmem>>
          %gather3A_915 = tpu.vector_load_idx %gather3A_914[%add3A_447] : memref<99232xf32, #tpu.memory_space<vmem>>[vector<16xi32>], vector<16xf32>,
          %gather3A_916 = arith.constant 96 : i32
          %gather3A_917 = tpu.memref_slice %arg6[%gather3A_916] : memref<99328xf32, #tpu.memory_space<vmem>> -> memref<99232xf32, #tpu.memory_space<vmem>>
          %gather3A_918 = tpu.vector_load_idx %gather3A_917[%add3A_458] : memref<99232xf32, #tpu.memory_space<vmem>>[vector<16xi32>], vector<16xf32>,
          %gather3A_919 = arith.constant 112 : i32
          %gather3A_920 = tpu.memref_slice %arg6[%gather3A_919] : memref<99328xf32, #tpu.memory_space<vmem>> -> memref<99216xf32, #tpu.memory_space<vmem>>
          %gather3A_921 = tpu.vector_load_idx %gather3A_920[%add3A_293] : memref<99216xf32, #tpu.memory_space<vmem>>[vector<16xi32>], vector<16xf32>,
          %gather3A_922 = arith.constant 112 : i32
          %gather3A_923 = tpu.memref_slice %arg6[%gather3A_922] : memref<99328xf32, #tpu.memory_space<vmem>> -> memref<99216xf32, #tpu.memory_space<vmem>>
          %gather3A_924 = tpu.vector_load_idx %gather3A_923[%add3A_304] : memref<99216xf32, #tpu.memory_space<vmem>>[vector<16xi32>], vector<16xf32>,
          %gather3A_925 = arith.constant 112 : i32
          %gather3A_926 = tpu.memref_slice %arg6[%gather3A_925] : memref<99328xf32, #tpu.memory_space<vmem>> -> memref<99216xf32, #tpu.memory_space<vmem>>
          %gather3A_927 = tpu.vector_load_idx %gather3A_926[%add3A_315] : memref<99216xf32, #tpu.memory_space<vmem>>[vector<16xi32>], vector<16xf32>,
          %gather3A_928 = arith.constant 112 : i32
          %gather3A_929 = tpu.memref_slice %arg6[%gather3A_928] : memref<99328xf32, #tpu.memory_space<vmem>> -> memref<99216xf32, #tpu.memory_space<vmem>>
          %gather3A_930 = tpu.vector_load_idx %gather3A_929[%add3A_326] : memref<99216xf32, #tpu.memory_space<vmem>>[vector<16xi32>], vector<16xf32>,
          %gather3A_931 = arith.constant 112 : i32
          %gather3A_932 = tpu.memref_slice %arg6[%gather3A_931] : memref<99328xf32, #tpu.memory_space<vmem>> -> memref<99216xf32, #tpu.memory_space<vmem>>
          %gather3A_933 = tpu.vector_load_idx %gather3A_932[%add3A_337] : memref<99216xf32, #tpu.memory_space<vmem>>[vector<16xi32>], vector<16xf32>,
          %gather3A_934 = arith.constant 112 : i32
          %gather3A_935 = tpu.memref_slice %arg6[%gather3A_934] : memref<99328xf32, #tpu.memory_space<vmem>> -> memref<99216xf32, #tpu.memory_space<vmem>>
          %gather3A_936 = tpu.vector_load_idx %gather3A_935[%add3A_348] : memref<99216xf32, #tpu.memory_space<vmem>>[vector<16xi32>], vector<16xf32>,
          %gather3A_937 = arith.constant 112 : i32
          %gather3A_938 = tpu.memref_slice %arg6[%gather3A_937] : memref<99328xf32, #tpu.memory_space<vmem>> -> memref<99216xf32, #tpu.memory_space<vmem>>
          %gather3A_939 = tpu.vector_load_idx %gather3A_938[%add3A_359] : memref<99216xf32, #tpu.memory_space<vmem>>[vector<16xi32>], vector<16xf32>,
          %gather3A_940 = arith.constant 112 : i32
          %gather3A_941 = tpu.memref_slice %arg6[%gather3A_940] : memref<99328xf32, #tpu.memory_space<vmem>> -> memref<99216xf32, #tpu.memory_space<vmem>>
          %gather3A_942 = tpu.vector_load_idx %gather3A_941[%add3A_370] : memref<99216xf32, #tpu.memory_space<vmem>>[vector<16xi32>], vector<16xf32>,
          %gather3A_943 = arith.constant 112 : i32
          %gather3A_944 = tpu.memref_slice %arg6[%gather3A_943] : memref<99328xf32, #tpu.memory_space<vmem>> -> memref<99216xf32, #tpu.memory_space<vmem>>
          %gather3A_945 = tpu.vector_load_idx %gather3A_944[%add3A_381] : memref<99216xf32, #tpu.memory_space<vmem>>[vector<16xi32>], vector<16xf32>,
          %gather3A_946 = arith.constant 112 : i32
          %gather3A_947 = tpu.memref_slice %arg6[%gather3A_946] : memref<99328xf32, #tpu.memory_space<vmem>> -> memref<99216xf32, #tpu.memory_space<vmem>>
          %gather3A_948 = tpu.vector_load_idx %gather3A_947[%add3A_392] : memref<99216xf32, #tpu.memory_space<vmem>>[vector<16xi32>], vector<16xf32>,
          %gather3A_949 = arith.constant 112 : i32
          %gather3A_950 = tpu.memref_slice %arg6[%gather3A_949] : memref<99328xf32, #tpu.memory_space<vmem>> -> memref<99216xf32, #tpu.memory_space<vmem>>
          %gather3A_951 = tpu.vector_load_idx %gather3A_950[%add3A_403] : memref<99216xf32, #tpu.memory_space<vmem>>[vector<16xi32>], vector<16xf32>,
          %gather3A_952 = arith.constant 112 : i32
          %gather3A_953 = tpu.memref_slice %arg6[%gather3A_952] : memref<99328xf32, #tpu.memory_space<vmem>> -> memref<99216xf32, #tpu.memory_space<vmem>>
          %gather3A_954 = tpu.vector_load_idx %gather3A_953[%add3A_414] : memref<99216xf32, #tpu.memory_space<vmem>>[vector<16xi32>], vector<16xf32>,
          %gather3A_955 = arith.constant 112 : i32
          %gather3A_956 = tpu.memref_slice %arg6[%gather3A_955] : memref<99328xf32, #tpu.memory_space<vmem>> -> memref<99216xf32, #tpu.memory_space<vmem>>
          %gather3A_957 = tpu.vector_load_idx %gather3A_956[%add3A_425] : memref<99216xf32, #tpu.memory_space<vmem>>[vector<16xi32>], vector<16xf32>,
          %gather3A_958 = arith.constant 112 : i32
          %gather3A_959 = tpu.memref_slice %arg6[%gather3A_958] : memref<99328xf32, #tpu.memory_space<vmem>> -> memref<99216xf32, #tpu.memory_space<vmem>>
          %gather3A_960 = tpu.vector_load_idx %gather3A_959[%add3A_436] : memref<99216xf32, #tpu.memory_space<vmem>>[vector<16xi32>], vector<16xf32>,
          %gather3A_961 = arith.constant 112 : i32
          %gather3A_962 = tpu.memref_slice %arg6[%gather3A_961] : memref<99328xf32, #tpu.memory_space<vmem>> -> memref<99216xf32, #tpu.memory_space<vmem>>
          %gather3A_963 = tpu.vector_load_idx %gather3A_962[%add3A_447] : memref<99216xf32, #tpu.memory_space<vmem>>[vector<16xi32>], vector<16xf32>,
          %gather3A_964 = arith.constant 112 : i32
          %gather3A_965 = tpu.memref_slice %arg6[%gather3A_964] : memref<99328xf32, #tpu.memory_space<vmem>> -> memref<99216xf32, #tpu.memory_space<vmem>>
          %gather3A_966 = tpu.vector_load_idx %gather3A_965[%add3A_458] : memref<99216xf32, #tpu.memory_space<vmem>>[vector<16xi32>], vector<16xf32>,
          %add3A_967 = arith.addf %gather3A_873, %gather3A_876 : vector<16xf32>
          %add3A_968 = arith.addf %gather3A_879, %gather3A_882 : vector<16xf32>
          %add3A_969 = arith.addf %gather3A_885, %gather3A_888 : vector<16xf32>
          %add3A_970 = arith.addf %gather3A_891, %gather3A_894 : vector<16xf32>
          %add3A_971 = arith.addf %gather3A_897, %gather3A_900 : vector<16xf32>
          %add3A_972 = arith.addf %gather3A_903, %gather3A_906 : vector<16xf32>
          %add3A_973 = arith.addf %gather3A_909, %gather3A_912 : vector<16xf32>
          %add3A_974 = arith.addf %gather3A_915, %gather3A_918 : vector<16xf32>
          %add3A_975 = arith.addf %gather3A_921, %gather3A_924 : vector<16xf32>
          %add3A_976 = arith.addf %gather3A_927, %gather3A_930 : vector<16xf32>
          %add3A_977 = arith.addf %gather3A_933, %gather3A_936 : vector<16xf32>
          %add3A_978 = arith.addf %gather3A_939, %gather3A_942 : vector<16xf32>
          %add3A_979 = arith.addf %gather3A_945, %gather3A_948 : vector<16xf32>
          %add3A_980 = arith.addf %gather3A_951, %gather3A_954 : vector<16xf32>
          %add3A_981 = arith.addf %gather3A_957, %gather3A_960 : vector<16xf32>
          %add3A_982 = arith.addf %gather3A_963, %gather3A_966 : vector<16xf32>
          %add3A_983 = arith.addf %add3A_967, %add3A_968 : vector<16xf32>
          %add3A_984 = arith.addf %add3A_969, %add3A_970 : vector<16xf32>
          %add3A_985 = arith.addf %add3A_971, %add3A_972 : vector<16xf32>
          %add3A_986 = arith.addf %add3A_973, %add3A_974 : vector<16xf32>
          %add3A_987 = arith.addf %add3A_975, %add3A_976 : vector<16xf32>
          %add3A_988 = arith.addf %add3A_977, %add3A_978 : vector<16xf32>
          %add3A_989 = arith.addf %add3A_979, %add3A_980 : vector<16xf32>
          %add3A_990 = arith.addf %add3A_981, %add3A_982 : vector<16xf32>
          %add3A_991 = arith.addf %add3A_983, %add3A_984 : vector<16xf32>
          %add3A_992 = arith.addf %add3A_985, %add3A_986 : vector<16xf32>
          %add3A_993 = arith.addf %add3A_991, %add3A_992 : vector<16xf32>
          %add3A_994 = arith.constant 96 : i32
          %add3A_995 = arith.addi %mul3A_463, %add3A_994 : i32
          %swap3A_996 = arith.index_cast %add3A_995 : i32 to index
          %swap3A_997 = tpu.vector_load %arg9[%swap3A_996] {strides = array<i32>} : memref<16384xf32, #tpu.memory_space<vmem>>, vector<16xf32>,
          tpu.vector_store %arg9[%swap3A_996], %add3A_993 {strides = array<i32>} : memref<16384xf32, #tpu.memory_space<vmem>>, vector<16xf32>,
          %add3A_998 = arith.addf %add3A_987, %add3A_988 : vector<16xf32>
          %add3A_999 = arith.addf %add3A_989, %add3A_990 : vector<16xf32>
          %add3A_1000 = arith.addf %add3A_998, %add3A_999 : vector<16xf32>
          %add3A_1001 = arith.constant 96 : i32
          %add3A_1002 = arith.addi %mul3A_463, %add3A_1001 : i32
          %add3A_1003 = arith.constant 16 : i32
          %add3A_1004 = arith.addi %add3A_1002, %add3A_1003 : i32
          %swap3A_1005 = arith.index_cast %add3A_1004 : i32 to index
          %swap3A_1006 = tpu.vector_load %arg9[%swap3A_1005] {strides = array<i32>} : memref<16384xf32, #tpu.memory_space<vmem>>, vector<16xf32>,
          tpu.vector_store %arg9[%swap3A_1005], %add3A_1000 {strides = array<i32>} : memref<16384xf32, #tpu.memory_space<vmem>>, vector<16xf32>,
          %mul3A_1007 = arith.constant 2 : i32
          %mul3A_1008 = arith.muli %scan3A_279, %mul3A_1007 : i32
          %add3A_1009 = arith.constant 1 : i32
          %add3A_1010 = arith.addi %mul3A_1008, %add3A_1009 : i32
          %add3A_1011 = vector.broadcast %add3A_1010 : i32 to vector<16xi32>
          %add3A_1012 = arith.addi %broadcast_in_dim3A_272, %add3A_1011 : vector<16xi32>
          %lt3A_1013 = arith.constant 0 : i32
          %lt3A_1014 = vector.broadcast %lt3A_1013 : i32 to vector<16xi32>
          %lt3A_1015 = arith.cmpi slt, %add3A_1012, %lt3A_1014 : vector<16xi32>
          %add3A_1016 = arith.constant 16 : i32
          %add3A_1017 = vector.broadcast %add3A_1016 : i32 to vector<16xi32>
          %add3A_1018 = arith.addi %add3A_1012, %add3A_1017 : vector<16xi32>
          %select_n3A_1019 = arith.select %lt3A_1015, %add3A_1018, %add3A_1012 : vector<16xi1>, vector<16xi32>
          %broadcast_in_dim3A_1020 = vector.shape_cast %select_n3A_1019 : vector<16xi32> to vector<16x1xi32>
          %gather3A_1021 = vector.shape_cast %broadcast_in_dim3A_1020 : vector<16x1xi32> to vector<16xi32>
          %gather3A_1022 = tpu.dynamic_gather %mul3A_226[%gather3A_1021] in [0] : vector<16xi32>, vector<16xi32> -> vector<16xi32>
          %add3A_1023 = arith.addi %gather3A_1022, %iota3A : vector<16xi32>
          %lt3A_1024 = arith.constant 0 : i32
          %lt3A_1025 = vector.broadcast %lt3A_1024 : i32 to vector<16xi32>
          %lt3A_1026 = arith.cmpi slt, %add3A_1012, %lt3A_1025 : vector<16xi32>
          %add3A_1027 = arith.constant 16 : i32
          %add3A_1028 = vector.broadcast %add3A_1027 : i32 to vector<16xi32>
          %add3A_1029 = arith.addi %add3A_1012, %add3A_1028 : vector<16xi32>
          %select_n3A_1030 = arith.select %lt3A_1026, %add3A_1029, %add3A_1012 : vector<16xi1>, vector<16xi32>
          %broadcast_in_dim3A_1031 = vector.shape_cast %select_n3A_1030 : vector<16xi32> to vector<16x1xi32>
          %gather3A_1032 = vector.shape_cast %broadcast_in_dim3A_1031 : vector<16x1xi32> to vector<16xi32>
          %gather3A_1033 = tpu.dynamic_gather %mul3A_229[%gather3A_1032] in [0] : vector<16xi32>, vector<16xi32> -> vector<16xi32>
          %add3A_1034 = arith.addi %gather3A_1033, %iota3A : vector<16xi32>
          %lt3A_1035 = arith.constant 0 : i32
          %lt3A_1036 = vector.broadcast %lt3A_1035 : i32 to vector<16xi32>
          %lt3A_1037 = arith.cmpi slt, %add3A_1012, %lt3A_1036 : vector<16xi32>
          %add3A_1038 = arith.constant 16 : i32
          %add3A_1039 = vector.broadcast %add3A_1038 : i32 to vector<16xi32>
          %add3A_1040 = arith.addi %add3A_1012, %add3A_1039 : vector<16xi32>
          %select_n3A_1041 = arith.select %lt3A_1037, %add3A_1040, %add3A_1012 : vector<16xi1>, vector<16xi32>
          %broadcast_in_dim3A_1042 = vector.shape_cast %select_n3A_1041 : vector<16xi32> to vector<16x1xi32>
          %gather3A_1043 = vector.shape_cast %broadcast_in_dim3A_1042 : vector<16x1xi32> to vector<16xi32>
          %gather3A_1044 = tpu.dynamic_gather %mul3A_232[%gather3A_1043] in [0] : vector<16xi32>, vector<16xi32> -> vector<16xi32>
          %add3A_1045 = arith.addi %gather3A_1044, %iota3A : vector<16xi32>
          %lt3A_1046 = arith.constant 0 : i32
          %lt3A_1047 = vector.broadcast %lt3A_1046 : i32 to vector<16xi32>
          %lt3A_1048 = arith.cmpi slt, %add3A_1012, %lt3A_1047 : vector<16xi32>
          %add3A_1049 = arith.constant 16 : i32
          %add3A_1050 = vector.broadcast %add3A_1049 : i32 to vector<16xi32>
          %add3A_1051 = arith.addi %add3A_1012, %add3A_1050 : vector<16xi32>
          %select_n3A_1052 = arith.select %lt3A_1048, %add3A_1051, %add3A_1012 : vector<16xi1>, vector<16xi32>
          %broadcast_in_dim3A_1053 = vector.shape_cast %select_n3A_1052 : vector<16xi32> to vector<16x1xi32>
          %gather3A_1054 = vector.shape_cast %broadcast_in_dim3A_1053 : vector<16x1xi32> to vector<16xi32>
          %gather3A_1055 = tpu.dynamic_gather %mul3A_235[%gather3A_1054] in [0] : vector<16xi32>, vector<16xi32> -> vector<16xi32>
          %add3A_1056 = arith.addi %gather3A_1055, %iota3A : vector<16xi32>
          %lt3A_1057 = arith.constant 0 : i32
          %lt3A_1058 = vector.broadcast %lt3A_1057 : i32 to vector<16xi32>
          %lt3A_1059 = arith.cmpi slt, %add3A_1012, %lt3A_1058 : vector<16xi32>
          %add3A_1060 = arith.constant 16 : i32
          %add3A_1061 = vector.broadcast %add3A_1060 : i32 to vector<16xi32>
          %add3A_1062 = arith.addi %add3A_1012, %add3A_1061 : vector<16xi32>
          %select_n3A_1063 = arith.select %lt3A_1059, %add3A_1062, %add3A_1012 : vector<16xi1>, vector<16xi32>
          %broadcast_in_dim3A_1064 = vector.shape_cast %select_n3A_1063 : vector<16xi32> to vector<16x1xi32>
          %gather3A_1065 = vector.shape_cast %broadcast_in_dim3A_1064 : vector<16x1xi32> to vector<16xi32>
          %gather3A_1066 = tpu.dynamic_gather %mul3A_238[%gather3A_1065] in [0] : vector<16xi32>, vector<16xi32> -> vector<16xi32>
          %add3A_1067 = arith.addi %gather3A_1066, %iota3A : vector<16xi32>
          %lt3A_1068 = arith.constant 0 : i32
          %lt3A_1069 = vector.broadcast %lt3A_1068 : i32 to vector<16xi32>
          %lt3A_1070 = arith.cmpi slt, %add3A_1012, %lt3A_1069 : vector<16xi32>
          %add3A_1071 = arith.constant 16 : i32
          %add3A_1072 = vector.broadcast %add3A_1071 : i32 to vector<16xi32>
          %add3A_1073 = arith.addi %add3A_1012, %add3A_1072 : vector<16xi32>
          %select_n3A_1074 = arith.select %lt3A_1070, %add3A_1073, %add3A_1012 : vector<16xi1>, vector<16xi32>
          %broadcast_in_dim3A_1075 = vector.shape_cast %select_n3A_1074 : vector<16xi32> to vector<16x1xi32>
          %gather3A_1076 = vector.shape_cast %broadcast_in_dim3A_1075 : vector<16x1xi32> to vector<16xi32>
          %gather3A_1077 = tpu.dynamic_gather %mul3A_241[%gather3A_1076] in [0] : vector<16xi32>, vector<16xi32> -> vector<16xi32>
          %add3A_1078 = arith.addi %gather3A_1077, %iota3A : vector<16xi32>
          %lt3A_1079 = arith.constant 0 : i32
          %lt3A_1080 = vector.broadcast %lt3A_1079 : i32 to vector<16xi32>
          %lt3A_1081 = arith.cmpi slt, %add3A_1012, %lt3A_1080 : vector<16xi32>
          %add3A_1082 = arith.constant 16 : i32
          %add3A_1083 = vector.broadcast %add3A_1082 : i32 to vector<16xi32>
          %add3A_1084 = arith.addi %add3A_1012, %add3A_1083 : vector<16xi32>
          %select_n3A_1085 = arith.select %lt3A_1081, %add3A_1084, %add3A_1012 : vector<16xi1>, vector<16xi32>
          %broadcast_in_dim3A_1086 = vector.shape_cast %select_n3A_1085 : vector<16xi32> to vector<16x1xi32>
          %gather3A_1087 = vector.shape_cast %broadcast_in_dim3A_1086 : vector<16x1xi32> to vector<16xi32>
          %gather3A_1088 = tpu.dynamic_gather %mul3A_244[%gather3A_1087] in [0] : vector<16xi32>, vector<16xi32> -> vector<16xi32>
          %add3A_1089 = arith.addi %gather3A_1088, %iota3A : vector<16xi32>
          %lt3A_1090 = arith.constant 0 : i32
          %lt3A_1091 = vector.broadcast %lt3A_1090 : i32 to vector<16xi32>
          %lt3A_1092 = arith.cmpi slt, %add3A_1012, %lt3A_1091 : vector<16xi32>
          %add3A_1093 = arith.constant 16 : i32
          %add3A_1094 = vector.broadcast %add3A_1093 : i32 to vector<16xi32>
          %add3A_1095 = arith.addi %add3A_1012, %add3A_1094 : vector<16xi32>
          %select_n3A_1096 = arith.select %lt3A_1092, %add3A_1095, %add3A_1012 : vector<16xi1>, vector<16xi32>
          %broadcast_in_dim3A_1097 = vector.shape_cast %select_n3A_1096 : vector<16xi32> to vector<16x1xi32>
          %gather3A_1098 = vector.shape_cast %broadcast_in_dim3A_1097 : vector<16x1xi32> to vector<16xi32>
          %gather3A_1099 = tpu.dynamic_gather %mul3A_247[%gather3A_1098] in [0] : vector<16xi32>, vector<16xi32> -> vector<16xi32>
          %add3A_1100 = arith.addi %gather3A_1099, %iota3A : vector<16xi32>
          %lt3A_1101 = arith.constant 0 : i32
          %lt3A_1102 = vector.broadcast %lt3A_1101 : i32 to vector<16xi32>
          %lt3A_1103 = arith.cmpi slt, %add3A_1012, %lt3A_1102 : vector<16xi32>
          %add3A_1104 = arith.constant 16 : i32
          %add3A_1105 = vector.broadcast %add3A_1104 : i32 to vector<16xi32>
          %add3A_1106 = arith.addi %add3A_1012, %add3A_1105 : vector<16xi32>
          %select_n3A_1107 = arith.select %lt3A_1103, %add3A_1106, %add3A_1012 : vector<16xi1>, vector<16xi32>
          %broadcast_in_dim3A_1108 = vector.shape_cast %select_n3A_1107 : vector<16xi32> to vector<16x1xi32>
          %gather3A_1109 = vector.shape_cast %broadcast_in_dim3A_1108 : vector<16x1xi32> to vector<16xi32>
          %gather3A_1110 = tpu.dynamic_gather %mul3A_250[%gather3A_1109] in [0] : vector<16xi32>, vector<16xi32> -> vector<16xi32>
          %add3A_1111 = arith.addi %gather3A_1110, %iota3A : vector<16xi32>
          %lt3A_1112 = arith.constant 0 : i32
          %lt3A_1113 = vector.broadcast %lt3A_1112 : i32 to vector<16xi32>
          %lt3A_1114 = arith.cmpi slt, %add3A_1012, %lt3A_1113 : vector<16xi32>
          %add3A_1115 = arith.constant 16 : i32
          %add3A_1116 = vector.broadcast %add3A_1115 : i32 to vector<16xi32>
          %add3A_1117 = arith.addi %add3A_1012, %add3A_1116 : vector<16xi32>
          %select_n3A_1118 = arith.select %lt3A_1114, %add3A_1117, %add3A_1012 : vector<16xi1>, vector<16xi32>
          %broadcast_in_dim3A_1119 = vector.shape_cast %select_n3A_1118 : vector<16xi32> to vector<16x1xi32>
          %gather3A_1120 = vector.shape_cast %broadcast_in_dim3A_1119 : vector<16x1xi32> to vector<16xi32>
          %gather3A_1121 = tpu.dynamic_gather %mul3A_253[%gather3A_1120] in [0] : vector<16xi32>, vector<16xi32> -> vector<16xi32>
          %add3A_1122 = arith.addi %gather3A_1121, %iota3A : vector<16xi32>
          %lt3A_1123 = arith.constant 0 : i32
          %lt3A_1124 = vector.broadcast %lt3A_1123 : i32 to vector<16xi32>
          %lt3A_1125 = arith.cmpi slt, %add3A_1012, %lt3A_1124 : vector<16xi32>
          %add3A_1126 = arith.constant 16 : i32
          %add3A_1127 = vector.broadcast %add3A_1126 : i32 to vector<16xi32>
          %add3A_1128 = arith.addi %add3A_1012, %add3A_1127 : vector<16xi32>
          %select_n3A_1129 = arith.select %lt3A_1125, %add3A_1128, %add3A_1012 : vector<16xi1>, vector<16xi32>
          %broadcast_in_dim3A_1130 = vector.shape_cast %select_n3A_1129 : vector<16xi32> to vector<16x1xi32>
          %gather3A_1131 = vector.shape_cast %broadcast_in_dim3A_1130 : vector<16x1xi32> to vector<16xi32>
          %gather3A_1132 = tpu.dynamic_gather %mul3A_256[%gather3A_1131] in [0] : vector<16xi32>, vector<16xi32> -> vector<16xi32>
          %add3A_1133 = arith.addi %gather3A_1132, %iota3A : vector<16xi32>
          %lt3A_1134 = arith.constant 0 : i32
          %lt3A_1135 = vector.broadcast %lt3A_1134 : i32 to vector<16xi32>
          %lt3A_1136 = arith.cmpi slt, %add3A_1012, %lt3A_1135 : vector<16xi32>
          %add3A_1137 = arith.constant 16 : i32
          %add3A_1138 = vector.broadcast %add3A_1137 : i32 to vector<16xi32>
          %add3A_1139 = arith.addi %add3A_1012, %add3A_1138 : vector<16xi32>
          %select_n3A_1140 = arith.select %lt3A_1136, %add3A_1139, %add3A_1012 : vector<16xi1>, vector<16xi32>
          %broadcast_in_dim3A_1141 = vector.shape_cast %select_n3A_1140 : vector<16xi32> to vector<16x1xi32>
          %gather3A_1142 = vector.shape_cast %broadcast_in_dim3A_1141 : vector<16x1xi32> to vector<16xi32>
          %gather3A_1143 = tpu.dynamic_gather %mul3A_259[%gather3A_1142] in [0] : vector<16xi32>, vector<16xi32> -> vector<16xi32>
          %add3A_1144 = arith.addi %gather3A_1143, %iota3A : vector<16xi32>
          %lt3A_1145 = arith.constant 0 : i32
          %lt3A_1146 = vector.broadcast %lt3A_1145 : i32 to vector<16xi32>
          %lt3A_1147 = arith.cmpi slt, %add3A_1012, %lt3A_1146 : vector<16xi32>
          %add3A_1148 = arith.constant 16 : i32
          %add3A_1149 = vector.broadcast %add3A_1148 : i32 to vector<16xi32>
          %add3A_1150 = arith.addi %add3A_1012, %add3A_1149 : vector<16xi32>
          %select_n3A_1151 = arith.select %lt3A_1147, %add3A_1150, %add3A_1012 : vector<16xi1>, vector<16xi32>
          %broadcast_in_dim3A_1152 = vector.shape_cast %select_n3A_1151 : vector<16xi32> to vector<16x1xi32>
          %gather3A_1153 = vector.shape_cast %broadcast_in_dim3A_1152 : vector<16x1xi32> to vector<16xi32>
          %gather3A_1154 = tpu.dynamic_gather %mul3A_262[%gather3A_1153] in [0] : vector<16xi32>, vector<16xi32> -> vector<16xi32>
          %add3A_1155 = arith.addi %gather3A_1154, %iota3A : vector<16xi32>
          %lt3A_1156 = arith.constant 0 : i32
          %lt3A_1157 = vector.broadcast %lt3A_1156 : i32 to vector<16xi32>
          %lt3A_1158 = arith.cmpi slt, %add3A_1012, %lt3A_1157 : vector<16xi32>
          %add3A_1159 = arith.constant 16 : i32
          %add3A_1160 = vector.broadcast %add3A_1159 : i32 to vector<16xi32>
          %add3A_1161 = arith.addi %add3A_1012, %add3A_1160 : vector<16xi32>
          %select_n3A_1162 = arith.select %lt3A_1158, %add3A_1161, %add3A_1012 : vector<16xi1>, vector<16xi32>
          %broadcast_in_dim3A_1163 = vector.shape_cast %select_n3A_1162 : vector<16xi32> to vector<16x1xi32>
          %gather3A_1164 = vector.shape_cast %broadcast_in_dim3A_1163 : vector<16x1xi32> to vector<16xi32>
          %gather3A_1165 = tpu.dynamic_gather %mul3A_265[%gather3A_1164] in [0] : vector<16xi32>, vector<16xi32> -> vector<16xi32>
          %add3A_1166 = arith.addi %gather3A_1165, %iota3A : vector<16xi32>
          %lt3A_1167 = arith.constant 0 : i32
          %lt3A_1168 = vector.broadcast %lt3A_1167 : i32 to vector<16xi32>
          %lt3A_1169 = arith.cmpi slt, %add3A_1012, %lt3A_1168 : vector<16xi32>
          %add3A_1170 = arith.constant 16 : i32
          %add3A_1171 = vector.broadcast %add3A_1170 : i32 to vector<16xi32>
          %add3A_1172 = arith.addi %add3A_1012, %add3A_1171 : vector<16xi32>
          %select_n3A_1173 = arith.select %lt3A_1169, %add3A_1172, %add3A_1012 : vector<16xi1>, vector<16xi32>
          %broadcast_in_dim3A_1174 = vector.shape_cast %select_n3A_1173 : vector<16xi32> to vector<16x1xi32>
          %gather3A_1175 = vector.shape_cast %broadcast_in_dim3A_1174 : vector<16x1xi32> to vector<16xi32>
          %gather3A_1176 = tpu.dynamic_gather %mul3A_268[%gather3A_1175] in [0] : vector<16xi32>, vector<16xi32> -> vector<16xi32>
          %add3A_1177 = arith.addi %gather3A_1176, %iota3A : vector<16xi32>
          %lt3A_1178 = arith.constant 0 : i32
          %lt3A_1179 = vector.broadcast %lt3A_1178 : i32 to vector<16xi32>
          %lt3A_1180 = arith.cmpi slt, %add3A_1012, %lt3A_1179 : vector<16xi32>
          %add3A_1181 = arith.constant 16 : i32
          %add3A_1182 = vector.broadcast %add3A_1181 : i32 to vector<16xi32>
          %add3A_1183 = arith.addi %add3A_1012, %add3A_1182 : vector<16xi32>
          %select_n3A_1184 = arith.select %lt3A_1180, %add3A_1183, %add3A_1012 : vector<16xi1>, vector<16xi32>
          %broadcast_in_dim3A_1185 = vector.shape_cast %select_n3A_1184 : vector<16xi32> to vector<16x1xi32>
          %gather3A_1186 = vector.shape_cast %broadcast_in_dim3A_1185 : vector<16x1xi32> to vector<16xi32>
          %gather3A_1187 = tpu.dynamic_gather %mul3A_271[%gather3A_1186] in [0] : vector<16xi32>, vector<16xi32> -> vector<16xi32>
          %add3A_1188 = arith.addi %gather3A_1187, %iota3A : vector<16xi32>
          %mul3A_1189 = arith.constant 16 : i32
          %mul3A_1190 = arith.muli %scan3A_51, %mul3A_1189 : i32
          %add3A_1191 = arith.addi %mul3A_1190, %add3A_1010 : i32
          %mul3A_1192 = arith.constant 128 : i32
          %mul3A_1193 = arith.muli %add3A_1191, %mul3A_1192 : i32
          %gather3A_1194 = arith.constant 0 : i32
          %gather3A_1195 = tpu.memref_slice %arg6[%gather3A_1194] : memref<99328xf32, #tpu.memory_space<vmem>> -> memref<99328xf32, #tpu.memory_space<vmem>>
          %gather3A_1196 = tpu.vector_load_idx %gather3A_1195[%add3A_1023] : memref<99328xf32, #tpu.memory_space<vmem>>[vector<16xi32>], vector<16xf32>,
          %gather3A_1197 = arith.constant 0 : i32
          %gather3A_1198 = tpu.memref_slice %arg6[%gather3A_1197] : memref<99328xf32, #tpu.memory_space<vmem>> -> memref<99328xf32, #tpu.memory_space<vmem>>
          %gather3A_1199 = tpu.vector_load_idx %gather3A_1198[%add3A_1034] : memref<99328xf32, #tpu.memory_space<vmem>>[vector<16xi32>], vector<16xf32>,
          %gather3A_1200 = arith.constant 0 : i32
          %gather3A_1201 = tpu.memref_slice %arg6[%gather3A_1200] : memref<99328xf32, #tpu.memory_space<vmem>> -> memref<99328xf32, #tpu.memory_space<vmem>>
          %gather3A_1202 = tpu.vector_load_idx %gather3A_1201[%add3A_1045] : memref<99328xf32, #tpu.memory_space<vmem>>[vector<16xi32>], vector<16xf32>,
          %gather3A_1203 = arith.constant 0 : i32
          %gather3A_1204 = tpu.memref_slice %arg6[%gather3A_1203] : memref<99328xf32, #tpu.memory_space<vmem>> -> memref<99328xf32, #tpu.memory_space<vmem>>
          %gather3A_1205 = tpu.vector_load_idx %gather3A_1204[%add3A_1056] : memref<99328xf32, #tpu.memory_space<vmem>>[vector<16xi32>], vector<16xf32>,
          %gather3A_1206 = arith.constant 0 : i32
          %gather3A_1207 = tpu.memref_slice %arg6[%gather3A_1206] : memref<99328xf32, #tpu.memory_space<vmem>> -> memref<99328xf32, #tpu.memory_space<vmem>>
          %gather3A_1208 = tpu.vector_load_idx %gather3A_1207[%add3A_1067] : memref<99328xf32, #tpu.memory_space<vmem>>[vector<16xi32>], vector<16xf32>,
          %gather3A_1209 = arith.constant 0 : i32
          %gather3A_1210 = tpu.memref_slice %arg6[%gather3A_1209] : memref<99328xf32, #tpu.memory_space<vmem>> -> memref<99328xf32, #tpu.memory_space<vmem>>
          %gather3A_1211 = tpu.vector_load_idx %gather3A_1210[%add3A_1078] : memref<99328xf32, #tpu.memory_space<vmem>>[vector<16xi32>], vector<16xf32>,
          %gather3A_1212 = arith.constant 0 : i32
          %gather3A_1213 = tpu.memref_slice %arg6[%gather3A_1212] : memref<99328xf32, #tpu.memory_space<vmem>> -> memref<99328xf32, #tpu.memory_space<vmem>>
          %gather3A_1214 = tpu.vector_load_idx %gather3A_1213[%add3A_1089] : memref<99328xf32, #tpu.memory_space<vmem>>[vector<16xi32>], vector<16xf32>,
          %gather3A_1215 = arith.constant 0 : i32
          %gather3A_1216 = tpu.memref_slice %arg6[%gather3A_1215] : memref<99328xf32, #tpu.memory_space<vmem>> -> memref<99328xf32, #tpu.memory_space<vmem>>
          %gather3A_1217 = tpu.vector_load_idx %gather3A_1216[%add3A_1100] : memref<99328xf32, #tpu.memory_space<vmem>>[vector<16xi32>], vector<16xf32>,
          %gather3A_1218 = arith.constant 0 : i32
          %gather3A_1219 = tpu.memref_slice %arg6[%gather3A_1218] : memref<99328xf32, #tpu.memory_space<vmem>> -> memref<99328xf32, #tpu.memory_space<vmem>>
          %gather3A_1220 = tpu.vector_load_idx %gather3A_1219[%add3A_1111] : memref<99328xf32, #tpu.memory_space<vmem>>[vector<16xi32>], vector<16xf32>,
          %gather3A_1221 = arith.constant 0 : i32
          %gather3A_1222 = tpu.memref_slice %arg6[%gather3A_1221] : memref<99328xf32, #tpu.memory_space<vmem>> -> memref<99328xf32, #tpu.memory_space<vmem>>
          %gather3A_1223 = tpu.vector_load_idx %gather3A_1222[%add3A_1122] : memref<99328xf32, #tpu.memory_space<vmem>>[vector<16xi32>], vector<16xf32>,
          %gather3A_1224 = arith.constant 0 : i32
          %gather3A_1225 = tpu.memref_slice %arg6[%gather3A_1224] : memref<99328xf32, #tpu.memory_space<vmem>> -> memref<99328xf32, #tpu.memory_space<vmem>>
          %gather3A_1226 = tpu.vector_load_idx %gather3A_1225[%add3A_1133] : memref<99328xf32, #tpu.memory_space<vmem>>[vector<16xi32>], vector<16xf32>,
          %gather3A_1227 = arith.constant 0 : i32
          %gather3A_1228 = tpu.memref_slice %arg6[%gather3A_1227] : memref<99328xf32, #tpu.memory_space<vmem>> -> memref<99328xf32, #tpu.memory_space<vmem>>
          %gather3A_1229 = tpu.vector_load_idx %gather3A_1228[%add3A_1144] : memref<99328xf32, #tpu.memory_space<vmem>>[vector<16xi32>], vector<16xf32>,
          %gather3A_1230 = arith.constant 0 : i32
          %gather3A_1231 = tpu.memref_slice %arg6[%gather3A_1230] : memref<99328xf32, #tpu.memory_space<vmem>> -> memref<99328xf32, #tpu.memory_space<vmem>>
          %gather3A_1232 = tpu.vector_load_idx %gather3A_1231[%add3A_1155] : memref<99328xf32, #tpu.memory_space<vmem>>[vector<16xi32>], vector<16xf32>,
          %gather3A_1233 = arith.constant 0 : i32
          %gather3A_1234 = tpu.memref_slice %arg6[%gather3A_1233] : memref<99328xf32, #tpu.memory_space<vmem>> -> memref<99328xf32, #tpu.memory_space<vmem>>
          %gather3A_1235 = tpu.vector_load_idx %gather3A_1234[%add3A_1166] : memref<99328xf32, #tpu.memory_space<vmem>>[vector<16xi32>], vector<16xf32>,
          %gather3A_1236 = arith.constant 0 : i32
          %gather3A_1237 = tpu.memref_slice %arg6[%gather3A_1236] : memref<99328xf32, #tpu.memory_space<vmem>> -> memref<99328xf32, #tpu.memory_space<vmem>>
          %gather3A_1238 = tpu.vector_load_idx %gather3A_1237[%add3A_1177] : memref<99328xf32, #tpu.memory_space<vmem>>[vector<16xi32>], vector<16xf32>,
          %gather3A_1239 = arith.constant 0 : i32
          %gather3A_1240 = tpu.memref_slice %arg6[%gather3A_1239] : memref<99328xf32, #tpu.memory_space<vmem>> -> memref<99328xf32, #tpu.memory_space<vmem>>
          %gather3A_1241 = tpu.vector_load_idx %gather3A_1240[%add3A_1188] : memref<99328xf32, #tpu.memory_space<vmem>>[vector<16xi32>], vector<16xf32>,
          %gather3A_1242 = arith.constant 16 : i32
          %gather3A_1243 = tpu.memref_slice %arg6[%gather3A_1242] : memref<99328xf32, #tpu.memory_space<vmem>> -> memref<99312xf32, #tpu.memory_space<vmem>>
          %gather3A_1244 = tpu.vector_load_idx %gather3A_1243[%add3A_1023] : memref<99312xf32, #tpu.memory_space<vmem>>[vector<16xi32>], vector<16xf32>,
          %gather3A_1245 = arith.constant 16 : i32
          %gather3A_1246 = tpu.memref_slice %arg6[%gather3A_1245] : memref<99328xf32, #tpu.memory_space<vmem>> -> memref<99312xf32, #tpu.memory_space<vmem>>
          %gather3A_1247 = tpu.vector_load_idx %gather3A_1246[%add3A_1034] : memref<99312xf32, #tpu.memory_space<vmem>>[vector<16xi32>], vector<16xf32>,
          %gather3A_1248 = arith.constant 16 : i32
          %gather3A_1249 = tpu.memref_slice %arg6[%gather3A_1248] : memref<99328xf32, #tpu.memory_space<vmem>> -> memref<99312xf32, #tpu.memory_space<vmem>>
          %gather3A_1250 = tpu.vector_load_idx %gather3A_1249[%add3A_1045] : memref<99312xf32, #tpu.memory_space<vmem>>[vector<16xi32>], vector<16xf32>,
          %gather3A_1251 = arith.constant 16 : i32
          %gather3A_1252 = tpu.memref_slice %arg6[%gather3A_1251] : memref<99328xf32, #tpu.memory_space<vmem>> -> memref<99312xf32, #tpu.memory_space<vmem>>
          %gather3A_1253 = tpu.vector_load_idx %gather3A_1252[%add3A_1056] : memref<99312xf32, #tpu.memory_space<vmem>>[vector<16xi32>], vector<16xf32>,
          %gather3A_1254 = arith.constant 16 : i32
          %gather3A_1255 = tpu.memref_slice %arg6[%gather3A_1254] : memref<99328xf32, #tpu.memory_space<vmem>> -> memref<99312xf32, #tpu.memory_space<vmem>>
          %gather3A_1256 = tpu.vector_load_idx %gather3A_1255[%add3A_1067] : memref<99312xf32, #tpu.memory_space<vmem>>[vector<16xi32>], vector<16xf32>,
          %gather3A_1257 = arith.constant 16 : i32
          %gather3A_1258 = tpu.memref_slice %arg6[%gather3A_1257] : memref<99328xf32, #tpu.memory_space<vmem>> -> memref<99312xf32, #tpu.memory_space<vmem>>
          %gather3A_1259 = tpu.vector_load_idx %gather3A_1258[%add3A_1078] : memref<99312xf32, #tpu.memory_space<vmem>>[vector<16xi32>], vector<16xf32>,
          %gather3A_1260 = arith.constant 16 : i32
          %gather3A_1261 = tpu.memref_slice %arg6[%gather3A_1260] : memref<99328xf32, #tpu.memory_space<vmem>> -> memref<99312xf32, #tpu.memory_space<vmem>>
          %gather3A_1262 = tpu.vector_load_idx %gather3A_1261[%add3A_1089] : memref<99312xf32, #tpu.memory_space<vmem>>[vector<16xi32>], vector<16xf32>,
          %gather3A_1263 = arith.constant 16 : i32
          %gather3A_1264 = tpu.memref_slice %arg6[%gather3A_1263] : memref<99328xf32, #tpu.memory_space<vmem>> -> memref<99312xf32, #tpu.memory_space<vmem>>
          %gather3A_1265 = tpu.vector_load_idx %gather3A_1264[%add3A_1100] : memref<99312xf32, #tpu.memory_space<vmem>>[vector<16xi32>], vector<16xf32>,
          %gather3A_1266 = arith.constant 16 : i32
          %gather3A_1267 = tpu.memref_slice %arg6[%gather3A_1266] : memref<99328xf32, #tpu.memory_space<vmem>> -> memref<99312xf32, #tpu.memory_space<vmem>>
          %gather3A_1268 = tpu.vector_load_idx %gather3A_1267[%add3A_1111] : memref<99312xf32, #tpu.memory_space<vmem>>[vector<16xi32>], vector<16xf32>,
          %gather3A_1269 = arith.constant 16 : i32
          %gather3A_1270 = tpu.memref_slice %arg6[%gather3A_1269] : memref<99328xf32, #tpu.memory_space<vmem>> -> memref<99312xf32, #tpu.memory_space<vmem>>
          %gather3A_1271 = tpu.vector_load_idx %gather3A_1270[%add3A_1122] : memref<99312xf32, #tpu.memory_space<vmem>>[vector<16xi32>], vector<16xf32>,
          %gather3A_1272 = arith.constant 16 : i32
          %gather3A_1273 = tpu.memref_slice %arg6[%gather3A_1272] : memref<99328xf32, #tpu.memory_space<vmem>> -> memref<99312xf32, #tpu.memory_space<vmem>>
          %gather3A_1274 = tpu.vector_load_idx %gather3A_1273[%add3A_1133] : memref<99312xf32, #tpu.memory_space<vmem>>[vector<16xi32>], vector<16xf32>,
          %gather3A_1275 = arith.constant 16 : i32
          %gather3A_1276 = tpu.memref_slice %arg6[%gather3A_1275] : memref<99328xf32, #tpu.memory_space<vmem>> -> memref<99312xf32, #tpu.memory_space<vmem>>
          %gather3A_1277 = tpu.vector_load_idx %gather3A_1276[%add3A_1144] : memref<99312xf32, #tpu.memory_space<vmem>>[vector<16xi32>], vector<16xf32>,
          %gather3A_1278 = arith.constant 16 : i32
          %gather3A_1279 = tpu.memref_slice %arg6[%gather3A_1278] : memref<99328xf32, #tpu.memory_space<vmem>> -> memref<99312xf32, #tpu.memory_space<vmem>>
          %gather3A_1280 = tpu.vector_load_idx %gather3A_1279[%add3A_1155] : memref<99312xf32, #tpu.memory_space<vmem>>[vector<16xi32>], vector<16xf32>,
          %gather3A_1281 = arith.constant 16 : i32
          %gather3A_1282 = tpu.memref_slice %arg6[%gather3A_1281] : memref<99328xf32, #tpu.memory_space<vmem>> -> memref<99312xf32, #tpu.memory_space<vmem>>
          %gather3A_1283 = tpu.vector_load_idx %gather3A_1282[%add3A_1166] : memref<99312xf32, #tpu.memory_space<vmem>>[vector<16xi32>], vector<16xf32>,
          %gather3A_1284 = arith.constant 16 : i32
          %gather3A_1285 = tpu.memref_slice %arg6[%gather3A_1284] : memref<99328xf32, #tpu.memory_space<vmem>> -> memref<99312xf32, #tpu.memory_space<vmem>>
          %gather3A_1286 = tpu.vector_load_idx %gather3A_1285[%add3A_1177] : memref<99312xf32, #tpu.memory_space<vmem>>[vector<16xi32>], vector<16xf32>,
          %gather3A_1287 = arith.constant 16 : i32
          %gather3A_1288 = tpu.memref_slice %arg6[%gather3A_1287] : memref<99328xf32, #tpu.memory_space<vmem>> -> memref<99312xf32, #tpu.memory_space<vmem>>
          %gather3A_1289 = tpu.vector_load_idx %gather3A_1288[%add3A_1188] : memref<99312xf32, #tpu.memory_space<vmem>>[vector<16xi32>], vector<16xf32>,
          %add3A_1290 = arith.addf %gather3A_1196, %gather3A_1199 : vector<16xf32>
          %add3A_1291 = arith.addf %gather3A_1202, %gather3A_1205 : vector<16xf32>
          %add3A_1292 = arith.addf %gather3A_1208, %gather3A_1211 : vector<16xf32>
          %add3A_1293 = arith.addf %gather3A_1214, %gather3A_1217 : vector<16xf32>
          %add3A_1294 = arith.addf %gather3A_1220, %gather3A_1223 : vector<16xf32>
          %add3A_1295 = arith.addf %gather3A_1226, %gather3A_1229 : vector<16xf32>
          %add3A_1296 = arith.addf %gather3A_1232, %gather3A_1235 : vector<16xf32>
          %add3A_1297 = arith.addf %gather3A_1238, %gather3A_1241 : vector<16xf32>
          %add3A_1298 = arith.addf %gather3A_1244, %gather3A_1247 : vector<16xf32>
          %add3A_1299 = arith.addf %gather3A_1250, %gather3A_1253 : vector<16xf32>
          %add3A_1300 = arith.addf %gather3A_1256, %gather3A_1259 : vector<16xf32>
          %add3A_1301 = arith.addf %gather3A_1262, %gather3A_1265 : vector<16xf32>
          %add3A_1302 = arith.addf %gather3A_1268, %gather3A_1271 : vector<16xf32>
          %add3A_1303 = arith.addf %gather3A_1274, %gather3A_1277 : vector<16xf32>
          %add3A_1304 = arith.addf %gather3A_1280, %gather3A_1283 : vector<16xf32>
          %add3A_1305 = arith.addf %gather3A_1286, %gather3A_1289 : vector<16xf32>
          %add3A_1306 = arith.addf %add3A_1290, %add3A_1291 : vector<16xf32>
          %add3A_1307 = arith.addf %add3A_1292, %add3A_1293 : vector<16xf32>
          %add3A_1308 = arith.addf %add3A_1294, %add3A_1295 : vector<16xf32>
          %add3A_1309 = arith.addf %add3A_1296, %add3A_1297 : vector<16xf32>
          %add3A_1310 = arith.addf %add3A_1298, %add3A_1299 : vector<16xf32>
          %add3A_1311 = arith.addf %add3A_1300, %add3A_1301 : vector<16xf32>
          %add3A_1312 = arith.addf %add3A_1302, %add3A_1303 : vector<16xf32>
          %add3A_1313 = arith.addf %add3A_1304, %add3A_1305 : vector<16xf32>
          %add3A_1314 = arith.addf %add3A_1306, %add3A_1307 : vector<16xf32>
          %add3A_1315 = arith.addf %add3A_1308, %add3A_1309 : vector<16xf32>
          %add3A_1316 = arith.addf %add3A_1314, %add3A_1315 : vector<16xf32>
          %add3A_1317 = arith.constant 0 : i32
          %add3A_1318 = arith.addi %mul3A_1193, %add3A_1317 : i32
          %swap3A_1319 = arith.index_cast %add3A_1318 : i32 to index
          %swap3A_1320 = tpu.vector_load %arg9[%swap3A_1319] {strides = array<i32>} : memref<16384xf32, #tpu.memory_space<vmem>>, vector<16xf32>,
          tpu.vector_store %arg9[%swap3A_1319], %add3A_1316 {strides = array<i32>} : memref<16384xf32, #tpu.memory_space<vmem>>, vector<16xf32>,
          %add3A_1321 = arith.addf %add3A_1310, %add3A_1311 : vector<16xf32>
          %add3A_1322 = arith.addf %add3A_1312, %add3A_1313 : vector<16xf32>
          %add3A_1323 = arith.addf %add3A_1321, %add3A_1322 : vector<16xf32>
          %add3A_1324 = arith.constant 0 : i32
          %add3A_1325 = arith.addi %mul3A_1193, %add3A_1324 : i32
          %add3A_1326 = arith.constant 16 : i32
          %add3A_1327 = arith.addi %add3A_1325, %add3A_1326 : i32
          %swap3A_1328 = arith.index_cast %add3A_1327 : i32 to index
          %swap3A_1329 = tpu.vector_load %arg9[%swap3A_1328] {strides = array<i32>} : memref<16384xf32, #tpu.memory_space<vmem>>, vector<16xf32>,
          tpu.vector_store %arg9[%swap3A_1328], %add3A_1323 {strides = array<i32>} : memref<16384xf32, #tpu.memory_space<vmem>>, vector<16xf32>,
          %gather3A_1330 = arith.constant 32 : i32
          %gather3A_1331 = tpu.memref_slice %arg6[%gather3A_1330] : memref<99328xf32, #tpu.memory_space<vmem>> -> memref<99296xf32, #tpu.memory_space<vmem>>
          %gather3A_1332 = tpu.vector_load_idx %gather3A_1331[%add3A_1023] : memref<99296xf32, #tpu.memory_space<vmem>>[vector<16xi32>], vector<16xf32>,
          %gather3A_1333 = arith.constant 32 : i32
          %gather3A_1334 = tpu.memref_slice %arg6[%gather3A_1333] : memref<99328xf32, #tpu.memory_space<vmem>> -> memref<99296xf32, #tpu.memory_space<vmem>>
          %gather3A_1335 = tpu.vector_load_idx %gather3A_1334[%add3A_1034] : memref<99296xf32, #tpu.memory_space<vmem>>[vector<16xi32>], vector<16xf32>,
          %gather3A_1336 = arith.constant 32 : i32
          %gather3A_1337 = tpu.memref_slice %arg6[%gather3A_1336] : memref<99328xf32, #tpu.memory_space<vmem>> -> memref<99296xf32, #tpu.memory_space<vmem>>
          %gather3A_1338 = tpu.vector_load_idx %gather3A_1337[%add3A_1045] : memref<99296xf32, #tpu.memory_space<vmem>>[vector<16xi32>], vector<16xf32>,
          %gather3A_1339 = arith.constant 32 : i32
          %gather3A_1340 = tpu.memref_slice %arg6[%gather3A_1339] : memref<99328xf32, #tpu.memory_space<vmem>> -> memref<99296xf32, #tpu.memory_space<vmem>>
          %gather3A_1341 = tpu.vector_load_idx %gather3A_1340[%add3A_1056] : memref<99296xf32, #tpu.memory_space<vmem>>[vector<16xi32>], vector<16xf32>,
          %gather3A_1342 = arith.constant 32 : i32
          %gather3A_1343 = tpu.memref_slice %arg6[%gather3A_1342] : memref<99328xf32, #tpu.memory_space<vmem>> -> memref<99296xf32, #tpu.memory_space<vmem>>
          %gather3A_1344 = tpu.vector_load_idx %gather3A_1343[%add3A_1067] : memref<99296xf32, #tpu.memory_space<vmem>>[vector<16xi32>], vector<16xf32>,
          %gather3A_1345 = arith.constant 32 : i32
          %gather3A_1346 = tpu.memref_slice %arg6[%gather3A_1345] : memref<99328xf32, #tpu.memory_space<vmem>> -> memref<99296xf32, #tpu.memory_space<vmem>>
          %gather3A_1347 = tpu.vector_load_idx %gather3A_1346[%add3A_1078] : memref<99296xf32, #tpu.memory_space<vmem>>[vector<16xi32>], vector<16xf32>,
          %gather3A_1348 = arith.constant 32 : i32
          %gather3A_1349 = tpu.memref_slice %arg6[%gather3A_1348] : memref<99328xf32, #tpu.memory_space<vmem>> -> memref<99296xf32, #tpu.memory_space<vmem>>
          %gather3A_1350 = tpu.vector_load_idx %gather3A_1349[%add3A_1089] : memref<99296xf32, #tpu.memory_space<vmem>>[vector<16xi32>], vector<16xf32>,
          %gather3A_1351 = arith.constant 32 : i32
          %gather3A_1352 = tpu.memref_slice %arg6[%gather3A_1351] : memref<99328xf32, #tpu.memory_space<vmem>> -> memref<99296xf32, #tpu.memory_space<vmem>>
          %gather3A_1353 = tpu.vector_load_idx %gather3A_1352[%add3A_1100] : memref<99296xf32, #tpu.memory_space<vmem>>[vector<16xi32>], vector<16xf32>,
          %gather3A_1354 = arith.constant 32 : i32
          %gather3A_1355 = tpu.memref_slice %arg6[%gather3A_1354] : memref<99328xf32, #tpu.memory_space<vmem>> -> memref<99296xf32, #tpu.memory_space<vmem>>
          %gather3A_1356 = tpu.vector_load_idx %gather3A_1355[%add3A_1111] : memref<99296xf32, #tpu.memory_space<vmem>>[vector<16xi32>], vector<16xf32>,
          %gather3A_1357 = arith.constant 32 : i32
          %gather3A_1358 = tpu.memref_slice %arg6[%gather3A_1357] : memref<99328xf32, #tpu.memory_space<vmem>> -> memref<99296xf32, #tpu.memory_space<vmem>>
          %gather3A_1359 = tpu.vector_load_idx %gather3A_1358[%add3A_1122] : memref<99296xf32, #tpu.memory_space<vmem>>[vector<16xi32>], vector<16xf32>,
          %gather3A_1360 = arith.constant 32 : i32
          %gather3A_1361 = tpu.memref_slice %arg6[%gather3A_1360] : memref<99328xf32, #tpu.memory_space<vmem>> -> memref<99296xf32, #tpu.memory_space<vmem>>
          %gather3A_1362 = tpu.vector_load_idx %gather3A_1361[%add3A_1133] : memref<99296xf32, #tpu.memory_space<vmem>>[vector<16xi32>], vector<16xf32>,
          %gather3A_1363 = arith.constant 32 : i32
          %gather3A_1364 = tpu.memref_slice %arg6[%gather3A_1363] : memref<99328xf32, #tpu.memory_space<vmem>> -> memref<99296xf32, #tpu.memory_space<vmem>>
          %gather3A_1365 = tpu.vector_load_idx %gather3A_1364[%add3A_1144] : memref<99296xf32, #tpu.memory_space<vmem>>[vector<16xi32>], vector<16xf32>,
          %gather3A_1366 = arith.constant 32 : i32
          %gather3A_1367 = tpu.memref_slice %arg6[%gather3A_1366] : memref<99328xf32, #tpu.memory_space<vmem>> -> memref<99296xf32, #tpu.memory_space<vmem>>
          %gather3A_1368 = tpu.vector_load_idx %gather3A_1367[%add3A_1155] : memref<99296xf32, #tpu.memory_space<vmem>>[vector<16xi32>], vector<16xf32>,
          %gather3A_1369 = arith.constant 32 : i32
          %gather3A_1370 = tpu.memref_slice %arg6[%gather3A_1369] : memref<99328xf32, #tpu.memory_space<vmem>> -> memref<99296xf32, #tpu.memory_space<vmem>>
          %gather3A_1371 = tpu.vector_load_idx %gather3A_1370[%add3A_1166] : memref<99296xf32, #tpu.memory_space<vmem>>[vector<16xi32>], vector<16xf32>,
          %gather3A_1372 = arith.constant 32 : i32
          %gather3A_1373 = tpu.memref_slice %arg6[%gather3A_1372] : memref<99328xf32, #tpu.memory_space<vmem>> -> memref<99296xf32, #tpu.memory_space<vmem>>
          %gather3A_1374 = tpu.vector_load_idx %gather3A_1373[%add3A_1177] : memref<99296xf32, #tpu.memory_space<vmem>>[vector<16xi32>], vector<16xf32>,
          %gather3A_1375 = arith.constant 32 : i32
          %gather3A_1376 = tpu.memref_slice %arg6[%gather3A_1375] : memref<99328xf32, #tpu.memory_space<vmem>> -> memref<99296xf32, #tpu.memory_space<vmem>>
          %gather3A_1377 = tpu.vector_load_idx %gather3A_1376[%add3A_1188] : memref<99296xf32, #tpu.memory_space<vmem>>[vector<16xi32>], vector<16xf32>,
          %gather3A_1378 = arith.constant 48 : i32
          %gather3A_1379 = tpu.memref_slice %arg6[%gather3A_1378] : memref<99328xf32, #tpu.memory_space<vmem>> -> memref<99280xf32, #tpu.memory_space<vmem>>
          %gather3A_1380 = tpu.vector_load_idx %gather3A_1379[%add3A_1023] : memref<99280xf32, #tpu.memory_space<vmem>>[vector<16xi32>], vector<16xf32>,
          %gather3A_1381 = arith.constant 48 : i32
          %gather3A_1382 = tpu.memref_slice %arg6[%gather3A_1381] : memref<99328xf32, #tpu.memory_space<vmem>> -> memref<99280xf32, #tpu.memory_space<vmem>>
          %gather3A_1383 = tpu.vector_load_idx %gather3A_1382[%add3A_1034] : memref<99280xf32, #tpu.memory_space<vmem>>[vector<16xi32>], vector<16xf32>,
          %gather3A_1384 = arith.constant 48 : i32
          %gather3A_1385 = tpu.memref_slice %arg6[%gather3A_1384] : memref<99328xf32, #tpu.memory_space<vmem>> -> memref<99280xf32, #tpu.memory_space<vmem>>
          %gather3A_1386 = tpu.vector_load_idx %gather3A_1385[%add3A_1045] : memref<99280xf32, #tpu.memory_space<vmem>>[vector<16xi32>], vector<16xf32>,
          %gather3A_1387 = arith.constant 48 : i32
          %gather3A_1388 = tpu.memref_slice %arg6[%gather3A_1387] : memref<99328xf32, #tpu.memory_space<vmem>> -> memref<99280xf32, #tpu.memory_space<vmem>>
          %gather3A_1389 = tpu.vector_load_idx %gather3A_1388[%add3A_1056] : memref<99280xf32, #tpu.memory_space<vmem>>[vector<16xi32>], vector<16xf32>,
          %gather3A_1390 = arith.constant 48 : i32
          %gather3A_1391 = tpu.memref_slice %arg6[%gather3A_1390] : memref<99328xf32, #tpu.memory_space<vmem>> -> memref<99280xf32, #tpu.memory_space<vmem>>
          %gather3A_1392 = tpu.vector_load_idx %gather3A_1391[%add3A_1067] : memref<99280xf32, #tpu.memory_space<vmem>>[vector<16xi32>], vector<16xf32>,
          %gather3A_1393 = arith.constant 48 : i32
          %gather3A_1394 = tpu.memref_slice %arg6[%gather3A_1393] : memref<99328xf32, #tpu.memory_space<vmem>> -> memref<99280xf32, #tpu.memory_space<vmem>>
          %gather3A_1395 = tpu.vector_load_idx %gather3A_1394[%add3A_1078] : memref<99280xf32, #tpu.memory_space<vmem>>[vector<16xi32>], vector<16xf32>,
          %gather3A_1396 = arith.constant 48 : i32
          %gather3A_1397 = tpu.memref_slice %arg6[%gather3A_1396] : memref<99328xf32, #tpu.memory_space<vmem>> -> memref<99280xf32, #tpu.memory_space<vmem>>
          %gather3A_1398 = tpu.vector_load_idx %gather3A_1397[%add3A_1089] : memref<99280xf32, #tpu.memory_space<vmem>>[vector<16xi32>], vector<16xf32>,
          %gather3A_1399 = arith.constant 48 : i32
          %gather3A_1400 = tpu.memref_slice %arg6[%gather3A_1399] : memref<99328xf32, #tpu.memory_space<vmem>> -> memref<99280xf32, #tpu.memory_space<vmem>>
          %gather3A_1401 = tpu.vector_load_idx %gather3A_1400[%add3A_1100] : memref<99280xf32, #tpu.memory_space<vmem>>[vector<16xi32>], vector<16xf32>,
          %gather3A_1402 = arith.constant 48 : i32
          %gather3A_1403 = tpu.memref_slice %arg6[%gather3A_1402] : memref<99328xf32, #tpu.memory_space<vmem>> -> memref<99280xf32, #tpu.memory_space<vmem>>
          %gather3A_1404 = tpu.vector_load_idx %gather3A_1403[%add3A_1111] : memref<99280xf32, #tpu.memory_space<vmem>>[vector<16xi32>], vector<16xf32>,
          %gather3A_1405 = arith.constant 48 : i32
          %gather3A_1406 = tpu.memref_slice %arg6[%gather3A_1405] : memref<99328xf32, #tpu.memory_space<vmem>> -> memref<99280xf32, #tpu.memory_space<vmem>>
          %gather3A_1407 = tpu.vector_load_idx %gather3A_1406[%add3A_1122] : memref<99280xf32, #tpu.memory_space<vmem>>[vector<16xi32>], vector<16xf32>,
          %gather3A_1408 = arith.constant 48 : i32
          %gather3A_1409 = tpu.memref_slice %arg6[%gather3A_1408] : memref<99328xf32, #tpu.memory_space<vmem>> -> memref<99280xf32, #tpu.memory_space<vmem>>
          %gather3A_1410 = tpu.vector_load_idx %gather3A_1409[%add3A_1133] : memref<99280xf32, #tpu.memory_space<vmem>>[vector<16xi32>], vector<16xf32>,
          %gather3A_1411 = arith.constant 48 : i32
          %gather3A_1412 = tpu.memref_slice %arg6[%gather3A_1411] : memref<99328xf32, #tpu.memory_space<vmem>> -> memref<99280xf32, #tpu.memory_space<vmem>>
          %gather3A_1413 = tpu.vector_load_idx %gather3A_1412[%add3A_1144] : memref<99280xf32, #tpu.memory_space<vmem>>[vector<16xi32>], vector<16xf32>,
          %gather3A_1414 = arith.constant 48 : i32
          %gather3A_1415 = tpu.memref_slice %arg6[%gather3A_1414] : memref<99328xf32, #tpu.memory_space<vmem>> -> memref<99280xf32, #tpu.memory_space<vmem>>
          %gather3A_1416 = tpu.vector_load_idx %gather3A_1415[%add3A_1155] : memref<99280xf32, #tpu.memory_space<vmem>>[vector<16xi32>], vector<16xf32>,
          %gather3A_1417 = arith.constant 48 : i32
          %gather3A_1418 = tpu.memref_slice %arg6[%gather3A_1417] : memref<99328xf32, #tpu.memory_space<vmem>> -> memref<99280xf32, #tpu.memory_space<vmem>>
          %gather3A_1419 = tpu.vector_load_idx %gather3A_1418[%add3A_1166] : memref<99280xf32, #tpu.memory_space<vmem>>[vector<16xi32>], vector<16xf32>,
          %gather3A_1420 = arith.constant 48 : i32
          %gather3A_1421 = tpu.memref_slice %arg6[%gather3A_1420] : memref<99328xf32, #tpu.memory_space<vmem>> -> memref<99280xf32, #tpu.memory_space<vmem>>
          %gather3A_1422 = tpu.vector_load_idx %gather3A_1421[%add3A_1177] : memref<99280xf32, #tpu.memory_space<vmem>>[vector<16xi32>], vector<16xf32>,
          %gather3A_1423 = arith.constant 48 : i32
          %gather3A_1424 = tpu.memref_slice %arg6[%gather3A_1423] : memref<99328xf32, #tpu.memory_space<vmem>> -> memref<99280xf32, #tpu.memory_space<vmem>>
          %gather3A_1425 = tpu.vector_load_idx %gather3A_1424[%add3A_1188] : memref<99280xf32, #tpu.memory_space<vmem>>[vector<16xi32>], vector<16xf32>,
          %add3A_1426 = arith.addf %gather3A_1332, %gather3A_1335 : vector<16xf32>
          %add3A_1427 = arith.addf %gather3A_1338, %gather3A_1341 : vector<16xf32>
          %add3A_1428 = arith.addf %gather3A_1344, %gather3A_1347 : vector<16xf32>
          %add3A_1429 = arith.addf %gather3A_1350, %gather3A_1353 : vector<16xf32>
          %add3A_1430 = arith.addf %gather3A_1356, %gather3A_1359 : vector<16xf32>
          %add3A_1431 = arith.addf %gather3A_1362, %gather3A_1365 : vector<16xf32>
          %add3A_1432 = arith.addf %gather3A_1368, %gather3A_1371 : vector<16xf32>
          %add3A_1433 = arith.addf %gather3A_1374, %gather3A_1377 : vector<16xf32>
          %add3A_1434 = arith.addf %gather3A_1380, %gather3A_1383 : vector<16xf32>
          %add3A_1435 = arith.addf %gather3A_1386, %gather3A_1389 : vector<16xf32>
          %add3A_1436 = arith.addf %gather3A_1392, %gather3A_1395 : vector<16xf32>
          %add3A_1437 = arith.addf %gather3A_1398, %gather3A_1401 : vector<16xf32>
          %add3A_1438 = arith.addf %gather3A_1404, %gather3A_1407 : vector<16xf32>
          %add3A_1439 = arith.addf %gather3A_1410, %gather3A_1413 : vector<16xf32>
          %add3A_1440 = arith.addf %gather3A_1416, %gather3A_1419 : vector<16xf32>
          %add3A_1441 = arith.addf %gather3A_1422, %gather3A_1425 : vector<16xf32>
          %add3A_1442 = arith.addf %add3A_1426, %add3A_1427 : vector<16xf32>
          %add3A_1443 = arith.addf %add3A_1428, %add3A_1429 : vector<16xf32>
          %add3A_1444 = arith.addf %add3A_1430, %add3A_1431 : vector<16xf32>
          %add3A_1445 = arith.addf %add3A_1432, %add3A_1433 : vector<16xf32>
          %add3A_1446 = arith.addf %add3A_1434, %add3A_1435 : vector<16xf32>
          %add3A_1447 = arith.addf %add3A_1436, %add3A_1437 : vector<16xf32>
          %add3A_1448 = arith.addf %add3A_1438, %add3A_1439 : vector<16xf32>
          %add3A_1449 = arith.addf %add3A_1440, %add3A_1441 : vector<16xf32>
          %add3A_1450 = arith.addf %add3A_1442, %add3A_1443 : vector<16xf32>
          %add3A_1451 = arith.addf %add3A_1444, %add3A_1445 : vector<16xf32>
          %add3A_1452 = arith.addf %add3A_1450, %add3A_1451 : vector<16xf32>
          %add3A_1453 = arith.constant 32 : i32
          %add3A_1454 = arith.addi %mul3A_1193, %add3A_1453 : i32
          %swap3A_1455 = arith.index_cast %add3A_1454 : i32 to index
          %swap3A_1456 = tpu.vector_load %arg9[%swap3A_1455] {strides = array<i32>} : memref<16384xf32, #tpu.memory_space<vmem>>, vector<16xf32>,
          tpu.vector_store %arg9[%swap3A_1455], %add3A_1452 {strides = array<i32>} : memref<16384xf32, #tpu.memory_space<vmem>>, vector<16xf32>,
          %add3A_1457 = arith.addf %add3A_1446, %add3A_1447 : vector<16xf32>
          %add3A_1458 = arith.addf %add3A_1448, %add3A_1449 : vector<16xf32>
          %add3A_1459 = arith.addf %add3A_1457, %add3A_1458 : vector<16xf32>
          %add3A_1460 = arith.constant 32 : i32
          %add3A_1461 = arith.addi %mul3A_1193, %add3A_1460 : i32
          %add3A_1462 = arith.constant 16 : i32
          %add3A_1463 = arith.addi %add3A_1461, %add3A_1462 : i32
          %swap3A_1464 = arith.index_cast %add3A_1463 : i32 to index
          %swap3A_1465 = tpu.vector_load %arg9[%swap3A_1464] {strides = array<i32>} : memref<16384xf32, #tpu.memory_space<vmem>>, vector<16xf32>,
          tpu.vector_store %arg9[%swap3A_1464], %add3A_1459 {strides = array<i32>} : memref<16384xf32, #tpu.memory_space<vmem>>, vector<16xf32>,
          %gather3A_1466 = arith.constant 64 : i32
          %gather3A_1467 = tpu.memref_slice %arg6[%gather3A_1466] : memref<99328xf32, #tpu.memory_space<vmem>> -> memref<99264xf32, #tpu.memory_space<vmem>>
          %gather3A_1468 = tpu.vector_load_idx %gather3A_1467[%add3A_1023] : memref<99264xf32, #tpu.memory_space<vmem>>[vector<16xi32>], vector<16xf32>,
          %gather3A_1469 = arith.constant 64 : i32
          %gather3A_1470 = tpu.memref_slice %arg6[%gather3A_1469] : memref<99328xf32, #tpu.memory_space<vmem>> -> memref<99264xf32, #tpu.memory_space<vmem>>
          %gather3A_1471 = tpu.vector_load_idx %gather3A_1470[%add3A_1034] : memref<99264xf32, #tpu.memory_space<vmem>>[vector<16xi32>], vector<16xf32>,
          %gather3A_1472 = arith.constant 64 : i32
          %gather3A_1473 = tpu.memref_slice %arg6[%gather3A_1472] : memref<99328xf32, #tpu.memory_space<vmem>> -> memref<99264xf32, #tpu.memory_space<vmem>>
          %gather3A_1474 = tpu.vector_load_idx %gather3A_1473[%add3A_1045] : memref<99264xf32, #tpu.memory_space<vmem>>[vector<16xi32>], vector<16xf32>,
          %gather3A_1475 = arith.constant 64 : i32
          %gather3A_1476 = tpu.memref_slice %arg6[%gather3A_1475] : memref<99328xf32, #tpu.memory_space<vmem>> -> memref<99264xf32, #tpu.memory_space<vmem>>
          %gather3A_1477 = tpu.vector_load_idx %gather3A_1476[%add3A_1056] : memref<99264xf32, #tpu.memory_space<vmem>>[vector<16xi32>], vector<16xf32>,
          %gather3A_1478 = arith.constant 64 : i32
          %gather3A_1479 = tpu.memref_slice %arg6[%gather3A_1478] : memref<99328xf32, #tpu.memory_space<vmem>> -> memref<99264xf32, #tpu.memory_space<vmem>>
          %gather3A_1480 = tpu.vector_load_idx %gather3A_1479[%add3A_1067] : memref<99264xf32, #tpu.memory_space<vmem>>[vector<16xi32>], vector<16xf32>,
          %gather3A_1481 = arith.constant 64 : i32
          %gather3A_1482 = tpu.memref_slice %arg6[%gather3A_1481] : memref<99328xf32, #tpu.memory_space<vmem>> -> memref<99264xf32, #tpu.memory_space<vmem>>
          %gather3A_1483 = tpu.vector_load_idx %gather3A_1482[%add3A_1078] : memref<99264xf32, #tpu.memory_space<vmem>>[vector<16xi32>], vector<16xf32>,
          %gather3A_1484 = arith.constant 64 : i32
          %gather3A_1485 = tpu.memref_slice %arg6[%gather3A_1484] : memref<99328xf32, #tpu.memory_space<vmem>> -> memref<99264xf32, #tpu.memory_space<vmem>>
          %gather3A_1486 = tpu.vector_load_idx %gather3A_1485[%add3A_1089] : memref<99264xf32, #tpu.memory_space<vmem>>[vector<16xi32>], vector<16xf32>,
          %gather3A_1487 = arith.constant 64 : i32
          %gather3A_1488 = tpu.memref_slice %arg6[%gather3A_1487] : memref<99328xf32, #tpu.memory_space<vmem>> -> memref<99264xf32, #tpu.memory_space<vmem>>
          %gather3A_1489 = tpu.vector_load_idx %gather3A_1488[%add3A_1100] : memref<99264xf32, #tpu.memory_space<vmem>>[vector<16xi32>], vector<16xf32>,
          %gather3A_1490 = arith.constant 64 : i32
          %gather3A_1491 = tpu.memref_slice %arg6[%gather3A_1490] : memref<99328xf32, #tpu.memory_space<vmem>> -> memref<99264xf32, #tpu.memory_space<vmem>>
          %gather3A_1492 = tpu.vector_load_idx %gather3A_1491[%add3A_1111] : memref<99264xf32, #tpu.memory_space<vmem>>[vector<16xi32>], vector<16xf32>,
          %gather3A_1493 = arith.constant 64 : i32
          %gather3A_1494 = tpu.memref_slice %arg6[%gather3A_1493] : memref<99328xf32, #tpu.memory_space<vmem>> -> memref<99264xf32, #tpu.memory_space<vmem>>
          %gather3A_1495 = tpu.vector_load_idx %gather3A_1494[%add3A_1122] : memref<99264xf32, #tpu.memory_space<vmem>>[vector<16xi32>], vector<16xf32>,
          %gather3A_1496 = arith.constant 64 : i32
          %gather3A_1497 = tpu.memref_slice %arg6[%gather3A_1496] : memref<99328xf32, #tpu.memory_space<vmem>> -> memref<99264xf32, #tpu.memory_space<vmem>>
          %gather3A_1498 = tpu.vector_load_idx %gather3A_1497[%add3A_1133] : memref<99264xf32, #tpu.memory_space<vmem>>[vector<16xi32>], vector<16xf32>,
          %gather3A_1499 = arith.constant 64 : i32
          %gather3A_1500 = tpu.memref_slice %arg6[%gather3A_1499] : memref<99328xf32, #tpu.memory_space<vmem>> -> memref<99264xf32, #tpu.memory_space<vmem>>
          %gather3A_1501 = tpu.vector_load_idx %gather3A_1500[%add3A_1144] : memref<99264xf32, #tpu.memory_space<vmem>>[vector<16xi32>], vector<16xf32>,
          %gather3A_1502 = arith.constant 64 : i32
          %gather3A_1503 = tpu.memref_slice %arg6[%gather3A_1502] : memref<99328xf32, #tpu.memory_space<vmem>> -> memref<99264xf32, #tpu.memory_space<vmem>>
          %gather3A_1504 = tpu.vector_load_idx %gather3A_1503[%add3A_1155] : memref<99264xf32, #tpu.memory_space<vmem>>[vector<16xi32>], vector<16xf32>,
          %gather3A_1505 = arith.constant 64 : i32
          %gather3A_1506 = tpu.memref_slice %arg6[%gather3A_1505] : memref<99328xf32, #tpu.memory_space<vmem>> -> memref<99264xf32, #tpu.memory_space<vmem>>
          %gather3A_1507 = tpu.vector_load_idx %gather3A_1506[%add3A_1166] : memref<99264xf32, #tpu.memory_space<vmem>>[vector<16xi32>], vector<16xf32>,
          %gather3A_1508 = arith.constant 64 : i32
          %gather3A_1509 = tpu.memref_slice %arg6[%gather3A_1508] : memref<99328xf32, #tpu.memory_space<vmem>> -> memref<99264xf32, #tpu.memory_space<vmem>>
          %gather3A_1510 = tpu.vector_load_idx %gather3A_1509[%add3A_1177] : memref<99264xf32, #tpu.memory_space<vmem>>[vector<16xi32>], vector<16xf32>,
          %gather3A_1511 = arith.constant 64 : i32
          %gather3A_1512 = tpu.memref_slice %arg6[%gather3A_1511] : memref<99328xf32, #tpu.memory_space<vmem>> -> memref<99264xf32, #tpu.memory_space<vmem>>
          %gather3A_1513 = tpu.vector_load_idx %gather3A_1512[%add3A_1188] : memref<99264xf32, #tpu.memory_space<vmem>>[vector<16xi32>], vector<16xf32>,
          %gather3A_1514 = arith.constant 80 : i32
          %gather3A_1515 = tpu.memref_slice %arg6[%gather3A_1514] : memref<99328xf32, #tpu.memory_space<vmem>> -> memref<99248xf32, #tpu.memory_space<vmem>>
          %gather3A_1516 = tpu.vector_load_idx %gather3A_1515[%add3A_1023] : memref<99248xf32, #tpu.memory_space<vmem>>[vector<16xi32>], vector<16xf32>,
          %gather3A_1517 = arith.constant 80 : i32
          %gather3A_1518 = tpu.memref_slice %arg6[%gather3A_1517] : memref<99328xf32, #tpu.memory_space<vmem>> -> memref<99248xf32, #tpu.memory_space<vmem>>
          %gather3A_1519 = tpu.vector_load_idx %gather3A_1518[%add3A_1034] : memref<99248xf32, #tpu.memory_space<vmem>>[vector<16xi32>], vector<16xf32>,
          %gather3A_1520 = arith.constant 80 : i32
          %gather3A_1521 = tpu.memref_slice %arg6[%gather3A_1520] : memref<99328xf32, #tpu.memory_space<vmem>> -> memref<99248xf32, #tpu.memory_space<vmem>>
          %gather3A_1522 = tpu.vector_load_idx %gather3A_1521[%add3A_1045] : memref<99248xf32, #tpu.memory_space<vmem>>[vector<16xi32>], vector<16xf32>,
          %gather3A_1523 = arith.constant 80 : i32
          %gather3A_1524 = tpu.memref_slice %arg6[%gather3A_1523] : memref<99328xf32, #tpu.memory_space<vmem>> -> memref<99248xf32, #tpu.memory_space<vmem>>
          %gather3A_1525 = tpu.vector_load_idx %gather3A_1524[%add3A_1056] : memref<99248xf32, #tpu.memory_space<vmem>>[vector<16xi32>], vector<16xf32>,
          %gather3A_1526 = arith.constant 80 : i32
          %gather3A_1527 = tpu.memref_slice %arg6[%gather3A_1526] : memref<99328xf32, #tpu.memory_space<vmem>> -> memref<99248xf32, #tpu.memory_space<vmem>>
          %gather3A_1528 = tpu.vector_load_idx %gather3A_1527[%add3A_1067] : memref<99248xf32, #tpu.memory_space<vmem>>[vector<16xi32>], vector<16xf32>,
          %gather3A_1529 = arith.constant 80 : i32
          %gather3A_1530 = tpu.memref_slice %arg6[%gather3A_1529] : memref<99328xf32, #tpu.memory_space<vmem>> -> memref<99248xf32, #tpu.memory_space<vmem>>
          %gather3A_1531 = tpu.vector_load_idx %gather3A_1530[%add3A_1078] : memref<99248xf32, #tpu.memory_space<vmem>>[vector<16xi32>], vector<16xf32>,
          %gather3A_1532 = arith.constant 80 : i32
          %gather3A_1533 = tpu.memref_slice %arg6[%gather3A_1532] : memref<99328xf32, #tpu.memory_space<vmem>> -> memref<99248xf32, #tpu.memory_space<vmem>>
          %gather3A_1534 = tpu.vector_load_idx %gather3A_1533[%add3A_1089] : memref<99248xf32, #tpu.memory_space<vmem>>[vector<16xi32>], vector<16xf32>,
          %gather3A_1535 = arith.constant 80 : i32
          %gather3A_1536 = tpu.memref_slice %arg6[%gather3A_1535] : memref<99328xf32, #tpu.memory_space<vmem>> -> memref<99248xf32, #tpu.memory_space<vmem>>
          %gather3A_1537 = tpu.vector_load_idx %gather3A_1536[%add3A_1100] : memref<99248xf32, #tpu.memory_space<vmem>>[vector<16xi32>], vector<16xf32>,
          %gather3A_1538 = arith.constant 80 : i32
          %gather3A_1539 = tpu.memref_slice %arg6[%gather3A_1538] : memref<99328xf32, #tpu.memory_space<vmem>> -> memref<99248xf32, #tpu.memory_space<vmem>>
          %gather3A_1540 = tpu.vector_load_idx %gather3A_1539[%add3A_1111] : memref<99248xf32, #tpu.memory_space<vmem>>[vector<16xi32>], vector<16xf32>,
          %gather3A_1541 = arith.constant 80 : i32
          %gather3A_1542 = tpu.memref_slice %arg6[%gather3A_1541] : memref<99328xf32, #tpu.memory_space<vmem>> -> memref<99248xf32, #tpu.memory_space<vmem>>
          %gather3A_1543 = tpu.vector_load_idx %gather3A_1542[%add3A_1122] : memref<99248xf32, #tpu.memory_space<vmem>>[vector<16xi32>], vector<16xf32>,
          %gather3A_1544 = arith.constant 80 : i32
          %gather3A_1545 = tpu.memref_slice %arg6[%gather3A_1544] : memref<99328xf32, #tpu.memory_space<vmem>> -> memref<99248xf32, #tpu.memory_space<vmem>>
          %gather3A_1546 = tpu.vector_load_idx %gather3A_1545[%add3A_1133] : memref<99248xf32, #tpu.memory_space<vmem>>[vector<16xi32>], vector<16xf32>,
          %gather3A_1547 = arith.constant 80 : i32
          %gather3A_1548 = tpu.memref_slice %arg6[%gather3A_1547] : memref<99328xf32, #tpu.memory_space<vmem>> -> memref<99248xf32, #tpu.memory_space<vmem>>
          %gather3A_1549 = tpu.vector_load_idx %gather3A_1548[%add3A_1144] : memref<99248xf32, #tpu.memory_space<vmem>>[vector<16xi32>], vector<16xf32>,
          %gather3A_1550 = arith.constant 80 : i32
          %gather3A_1551 = tpu.memref_slice %arg6[%gather3A_1550] : memref<99328xf32, #tpu.memory_space<vmem>> -> memref<99248xf32, #tpu.memory_space<vmem>>
          %gather3A_1552 = tpu.vector_load_idx %gather3A_1551[%add3A_1155] : memref<99248xf32, #tpu.memory_space<vmem>>[vector<16xi32>], vector<16xf32>,
          %gather3A_1553 = arith.constant 80 : i32
          %gather3A_1554 = tpu.memref_slice %arg6[%gather3A_1553] : memref<99328xf32, #tpu.memory_space<vmem>> -> memref<99248xf32, #tpu.memory_space<vmem>>
          %gather3A_1555 = tpu.vector_load_idx %gather3A_1554[%add3A_1166] : memref<99248xf32, #tpu.memory_space<vmem>>[vector<16xi32>], vector<16xf32>,
          %gather3A_1556 = arith.constant 80 : i32
          %gather3A_1557 = tpu.memref_slice %arg6[%gather3A_1556] : memref<99328xf32, #tpu.memory_space<vmem>> -> memref<99248xf32, #tpu.memory_space<vmem>>
          %gather3A_1558 = tpu.vector_load_idx %gather3A_1557[%add3A_1177] : memref<99248xf32, #tpu.memory_space<vmem>>[vector<16xi32>], vector<16xf32>,
          %gather3A_1559 = arith.constant 80 : i32
          %gather3A_1560 = tpu.memref_slice %arg6[%gather3A_1559] : memref<99328xf32, #tpu.memory_space<vmem>> -> memref<99248xf32, #tpu.memory_space<vmem>>
          %gather3A_1561 = tpu.vector_load_idx %gather3A_1560[%add3A_1188] : memref<99248xf32, #tpu.memory_space<vmem>>[vector<16xi32>], vector<16xf32>,
          %add3A_1562 = arith.addf %gather3A_1468, %gather3A_1471 : vector<16xf32>
          %add3A_1563 = arith.addf %gather3A_1474, %gather3A_1477 : vector<16xf32>
          %add3A_1564 = arith.addf %gather3A_1480, %gather3A_1483 : vector<16xf32>
          %add3A_1565 = arith.addf %gather3A_1486, %gather3A_1489 : vector<16xf32>
          %add3A_1566 = arith.addf %gather3A_1492, %gather3A_1495 : vector<16xf32>
          %add3A_1567 = arith.addf %gather3A_1498, %gather3A_1501 : vector<16xf32>
          %add3A_1568 = arith.addf %gather3A_1504, %gather3A_1507 : vector<16xf32>
          %add3A_1569 = arith.addf %gather3A_1510, %gather3A_1513 : vector<16xf32>
          %add3A_1570 = arith.addf %gather3A_1516, %gather3A_1519 : vector<16xf32>
          %add3A_1571 = arith.addf %gather3A_1522, %gather3A_1525 : vector<16xf32>
          %add3A_1572 = arith.addf %gather3A_1528, %gather3A_1531 : vector<16xf32>
          %add3A_1573 = arith.addf %gather3A_1534, %gather3A_1537 : vector<16xf32>
          %add3A_1574 = arith.addf %gather3A_1540, %gather3A_1543 : vector<16xf32>
          %add3A_1575 = arith.addf %gather3A_1546, %gather3A_1549 : vector<16xf32>
          %add3A_1576 = arith.addf %gather3A_1552, %gather3A_1555 : vector<16xf32>
          %add3A_1577 = arith.addf %gather3A_1558, %gather3A_1561 : vector<16xf32>
          %add3A_1578 = arith.addf %add3A_1562, %add3A_1563 : vector<16xf32>
          %add3A_1579 = arith.addf %add3A_1564, %add3A_1565 : vector<16xf32>
          %add3A_1580 = arith.addf %add3A_1566, %add3A_1567 : vector<16xf32>
          %add3A_1581 = arith.addf %add3A_1568, %add3A_1569 : vector<16xf32>
          %add3A_1582 = arith.addf %add3A_1570, %add3A_1571 : vector<16xf32>
          %add3A_1583 = arith.addf %add3A_1572, %add3A_1573 : vector<16xf32>
          %add3A_1584 = arith.addf %add3A_1574, %add3A_1575 : vector<16xf32>
          %add3A_1585 = arith.addf %add3A_1576, %add3A_1577 : vector<16xf32>
          %add3A_1586 = arith.addf %add3A_1578, %add3A_1579 : vector<16xf32>
          %add3A_1587 = arith.addf %add3A_1580, %add3A_1581 : vector<16xf32>
          %add3A_1588 = arith.addf %add3A_1586, %add3A_1587 : vector<16xf32>
          %add3A_1589 = arith.constant 64 : i32
          %add3A_1590 = arith.addi %mul3A_1193, %add3A_1589 : i32
          %swap3A_1591 = arith.index_cast %add3A_1590 : i32 to index
          %swap3A_1592 = tpu.vector_load %arg9[%swap3A_1591] {strides = array<i32>} : memref<16384xf32, #tpu.memory_space<vmem>>, vector<16xf32>,
          tpu.vector_store %arg9[%swap3A_1591], %add3A_1588 {strides = array<i32>} : memref<16384xf32, #tpu.memory_space<vmem>>, vector<16xf32>,
          %add3A_1593 = arith.addf %add3A_1582, %add3A_1583 : vector<16xf32>
          %add3A_1594 = arith.addf %add3A_1584, %add3A_1585 : vector<16xf32>
          %add3A_1595 = arith.addf %add3A_1593, %add3A_1594 : vector<16xf32>
          %add3A_1596 = arith.constant 64 : i32
          %add3A_1597 = arith.addi %mul3A_1193, %add3A_1596 : i32
          %add3A_1598 = arith.constant 16 : i32
          %add3A_1599 = arith.addi %add3A_1597, %add3A_1598 : i32
          %swap3A_1600 = arith.index_cast %add3A_1599 : i32 to index
          %swap3A_1601 = tpu.vector_load %arg9[%swap3A_1600] {strides = array<i32>} : memref<16384xf32, #tpu.memory_space<vmem>>, vector<16xf32>,
          tpu.vector_store %arg9[%swap3A_1600], %add3A_1595 {strides = array<i32>} : memref<16384xf32, #tpu.memory_space<vmem>>, vector<16xf32>,
          %gather3A_1602 = arith.constant 96 : i32
          %gather3A_1603 = tpu.memref_slice %arg6[%gather3A_1602] : memref<99328xf32, #tpu.memory_space<vmem>> -> memref<99232xf32, #tpu.memory_space<vmem>>
          %gather3A_1604 = tpu.vector_load_idx %gather3A_1603[%add3A_1023] : memref<99232xf32, #tpu.memory_space<vmem>>[vector<16xi32>], vector<16xf32>,
          %gather3A_1605 = arith.constant 96 : i32
          %gather3A_1606 = tpu.memref_slice %arg6[%gather3A_1605] : memref<99328xf32, #tpu.memory_space<vmem>> -> memref<99232xf32, #tpu.memory_space<vmem>>
          %gather3A_1607 = tpu.vector_load_idx %gather3A_1606[%add3A_1034] : memref<99232xf32, #tpu.memory_space<vmem>>[vector<16xi32>], vector<16xf32>,
          %gather3A_1608 = arith.constant 96 : i32
          %gather3A_1609 = tpu.memref_slice %arg6[%gather3A_1608] : memref<99328xf32, #tpu.memory_space<vmem>> -> memref<99232xf32, #tpu.memory_space<vmem>>
          %gather3A_1610 = tpu.vector_load_idx %gather3A_1609[%add3A_1045] : memref<99232xf32, #tpu.memory_space<vmem>>[vector<16xi32>], vector<16xf32>,
          %gather3A_1611 = arith.constant 96 : i32
          %gather3A_1612 = tpu.memref_slice %arg6[%gather3A_1611] : memref<99328xf32, #tpu.memory_space<vmem>> -> memref<99232xf32, #tpu.memory_space<vmem>>
          %gather3A_1613 = tpu.vector_load_idx %gather3A_1612[%add3A_1056] : memref<99232xf32, #tpu.memory_space<vmem>>[vector<16xi32>], vector<16xf32>,
          %gather3A_1614 = arith.constant 96 : i32
          %gather3A_1615 = tpu.memref_slice %arg6[%gather3A_1614] : memref<99328xf32, #tpu.memory_space<vmem>> -> memref<99232xf32, #tpu.memory_space<vmem>>
          %gather3A_1616 = tpu.vector_load_idx %gather3A_1615[%add3A_1067] : memref<99232xf32, #tpu.memory_space<vmem>>[vector<16xi32>], vector<16xf32>,
          %gather3A_1617 = arith.constant 96 : i32
          %gather3A_1618 = tpu.memref_slice %arg6[%gather3A_1617] : memref<99328xf32, #tpu.memory_space<vmem>> -> memref<99232xf32, #tpu.memory_space<vmem>>
          %gather3A_1619 = tpu.vector_load_idx %gather3A_1618[%add3A_1078] : memref<99232xf32, #tpu.memory_space<vmem>>[vector<16xi32>], vector<16xf32>,
          %gather3A_1620 = arith.constant 96 : i32
          %gather3A_1621 = tpu.memref_slice %arg6[%gather3A_1620] : memref<99328xf32, #tpu.memory_space<vmem>> -> memref<99232xf32, #tpu.memory_space<vmem>>
          %gather3A_1622 = tpu.vector_load_idx %gather3A_1621[%add3A_1089] : memref<99232xf32, #tpu.memory_space<vmem>>[vector<16xi32>], vector<16xf32>,
          %gather3A_1623 = arith.constant 96 : i32
          %gather3A_1624 = tpu.memref_slice %arg6[%gather3A_1623] : memref<99328xf32, #tpu.memory_space<vmem>> -> memref<99232xf32, #tpu.memory_space<vmem>>
          %gather3A_1625 = tpu.vector_load_idx %gather3A_1624[%add3A_1100] : memref<99232xf32, #tpu.memory_space<vmem>>[vector<16xi32>], vector<16xf32>,
          %gather3A_1626 = arith.constant 96 : i32
          %gather3A_1627 = tpu.memref_slice %arg6[%gather3A_1626] : memref<99328xf32, #tpu.memory_space<vmem>> -> memref<99232xf32, #tpu.memory_space<vmem>>
          %gather3A_1628 = tpu.vector_load_idx %gather3A_1627[%add3A_1111] : memref<99232xf32, #tpu.memory_space<vmem>>[vector<16xi32>], vector<16xf32>,
          %gather3A_1629 = arith.constant 96 : i32
          %gather3A_1630 = tpu.memref_slice %arg6[%gather3A_1629] : memref<99328xf32, #tpu.memory_space<vmem>> -> memref<99232xf32, #tpu.memory_space<vmem>>
          %gather3A_1631 = tpu.vector_load_idx %gather3A_1630[%add3A_1122] : memref<99232xf32, #tpu.memory_space<vmem>>[vector<16xi32>], vector<16xf32>,
          %gather3A_1632 = arith.constant 96 : i32
          %gather3A_1633 = tpu.memref_slice %arg6[%gather3A_1632] : memref<99328xf32, #tpu.memory_space<vmem>> -> memref<99232xf32, #tpu.memory_space<vmem>>
          %gather3A_1634 = tpu.vector_load_idx %gather3A_1633[%add3A_1133] : memref<99232xf32, #tpu.memory_space<vmem>>[vector<16xi32>], vector<16xf32>,
          %gather3A_1635 = arith.constant 96 : i32
          %gather3A_1636 = tpu.memref_slice %arg6[%gather3A_1635] : memref<99328xf32, #tpu.memory_space<vmem>> -> memref<99232xf32, #tpu.memory_space<vmem>>
          %gather3A_1637 = tpu.vector_load_idx %gather3A_1636[%add3A_1144] : memref<99232xf32, #tpu.memory_space<vmem>>[vector<16xi32>], vector<16xf32>,
          %gather3A_1638 = arith.constant 96 : i32
          %gather3A_1639 = tpu.memref_slice %arg6[%gather3A_1638] : memref<99328xf32, #tpu.memory_space<vmem>> -> memref<99232xf32, #tpu.memory_space<vmem>>
          %gather3A_1640 = tpu.vector_load_idx %gather3A_1639[%add3A_1155] : memref<99232xf32, #tpu.memory_space<vmem>>[vector<16xi32>], vector<16xf32>,
          %gather3A_1641 = arith.constant 96 : i32
          %gather3A_1642 = tpu.memref_slice %arg6[%gather3A_1641] : memref<99328xf32, #tpu.memory_space<vmem>> -> memref<99232xf32, #tpu.memory_space<vmem>>
          %gather3A_1643 = tpu.vector_load_idx %gather3A_1642[%add3A_1166] : memref<99232xf32, #tpu.memory_space<vmem>>[vector<16xi32>], vector<16xf32>,
          %gather3A_1644 = arith.constant 96 : i32
          %gather3A_1645 = tpu.memref_slice %arg6[%gather3A_1644] : memref<99328xf32, #tpu.memory_space<vmem>> -> memref<99232xf32, #tpu.memory_space<vmem>>
          %gather3A_1646 = tpu.vector_load_idx %gather3A_1645[%add3A_1177] : memref<99232xf32, #tpu.memory_space<vmem>>[vector<16xi32>], vector<16xf32>,
          %gather3A_1647 = arith.constant 96 : i32
          %gather3A_1648 = tpu.memref_slice %arg6[%gather3A_1647] : memref<99328xf32, #tpu.memory_space<vmem>> -> memref<99232xf32, #tpu.memory_space<vmem>>
          %gather3A_1649 = tpu.vector_load_idx %gather3A_1648[%add3A_1188] : memref<99232xf32, #tpu.memory_space<vmem>>[vector<16xi32>], vector<16xf32>,
          %gather3A_1650 = arith.constant 112 : i32
          %gather3A_1651 = tpu.memref_slice %arg6[%gather3A_1650] : memref<99328xf32, #tpu.memory_space<vmem>> -> memref<99216xf32, #tpu.memory_space<vmem>>
          %gather3A_1652 = tpu.vector_load_idx %gather3A_1651[%add3A_1023] : memref<99216xf32, #tpu.memory_space<vmem>>[vector<16xi32>], vector<16xf32>,
          %gather3A_1653 = arith.constant 112 : i32
          %gather3A_1654 = tpu.memref_slice %arg6[%gather3A_1653] : memref<99328xf32, #tpu.memory_space<vmem>> -> memref<99216xf32, #tpu.memory_space<vmem>>
          %gather3A_1655 = tpu.vector_load_idx %gather3A_1654[%add3A_1034] : memref<99216xf32, #tpu.memory_space<vmem>>[vector<16xi32>], vector<16xf32>,
          %gather3A_1656 = arith.constant 112 : i32
          %gather3A_1657 = tpu.memref_slice %arg6[%gather3A_1656] : memref<99328xf32, #tpu.memory_space<vmem>> -> memref<99216xf32, #tpu.memory_space<vmem>>
          %gather3A_1658 = tpu.vector_load_idx %gather3A_1657[%add3A_1045] : memref<99216xf32, #tpu.memory_space<vmem>>[vector<16xi32>], vector<16xf32>,
          %gather3A_1659 = arith.constant 112 : i32
          %gather3A_1660 = tpu.memref_slice %arg6[%gather3A_1659] : memref<99328xf32, #tpu.memory_space<vmem>> -> memref<99216xf32, #tpu.memory_space<vmem>>
          %gather3A_1661 = tpu.vector_load_idx %gather3A_1660[%add3A_1056] : memref<99216xf32, #tpu.memory_space<vmem>>[vector<16xi32>], vector<16xf32>,
          %gather3A_1662 = arith.constant 112 : i32
          %gather3A_1663 = tpu.memref_slice %arg6[%gather3A_1662] : memref<99328xf32, #tpu.memory_space<vmem>> -> memref<99216xf32, #tpu.memory_space<vmem>>
          %gather3A_1664 = tpu.vector_load_idx %gather3A_1663[%add3A_1067] : memref<99216xf32, #tpu.memory_space<vmem>>[vector<16xi32>], vector<16xf32>,
          %gather3A_1665 = arith.constant 112 : i32
          %gather3A_1666 = tpu.memref_slice %arg6[%gather3A_1665] : memref<99328xf32, #tpu.memory_space<vmem>> -> memref<99216xf32, #tpu.memory_space<vmem>>
          %gather3A_1667 = tpu.vector_load_idx %gather3A_1666[%add3A_1078] : memref<99216xf32, #tpu.memory_space<vmem>>[vector<16xi32>], vector<16xf32>,
          %gather3A_1668 = arith.constant 112 : i32
          %gather3A_1669 = tpu.memref_slice %arg6[%gather3A_1668] : memref<99328xf32, #tpu.memory_space<vmem>> -> memref<99216xf32, #tpu.memory_space<vmem>>
          %gather3A_1670 = tpu.vector_load_idx %gather3A_1669[%add3A_1089] : memref<99216xf32, #tpu.memory_space<vmem>>[vector<16xi32>], vector<16xf32>,
          %gather3A_1671 = arith.constant 112 : i32
          %gather3A_1672 = tpu.memref_slice %arg6[%gather3A_1671] : memref<99328xf32, #tpu.memory_space<vmem>> -> memref<99216xf32, #tpu.memory_space<vmem>>
          %gather3A_1673 = tpu.vector_load_idx %gather3A_1672[%add3A_1100] : memref<99216xf32, #tpu.memory_space<vmem>>[vector<16xi32>], vector<16xf32>,
          %gather3A_1674 = arith.constant 112 : i32
          %gather3A_1675 = tpu.memref_slice %arg6[%gather3A_1674] : memref<99328xf32, #tpu.memory_space<vmem>> -> memref<99216xf32, #tpu.memory_space<vmem>>
          %gather3A_1676 = tpu.vector_load_idx %gather3A_1675[%add3A_1111] : memref<99216xf32, #tpu.memory_space<vmem>>[vector<16xi32>], vector<16xf32>,
          %gather3A_1677 = arith.constant 112 : i32
          %gather3A_1678 = tpu.memref_slice %arg6[%gather3A_1677] : memref<99328xf32, #tpu.memory_space<vmem>> -> memref<99216xf32, #tpu.memory_space<vmem>>
          %gather3A_1679 = tpu.vector_load_idx %gather3A_1678[%add3A_1122] : memref<99216xf32, #tpu.memory_space<vmem>>[vector<16xi32>], vector<16xf32>,
          %gather3A_1680 = arith.constant 112 : i32
          %gather3A_1681 = tpu.memref_slice %arg6[%gather3A_1680] : memref<99328xf32, #tpu.memory_space<vmem>> -> memref<99216xf32, #tpu.memory_space<vmem>>
          %gather3A_1682 = tpu.vector_load_idx %gather3A_1681[%add3A_1133] : memref<99216xf32, #tpu.memory_space<vmem>>[vector<16xi32>], vector<16xf32>,
          %gather3A_1683 = arith.constant 112 : i32
          %gather3A_1684 = tpu.memref_slice %arg6[%gather3A_1683] : memref<99328xf32, #tpu.memory_space<vmem>> -> memref<99216xf32, #tpu.memory_space<vmem>>
          %gather3A_1685 = tpu.vector_load_idx %gather3A_1684[%add3A_1144] : memref<99216xf32, #tpu.memory_space<vmem>>[vector<16xi32>], vector<16xf32>,
          %gather3A_1686 = arith.constant 112 : i32
          %gather3A_1687 = tpu.memref_slice %arg6[%gather3A_1686] : memref<99328xf32, #tpu.memory_space<vmem>> -> memref<99216xf32, #tpu.memory_space<vmem>>
          %gather3A_1688 = tpu.vector_load_idx %gather3A_1687[%add3A_1155] : memref<99216xf32, #tpu.memory_space<vmem>>[vector<16xi32>], vector<16xf32>,
          %gather3A_1689 = arith.constant 112 : i32
          %gather3A_1690 = tpu.memref_slice %arg6[%gather3A_1689] : memref<99328xf32, #tpu.memory_space<vmem>> -> memref<99216xf32, #tpu.memory_space<vmem>>
          %gather3A_1691 = tpu.vector_load_idx %gather3A_1690[%add3A_1166] : memref<99216xf32, #tpu.memory_space<vmem>>[vector<16xi32>], vector<16xf32>,
          %gather3A_1692 = arith.constant 112 : i32
          %gather3A_1693 = tpu.memref_slice %arg6[%gather3A_1692] : memref<99328xf32, #tpu.memory_space<vmem>> -> memref<99216xf32, #tpu.memory_space<vmem>>
          %gather3A_1694 = tpu.vector_load_idx %gather3A_1693[%add3A_1177] : memref<99216xf32, #tpu.memory_space<vmem>>[vector<16xi32>], vector<16xf32>,
          %gather3A_1695 = arith.constant 112 : i32
          %gather3A_1696 = tpu.memref_slice %arg6[%gather3A_1695] : memref<99328xf32, #tpu.memory_space<vmem>> -> memref<99216xf32, #tpu.memory_space<vmem>>
          %gather3A_1697 = tpu.vector_load_idx %gather3A_1696[%add3A_1188] : memref<99216xf32, #tpu.memory_space<vmem>>[vector<16xi32>], vector<16xf32>,
          %add3A_1698 = arith.addf %gather3A_1604, %gather3A_1607 : vector<16xf32>
          %add3A_1699 = arith.addf %gather3A_1610, %gather3A_1613 : vector<16xf32>
          %add3A_1700 = arith.addf %gather3A_1616, %gather3A_1619 : vector<16xf32>
          %add3A_1701 = arith.addf %gather3A_1622, %gather3A_1625 : vector<16xf32>
          %add3A_1702 = arith.addf %gather3A_1628, %gather3A_1631 : vector<16xf32>
          %add3A_1703 = arith.addf %gather3A_1634, %gather3A_1637 : vector<16xf32>
          %add3A_1704 = arith.addf %gather3A_1640, %gather3A_1643 : vector<16xf32>
          %add3A_1705 = arith.addf %gather3A_1646, %gather3A_1649 : vector<16xf32>
          %add3A_1706 = arith.addf %gather3A_1652, %gather3A_1655 : vector<16xf32>
          %add3A_1707 = arith.addf %gather3A_1658, %gather3A_1661 : vector<16xf32>
          %add3A_1708 = arith.addf %gather3A_1664, %gather3A_1667 : vector<16xf32>
          %add3A_1709 = arith.addf %gather3A_1670, %gather3A_1673 : vector<16xf32>
          %add3A_1710 = arith.addf %gather3A_1676, %gather3A_1679 : vector<16xf32>
          %add3A_1711 = arith.addf %gather3A_1682, %gather3A_1685 : vector<16xf32>
          %add3A_1712 = arith.addf %gather3A_1688, %gather3A_1691 : vector<16xf32>
          %add3A_1713 = arith.addf %gather3A_1694, %gather3A_1697 : vector<16xf32>
          %add3A_1714 = arith.addf %add3A_1698, %add3A_1699 : vector<16xf32>
          %add3A_1715 = arith.addf %add3A_1700, %add3A_1701 : vector<16xf32>
          %add3A_1716 = arith.addf %add3A_1702, %add3A_1703 : vector<16xf32>
          %add3A_1717 = arith.addf %add3A_1704, %add3A_1705 : vector<16xf32>
          %add3A_1718 = arith.addf %add3A_1706, %add3A_1707 : vector<16xf32>
          %add3A_1719 = arith.addf %add3A_1708, %add3A_1709 : vector<16xf32>
          %add3A_1720 = arith.addf %add3A_1710, %add3A_1711 : vector<16xf32>
          %add3A_1721 = arith.addf %add3A_1712, %add3A_1713 : vector<16xf32>
          %add3A_1722 = arith.addf %add3A_1714, %add3A_1715 : vector<16xf32>
          %add3A_1723 = arith.addf %add3A_1716, %add3A_1717 : vector<16xf32>
          %add3A_1724 = arith.addf %add3A_1722, %add3A_1723 : vector<16xf32>
          %add3A_1725 = arith.constant 96 : i32
          %add3A_1726 = arith.addi %mul3A_1193, %add3A_1725 : i32
          %swap3A_1727 = arith.index_cast %add3A_1726 : i32 to index
          %swap3A_1728 = tpu.vector_load %arg9[%swap3A_1727] {strides = array<i32>} : memref<16384xf32, #tpu.memory_space<vmem>>, vector<16xf32>,
          tpu.vector_store %arg9[%swap3A_1727], %add3A_1724 {strides = array<i32>} : memref<16384xf32, #tpu.memory_space<vmem>>, vector<16xf32>,
          %add3A_1729 = arith.addf %add3A_1718, %add3A_1719 : vector<16xf32>
          %add3A_1730 = arith.addf %add3A_1720, %add3A_1721 : vector<16xf32>
          %add3A_1731 = arith.addf %add3A_1729, %add3A_1730 : vector<16xf32>
          %add3A_1732 = arith.constant 96 : i32
          %add3A_1733 = arith.addi %mul3A_1193, %add3A_1732 : i32
          %add3A_1734 = arith.constant 16 : i32
          %add3A_1735 = arith.addi %add3A_1733, %add3A_1734 : i32
          %swap3A_1736 = arith.index_cast %add3A_1735 : i32 to index
          %swap3A_1737 = tpu.vector_load %arg9[%swap3A_1736] {strides = array<i32>} : memref<16384xf32, #tpu.memory_space<vmem>>, vector<16xf32>,
          tpu.vector_store %arg9[%swap3A_1736], %add3A_1731 {strides = array<i32>} : memref<16384xf32, #tpu.memory_space<vmem>>, vector<16xf32>,
        }
        %scan3A_278 = arith.constant 8 : i32
      }
      %scan3A_43 = arith.constant 8 : i32
      %mul3A_44 = arith.constant 1024 : i32
      %mul3A_45 = arith.muli %add3A, %mul3A_44 : i32
      %mul3A_46 = arith.constant 128 : i32
      %mul3A_47 = arith.muli %scan3A_37, %mul3A_46 : i32
      %add3A_48 = arith.addi %mul3A_45, %mul3A_47 : i32
      %mul3A_49 = arith.constant 128 : i32
      %mul3A_50 = arith.muli %add3A_48, %mul3A_49 : i32
      "tpu.region"() ({
        %run_scoped3A = tpu.sem_alloc : memref<!tpu.dma_semaphore, #tpu.memory_space<semaphore_mem>>
        %dma_start3A = tpu.memref_slice %arg5[%mul3A_50] : memref<4194304xf32, #tpu.memory_space<hbm>> -> memref<16384xf32, #tpu.memory_space<hbm>>
        %dma_start3A_51 = tpu.memref_slice %arg5[%mul3A_50] : memref<4194304xf32, #tpu.memory_space<hbm>> -> memref<16384xf32, #tpu.memory_space<hbm>>
        tpu.enqueue_dma source(%arg9 : memref<16384xf32, #tpu.memory_space<vmem>>) target(%dma_start3A_51 : memref<16384xf32, #tpu.memory_space<hbm>>) target_semaphore(%run_scoped3A : memref<!tpu.dma_semaphore, #tpu.memory_space<semaphore_mem>>)
        %dma_wait3A = tpu.memref_slice %arg5[%mul3A_50] : memref<4194304xf32, #tpu.memory_space<hbm>> -> memref<16384xf32, #tpu.memory_space<hbm>>
        %dma_wait3A_52 = tpu.memref_slice %arg5[%mul3A_50] : memref<4194304xf32, #tpu.memory_space<hbm>> -> memref<16384xf32, #tpu.memory_space<hbm>>
        tpu.wait_dma2 semaphore(%run_scoped3A : memref<!tpu.dma_semaphore, #tpu.memory_space<semaphore_mem>>) src(%arg9 : memref<16384xf32, #tpu.memory_space<vmem>>) dst(%dma_wait3A_52 : memref<16384xf32, #tpu.memory_space<hbm>>)
        tpu.yield
      }) : () -> ()
    }
    %scan3A_36 = arith.constant 8 : i32
    return
  }
}

module attributes {stable_mosaic.version = 14 : i64} {
  func.func @_proj_body(%arg0: memref<776x128xf32, #tpu.memory_space<vmem>>, %arg1: memref<128x128xf32, #tpu.memory_space<vmem>>, %arg2: memref<1x128xf32, #tpu.memory_space<vmem>>, %arg3: memref<776x128xf32, #tpu.memory_space<vmem>>) attributes {dimension_semantics = [], scalar_prefetch = 0 : i64, scratch_operands = 0 : i64, tpu.core_type = #tpu.core_type<tc>} {
    %get3A = arith.constant 0 : index
    %get3A_0 = arith.constant 0 : index
    %get3A_1 = vector.load %arg0[%get3A, %get3A_0] : memref<776x128xf32, #tpu.memory_space<vmem>>, vector<776x128xf32>
    %get3A_2 = arith.constant 0 : index
    %get3A_3 = arith.constant 0 : index
    %get3A_4 = vector.load %arg1[%get3A_2, %get3A_3] : memref<128x128xf32, #tpu.memory_space<vmem>>, vector<128x128xf32>
    %dot_general3A = arith.constant dense<0.000000e+00> : vector<776x128xf32>
    %dot_general3A_5 = tpu.matmul %get3A_1, %get3A_4, %dot_general3A {dimension_numbers = #tpu.dot_dimension_numbers<[1], [1], [0], [0], [0, 0, 1, 0], [], []>, precision = #tpu.contract_precision<fp32>, transpose_lhs_hint = false} : vector<776x128xf32>, vector<128x128xf32>, vector<776x128xf32> -> vector<776x128xf32>
    %iota3A = tpu.iota {dimensions = array<i32: 0>} : vector<776x128xi32>
    %lt3A = arith.constant 128 : i32
    %lt3A_6 = vector.broadcast %lt3A : i32 to vector<776x128xi32>
    %lt3A_7 = arith.cmpi slt, %iota3A, %lt3A_6 : vector<776x128xi32>
    %get3A_8 = arith.constant 0 : index
    %get3A_9 = arith.constant 0 : index
    %get3A_10 = vector.load %arg2[%get3A_8, %get3A_9] : memref<1x128xf32, #tpu.memory_space<vmem>>, vector<1x128xf32>
    %mul3A = arith.constant 2.500000e-01 : f32
    %mul3A_11 = vector.broadcast %mul3A : f32 to vector<1x128xf32>
    %mul3A_12 = arith.mulf %get3A_10, %mul3A_11 : vector<1x128xf32>
    %jit3A = arith.constant 0.000000e+00 : f32
    %broadcast_in_dim3A = vector.shape_cast %mul3A_12 : vector<1x128xf32> to vector<1x128xf32>
    %broadcast_in_dim3A_13 = vector.broadcast %broadcast_in_dim3A : vector<1x128xf32> to vector<776x128xf32>
    %broadcast_in_dim3A_14 = vector.broadcast %jit3A : f32 to vector<776x128xf32>
    %select_n3A = arith.select %lt3A_7, %broadcast_in_dim3A_13, %broadcast_in_dim3A_14 : vector<776x128xi1>, vector<776x128xf32>
    %add3A = arith.addf %dot_general3A_5, %select_n3A : vector<776x128xf32>
    %swap3A = arith.constant 0 : index
    %swap3A_15 = arith.constant 0 : index
    %swap3A_16 = vector.load %arg3[%swap3A, %swap3A_15] : memref<776x128xf32, #tpu.memory_space<vmem>>, vector<776x128xf32>
    tpu.vector_store %arg3[%swap3A, %swap3A_15], %add3A {strides = array<i32>} : memref<776x128xf32, #tpu.memory_space<vmem>>, vector<776x128xf32>,
    return
  }
}

</mosaic_0001>

<sc_bundles>
// kernel: kernel.4.cloned.1.call-start
scs
__scs_entry_jumppad:
0x0: {  	(pc) =	sbr.rel $0x88, $3  }
0x1: {  	(tag) =	ssettag $0x0;
	lr =	simm.s32 $0x1  }
0x2: {  	[smem:$0x3F99] =	sst lr;
	_ =	strace $0xD0000000  }
0x3: {  	_ = 	snop  }
0x4: {  	_ = 	snop  }
0x5: {  	_ = 	snop  }
0x6: {  	_ = 	snop  }
0x7: {  	_ = 	snop  }
__scs_overlays_trampoline_lowered:
0x8: {  	[smem:$0x3FA8] =	sst s0  }
0x9: {  	[smem:$0x3FA9] =	sst s1  }
0xa: {  	[smem:$0x3FAA] =	sst s2  }
0xb: {  	[smem:$0x3FAB] =	sst s3  }
0xc: {  	[smem:$0x3FAC] =	sst s4  }
0xd: {  	[smem:$0x3FAD] =	sst s5  }
0xe: {  	[smem:$0x3FAE] =	sst s6  }
0xf: {  	[smem:$0x3FAF] =	sst s7  }
0x10: {  	[smem:$0x3FB0] =	sst s8  }
0x11: {  	[smem:$0x3FB1] =	sst s9;
	s0 =	simm.s32 @!p0 $0x0  }
0x12: {  	s1 =	sld [smem:$0x3F97];
	s0 =	simm.s32 @p0 $0x1  }
0x13: {  	[smem:$0x3FB2] =	sst s0;
	s0 =	simm.s32 @!p1 $0x0  }
0x14: {  	s2 =	sld [smem:$0x3F96];
	s0 =	simm.s32 @p1 $0x1  }
0x15: {  	[smem:$0x3FB3] =	sst s0;
	s0 =	simm.s32 @!p2 $0x0  }
0x16: {  	s3 =	sld [smem:$0x3FDB];
	s0 =	simm.s32 @p2 $0x1  }
0x17: {  	s4 =	simm.s32 $0x1BF5;
	[smem:$0x3FB5] =	sst s0  }
0x18: {  	s0 =	sld [smem:$0x3F98];
	_ =	swait.ge [sflag:s4], $0x0  }
0x19: {  	s7 =	sld [smem:$0x3F99]  }
0x1a: {  	s8 =	sadd.s32 $0xFFFFE003, lr  }
0x1b: {  	s9 =	sadd.s32 $0xFFFFFEF7, lr;
	s5 =	simm.s32 $0xFFFFFFFF;
	p2 =	slt.u32 s8, $0xFFFFF086  }
0x1c: {  	p1 =	slt.u32 s9, $0xF7A;
	s5 =	simm.s32 @!p2 $0x0  }
0x1d: {  	s5 =	simm.s32 @p1 $0x1;
	p0 =	seq.s32 s7, s2  }
0x1e: {  	s7 =	smul.u32 @!p0 $0xF7A, s2;
	p2 =	seq.s32 @!p0 s5, $0x0  }
0x1f: {  	s9 =	smul.u32 $0xF7A, s1;
	s8 =	simm.s32 @!p0 $0x1BF5;
	p2 =	por !p2, p0  }
0x20: {  	[sflag:s8] =	ssyncset.s32 @!p0 $0xFFFFF086;
	s6 =	sadd.s32 @!p0 s3, s7;
	s7 =	simm.s32 @!p0 $0x108  }
0x21: {  	s3 =	sadd.s32 s3, s9;
	s6 =	sadd.s32 @!p0 $0x88, s6;
	s7 =	simm.s32 @p2 $0x1082  }
0x22: {  	[simem:s7], [sflag:s8] =	dma.local @!p0 [hbm:s6], $0xF7A  }
0x23: {  	s9 =	sor.u32 $0xD0000000, s2;
	s6 =	simm.s32 $0x108;
	_ =	swait.ge @!p0 [sflag:s8], $0x0  }
0x24: {  	s3 =	sadd.s32 $0x88, s3;
	s6 =	simm.s32 @!p1 $0x1082;
	[sflag:s4] =	ssyncset.s32 $0xFFFFF086  }
0x25: {  	[simem:s6], [sflag:s4] =	dma.local [hbm:s3], $0xF7A  }
0x26: {  	[smem:$0x3F99] =	sst s1;
	(tag) =	ssettag s2;
	_ =	strace s9  }
0x27: {  	s1 =	sld [smem:$0x3FA9]  }
0x28: {  	s2 =	sld [smem:$0x3FAA]  }
0x29: {  	s4 =	sld [smem:$0x3FAC]  }
0x2a: {  	p0 =	seq.s32 s5, $0x0;
	s5 =	sld [smem:$0x3FAD]  }
0x2b: {  	s6 =	sld [smem:$0x3FAE]  }
0x2c: {  	s7 =	sld [smem:$0x3FAF]  }
0x2d: {  	s3 =	simm.s32 $0x108;
	s8 =	sld [smem:$0x3FB0]  }
0x2e: {  	s3 =	simm.s32 @!p0 $0x1082;
	s9 =	sld [smem:$0x3FB1]  }
0x2f: {  	lr =	sadd.s32 s0, s3;
	s0 =	sld [smem:$0x3FA8]  }
0x30: {  	s3 =	sld [smem:$0x3FAB]  }
0x31: {  	[smem:$0x3FB4] =	sst s10  }
0x32: {  	s10 =	sld [smem:$0x3FB2];
	_ =	sdelay $0x3  }
0x33: {  	p0 =	seq.s32 s10, $0x1;
	s10 =	sld [smem:$0x3FB4];
	_ =	sdelay $0x3  }
0x34: {  	[smem:$0x3FB4] =	sst s10  }
0x35: {  	s10 =	sld [smem:$0x3FB3];
	_ =	sdelay $0x3  }
0x36: {  	p1 =	seq.s32 s10, $0x1;
	s10 =	sld [smem:$0x3FB4];
	_ =	sdelay $0x3  }
0x37: {  	[smem:$0x3FB4] =	sst s10  }
0x38: {  	s10 =	sld [smem:$0x3FB5]  }
0x39: {  	_ = 	snop;
	(pc) =	sbr.ind lr, $3  }
0x3a: {  	_ = 	snop  }
0x3b: {  	_ = 	snop  }
0x3c: {  	p2 =	seq.s32 s10, $0x1;
	s10 =	sld [smem:$0x3FB4]  }
0x3d: {  	_ =	shalt  }
0x3e: {  	_ =	shalt  }
0x3f: {  	_ =	shalt  }
0x40: {  	_ =	shalt  }
0x41: {  	_ =	shalt  }
0x42: {  	_ =	shalt  }
0x43: {  	_ =	shalt  }
0x44: {  	_ =	shalt  }
0x45: {  	_ =	shalt  }
0x46: {  	_ =	shalt  }
0x47: {  	_ =	shalt  }
0x48: {  	_ =	shalt  }
0x49: {  	_ =	shalt  }
0x4a: {  	_ =	shalt  }
0x4b: {  	_ =	shalt  }
0x4c: {  	_ =	shalt  }
0x4d: {  	_ =	shalt  }
0x4e: {  	_ =	shalt  }
0x4f: {  	_ =	shalt  }
0x50: {  	_ =	shalt  }
0x51: {  	_ =	shalt  }
0x52: {  	_ =	shalt  }
0x53: {  	_ =	shalt  }
0x54: {  	_ =	shalt  }
0x55: {  	_ =	shalt  }
0x56: {  	_ =	shalt  }
0x57: {  	_ =	shalt  }
0x58: {  	_ =	shalt  }
0x59: {  	_ =	shalt  }
0x5a: {  	_ =	shalt  }
0x5b: {  	_ =	shalt  }
0x5c: {  	_ =	shalt  }
0x5d: {  	_ =	shalt  }
0x5e: {  	_ =	shalt  }
0x5f: {  	_ =	shalt  }
0x60: {  	_ =	shalt  }
0x61: {  	_ =	shalt  }
0x62: {  	_ =	shalt  }
0x63: {  	_ =	shalt  }
0x64: {  	_ =	shalt  }
0x65: {  	_ =	shalt  }
0x66: {  	_ =	shalt  }
0x67: {  	_ =	shalt  }
0x68: {  	_ =	shalt  }
0x69: {  	_ =	shalt  }
0x6a: {  	_ =	shalt  }
0x6b: {  	_ =	shalt  }
0x6c: {  	_ =	shalt  }
0x6d: {  	_ =	shalt  }
0x6e: {  	_ =	shalt  }
0x6f: {  	_ =	shalt  }
0x70: {  	_ =	shalt  }
0x71: {  	_ =	shalt  }
0x72: {  	_ =	shalt  }
0x73: {  	_ =	shalt  }
0x74: {  	_ =	shalt  }
0x75: {  	_ =	shalt  }
0x76: {  	_ =	shalt  }
0x77: {  	_ =	shalt  }
0x78: {  	_ =	shalt  }
0x79: {  	_ =	shalt  }
0x7a: {  	_ =	shalt  }
0x7b: {  	_ =	shalt  }
0x7c: {  	_ =	shalt  }
0x7d: {  	_ =	shalt  }
0x7e: {  	_ =	shalt  }
0x7f: {  	_ =	shalt  }
0x80: {  	_ =	shalt  }
0x81: {  	_ =	shalt  }
0x82: {  	_ =	shalt  }
0x83: {  	_ =	shalt  }
0x84: {  	_ =	shalt  }
0x85: {  	_ =	shalt  }
0x86: {  	_ =	shalt  }
0x87: {  	_ =	shalt  }
.Lfunc_end0:
.L_simem_size_0:
called_computation_lowered:
.L_overlay_start_0:
0x88: {  	s2 =	sld [smem:$0x3FD9]  }
0x89: {  	s3 =	sld [smem:$0x3FFE];
	_ =	sdelay $0x1  }
0x8a: {  	s1 =	srdreg.scid  }
0x8b: {  	s0 =	sand.u32 $0x1, s1  }
0x8c: {  	s17 =	sshll.u32 s0, $0xA;
	s2 =	sadd.s32 s3, s2  }
0x8d: {  	s2 =	sadd.s32 s2, s17  }
0x8e: {  	[smem:$0x3FC0] =	sst s2  }
0x8f: {  	_ = 	snop  }
0x90: {  	s2 =	sld [smem:$0x3FC9]  }
0x91: {  	s18 =	sld [smem:$0x3FD0];
	(tm) =	ssettm $0x1  }
0x92: {  	s4 =	sld [smem:$0x3FFB];
	_ =	sdelay $0x3  }
0x93: {  	_ =	strace s4  }
0x94: {  	s4 =	sld [smem:$0x3FFC];
	_ =	sdelay $0x3  }
0x95: {  	_ =	strace s4  }
0x96: {  	s4 =	sld [smem:$0x3FFD];
	_ =	sdelay $0x3  }
0x97: {  	_ =	strace s4  }
0x98: {  	_ =	strace $0x8FFFFFFF  }
0x99: {  	s19 =	sld [smem:$0x3FDB];
	_ =	sdelay $0x1  }
0x9a: {  	s5 =	simm.s32 $_scs_section_size  }
0x9b: {  	s6 =	simm.s32 $_size__tile_overlayer_lowered;
	s7 =	simm.s32 $_tile_overlayer_lowered  }
0x9c: {  	s22 =	simm.s32 $0x1BFF;
	s21 =	sshll.u32 s7, $0x1;
	s4 =	sadd.s32 s5, s19  }
0x9d: {  	s8 =	simm.s32 $0x0;
	s20 =	sshll.u32 s6, $0x1;
	s6 =	sadd.s32 s21, s4  }
0x9e: {  	[timem:s8], [sflag:s22] =	dma.local [hbm:s6], s20  }
0x9f: {  	_ =	swait.ge [sflag:s22], s20  }
0xa0: {  	s5 =	ssub.s32 $0x0, s20;
	[sflag:s22] =	ssyncset.done $0x0  }
0xa1: {  	[sflag:s22] =	ssyncadd.s32 s5;
	_ =	sdelay $0x1  }
0xa2: {  	s23 =	simm.s32 $0x1B8B  }
0xa3: {  	_ =	swait.ge [sflag:s23], $0x1  }
0xa4: {  	[sflag:s23] =	ssyncset.done $0x0  }
0xa5: {  	s25 =	simm.s32 $0x1B8E;
	s24 =	sld [smem:$0x3FFE];
	[sflag:s23] =	ssyncadd.s32 $0xFFFFFFFF  }
0xa6: {  	s26 =	simm.s32 $execute0_lowered;
	[smem:$0x3FD2] =	sst s25  }
0xa7: {  	s6 =	sshll.u32 s26, $0x1;
	_ =	strace $0x80000046;
	[dreg:$0x1] =	wrdreg $0xFFFFFFFF  }
0xa8: {  	s28 =	simm.s32 $_size_execute0_lowered;
	s4 =	sadd.s32 s4, s6;
	[dreg:$0x0] =	wrdreg $0x0  }
0xa9: {  	s6 =	sshll.u32 s28, $0x1;
	[dreg:$0x2] =	wrdreg s4  }
0xaa: {  	[dreg:$0x3] =	wrdreg s6  }
0xab: {  	[dreg:$0x4] =	wrdreg $0xC0  }
0xac: {  	_ =	task [dreg:s8], $0x5FFFF  }
0xad: {  	[dreg:$0x1] =	wrdreg $0xFFFFFFFF  }
0xae: {  	[dreg:$0x0] =	wrdreg $0x60  }
0xaf: {  	[dreg:$0x2] =	wrdreg s24  }
0xb0: {  	[dreg:$0x3] =	wrdreg s2  }
0xb1: {  	[dreg:$0x4] =	wrdreg s18  }
0xb2: {  	[dreg:$0x5] =	wrdreg $0x9  }
0xb3: {  	_ =	task.clear_ibuf [dreg:s8], $0x6FFFF;
	_ =	strace $0x90000046  }
0xb4: {  	s29 =	simm.s32 $0x9;
	_ =	strace $0x80000048  }
0xb5: {  	_ =	swait.ge [sflag:s29], $0x1  }
0xb6: {  	[sflag:s29] =	ssyncadd.s32 $0xFFFFFFFF  }
0xb7: {  	_ =	strace $0x90000048  }
0xb8: {  	_ =	sfence  }
0xb9: {  	s30 =	sld [smem:$0x0];
	_ =	sdelay $0x2  }
0xba: {  	s31 =	sshll.u32 s1, $0xD;
	s1 =	sshrl.u32 s1, $0x2  }
0xbb: {  	s3 =	sand.u32 $0x4000, s31;
	s1 =	sadd.s32 s1, s30  }
0xbc: {  	s0 =	sor.u32 s3, s0;
	s1 =	sshll.u32 s1, $0x11  }
0xbd: {  	s0 =	sor.u32 s1, s0  }
0xbe: {  	s0 =	sadd.s32 $0x8F2B, s0  }
0xbf: {  	[sflag:s0] =	ssyncadd.remote.s32 $0x1  }
0xc0: {  	_ =	sfence.sel $0xFFFF  }
0xc1: {  	[dreg:$0x0] =	wrdreg $0xFFFFFFFF;
	(pc) =	sbr.abs _section_cstart, $3  }
0xc2: {  	[dreg:$0x1] =	wrdreg $0xFFFFFFFF  }
0xc3: {  	_ =	task.clear_ibuf [dreg:s8], $0x2FFFF;
	_ =	strace $0x9FFFFFFF  }
0xc4: {  	(tm) =	ssettm $0x7FFFFFFF  }
0xc5: {  	_ =	shalt  }
tec
execute0_lowered:
.L_overlay_start_1:
0x0: {  	(tag) =	ssettag $0x1  }
0x1: {  	s4 =	rddreg [dreg:$0x0]  }
0x2: {  	s5 =	rddreg [dreg:$0x1]  }
0x3: {  	s6 =	rddreg [dreg:$0x2]  }
0x4: {  	s0 =	rddreg [dreg:$0x3];
	s2 =	simm.s32 $0x0;
	s3 =	srdreg.scid  }
0x5: {  	s1 =	stileid.u32;
	s11 =	simm.s32 $0x10;
	s12 =	simm.s32 $0x20  }
0x6: {  	s13 =	simm.s32 $0x30;
	s14 =	simm.s32 $0x40;
	s15 =	simm.s32 $0x50  }
0x7: {  	s16 =	simm.s32 $0x60;
	s17 =	simm.s32 $0x70;
	s18 =	simm.s32 $0x1A800  }
0x8: {  	s19 =	simm.s32 $0x0;
	s7 =	sand.u32 $0x1, s3;
	s30 =	sshll.u32 s1, $0x1  }
0x9: {  	[smem:$0x7FF] =	sst s2;
	s3 =	sadd.s32 $0xC00, s4;
	s8 =	sor.u32 s7, s30  }
0xa: {  	_ =	strace $0x80000047;
	s7 =	ssub.s32 $0x2, s7;
	s9 =	sshll.u32 s8, $0x7  }
0xb: {  	s31 =	sshrl.u32 s7, $0x1;
	s10 =	sshll.u32 s8, $0xA;
	s8 =	sshll.u32 s8, $0xE  }
0xc: {  	s9 =	sadd.s32 s9, s4;
	s7 =	ssub.s32 s7, s31;
	s4 =	sadd.s32 s5, s10  }
0xd: {  	s6 =	sadd.s32 s6, s8;
	s8 =	simm.s32 $0x1;
	s10 =	simm.s32 $0x1A400  }
0xe: {  	v0 =	vimm.s32 $0x0;
	v1 =	vlaneseq.u32;
	s5 =	sadd.s32 $0x3E00, s9;
	s7 =	smax.u32 s7, $0x1;
	s9 =	simm.s32 $0x18400  }
.LBB2_1:
0xf: {  	[tilespmem:s2], [sflag:$0x1] =	stream.linear.gather [hbm4b:s3+s2], $0x18400, $0x38;
	[tilespmem:$0x1E800] =	vst v63  }
0x10: {  	_ =	swait.ge [sflag:s8], $0x18400  }
0x11: {  	[sflag:s8] =	ssyncset.done $0x0  }
0x12: {  	[sflag:s8] =	ssyncadd.s32 $0xFFFE7C00  }
0x13: {  	[tilespmem:s9], [sflag:$0x1] =	stream.linear.gather [hbm4b:s4+s2], $0x2000, $0x38;
	[tilespmem:$0x1E800] =	vst v63  }
0x14: {  	_ =	swait.ge [sflag:s8], $0x2000  }
0x15: {  	[sflag:s8] =	ssyncset.done $0x0  }
0x16: {  	[sflag:s8] =	ssyncadd.s32 $0xFFFFE000  }
0x17: {  	[tilespmem:s10], [sflag:$0x1] =	stream.linear.gather [hbm4b:s5+s2], $0x400, $0x38;
	[tilespmem:$0x1E800] =	vst v63  }
0x18: {  	_ =	swait.ge [sflag:s8], $0x400  }
0x19: {  	[sflag:s8] =	ssyncset.done $0x0  }
0x1a: {  	[sflag:s8] =	ssyncadd.s32 $0xFFFFFC00  }
0x1b: {  	v2 =	vld [tilespmem:$0x1A400];
	_ =	sdelay $0x4  }
0x1c: {  	[tilespmem:$0x1FF80] =	vst v2;
	v2 =	vld [tilespmem:$0x1A480];
	_ =	sdelay $0x4  }
0x1d: {  	[tilespmem:$0x1FF90] =	vst v2;
	v2 =	vld [tilespmem:$0x1A500];
	_ =	sdelay $0x4  }
0x1e: {  	[tilespmem:$0x1FFA0] =	vst v2;
	v2 =	vld [tilespmem:$0x1A580];
	_ =	sdelay $0x4  }
0x1f: {  	[tilespmem:$0x1FFB0] =	vst v2;
	v2 =	vld [tilespmem:$0x1A600];
	_ =	sdelay $0x4  }
0x20: {  	[tilespmem:$0x1FFC0] =	vst v2;
	v2 =	vld [tilespmem:$0x1A680];
	_ =	sdelay $0x4  }
0x21: {  	[tilespmem:$0x1FFD0] =	vst v2;
	v2 =	vld [tilespmem:$0x1A700];
	_ =	sdelay $0x4  }
0x22: {  	[tilespmem:$0x1FFE0] =	vst v2;
	v2 =	vld [tilespmem:$0x1A780];
	_ =	sdelay $0x4  }
0x23: {  	s20 =	simm.s32 $0x0;
	[tilespmem:$0x1FFF0] =	vst v2  }
.LBB2_2:
0x24: {  	s21 =	sshll.u32 s20, $0xA  }
0x25: {  	s21 =	sand.u32 $0x3FFFFC00, s21  }
0x26: {  	s23 =	sadd.s32 $0x18400, s21  }
0x27: {  	s22 =	simm.s32 $0x1A880;
	s21 =	simm.s32 $0x0;
	v10 =	vmov s23  }
.LBB2_3:
0x28: {  	_ =	sdelay $0x2  }
0x29: {  	s23 =	sshll.u32 s21, $0x4;
	v2 =	vld [tilespmem:$0x1FF80]  }
0x2a: {  	v11 =	vld.idx.msk [tilespmem:v10+s23+$0x0 ss:$0x1], $0xffff;
	_ =	sdelay $0x3  }
0x2b: {  	v12 =	vld.idx.msk [tilespmem:v10+s23+$0x80 ss:$0x1], $0xffff  }
0x2c: {  	v11 =	vmul.f32 v11, v2;
	v2 =	vld [tilespmem:$0x1FF90];
	_ =	sdelay $0x3  }
0x2d: {  	v13 =	vld.idx.msk [tilespmem:v10+s23+$0x100 ss:$0x1], $0xffff  }
0x2e: {  	v12 =	vmul.f32 v12, v2;
	v2 =	vld [tilespmem:$0x1FFA0];
	_ =	sdelay $0x3  }
0x2f: {  	v15 =	vld.idx.msk [tilespmem:v10+s23+$0x180 ss:$0x1], $0xffff  }
0x30: {  	v13 =	vmul.f32 v13, v2;
	v2 =	vld [tilespmem:$0x1FFB0];
	_ =	sdelay $0x1  }
0x31: {  	v11 =	vclamp.gez.f32 v11, $1.270000000e+02  }
0x32: {  	v14 =	vtrunc.f32 v11  }
0x33: {  	vm0 =	vlt.f32 v11, v14;
	v11 =	vld.idx.msk [tilespmem:v10+s23+$0x200 ss:$0x1], $0xffff  }
0x34: {  	v15 =	vmul.f32 v15, v2;
	v2 =	vld [tilespmem:$0x1FFC0]  }
0x35: {  	v16 =	vcvt.f32.s32 v14  }
0x36: {  	v14 =	vsel vm0, $0xFFFFFFFF, v0;
	v12 =	vclamp.gez.f32 v12, $1.270000000e+02  }
0x37: {  	v14 =	vadd.s32 v16, v14;
	v16 =	vtrunc.f32 v12  }
0x38: {  	vm9 =	vlt.f32 v12, v16;
	v12 =	vclamp.gez.f32 v13, $1.270000000e+02;
	v13 =	vld.idx.msk [tilespmem:v10+s23+$0x280 ss:$0x1], $0xffff  }
0x39: {  	v11 =	vmul.f32 v11, v2;
	v2 =	vld [tilespmem:$0x1FFD0];
	_ =	sdelay $0x2  }
0x3a: {  	v18 =	vtrunc.f32 v12  }
0x3b: {  	vm10 =	vlt.f32 v12, v18;
	v12 =	vld.idx.msk [tilespmem:v10+s23+$0x300 ss:$0x1], $0xffff  }
0x3c: {  	v13 =	vmul.f32 v13, v2;
	v2 =	vld [tilespmem:$0x1FFE0];
	_ =	sdelay $0x1  }
0x3d: {  	v17 =	vcvt.f32.s32 v16  }
0x3e: {  	v16 =	vsel vm9, $0xFFFFFFFF, v0  }
0x3f: {  	v16 =	vadd.s32 v17, v16;
	v19 =	vcvt.f32.s32 v18;
	v18 =	vld.idx.msk [tilespmem:v10+s23+$0x380 ss:$0x1], $0xffff  }
0x40: {  	v17 =	vsel vm10, $0xFFFFFFFF, v0;
	v15 =	vclamp.gez.f32 v15, $1.270000000e+02;
	v12 =	vmul.f32 v12, v2;
	v2 =	vld [tilespmem:$0x1FFF0]  }
0x41: {  	v17 =	vadd.s32 v19, v17;
	v19 =	vtrunc.f32 v15  }
0x42: {  	vm11 =	vlt.f32 v15, v19;
	v11 =	vclamp.gez.f32 v11, $1.270000000e+02  }
0x43: {  	v19 =	vcvt.f32.s32 v19;
	v20 =	vsel vm11, $0xFFFFFFFF, v0;
	v15 =	vtrunc.f32 v11  }
0x44: {  	v21 =	vcvt.f32.s32 v15;
	vm12 =	vlt.f32 v11, v15;
	v11 =	vclamp.gez.f32 v13, $1.270000000e+02  }
0x45: {  	v13 =	vsel vm12, $0xFFFFFFFF, v0;
	v15 =	vtrunc.f32 v11;
	v18 =	vmul.f32 v18, v2  }
0x46: {  	v22 =	vcvt.f32.s32 v15;
	vm13 =	vlt.f32 v11, v15;
	v11 =	vclamp.gez.f32 v12, $1.270000000e+02  }
0x47: {  	v12 =	vsel vm13, $0xFFFFFFFF, v0;
	v15 =	vtrunc.f32 v11;
	v18 =	vclamp.gez.f32 v18, $1.270000000e+02  }
0x48: {  	v23 =	vcvt.f32.s32 v15;
	vm14 =	vlt.f32 v11, v15;
	v11 =	vtrunc.f32 v18  }
0x49: {  	v15 =	vsel vm14, $0xFFFFFFFF, v0;
	v24 =	vcvt.f32.s32 v11;
	vm15 =	vlt.f32 v18, v11  }
0x4a: {  	v18 =	vadd.s32 v19, v20;
	v19 =	vadd.s32 v21, v13;
	v20 =	vadd.s32 v22, v12  }
0x4b: {  	v21 =	vadd.s32 v23, v15;
	v23 =	vsub.s32 v17, v14;
	v12 =	vshll.u32 v16, $0x7  }
0x4c: {  	v13 =	vshll.u32 v17, $0x7;
	v11 =	vsel vm15, $0xFFFFFFFF, v0;
	v25 =	vsub.s32 v21, v19  }
0x4d: {  	v26 =	vsub.s32 v14, v21;
	v27 =	vsub.s32 v18, v16;
	v28 =	vsub.s32 v20, v18  }
0x4e: {  	v12 =	vadd.s32 $0x4000, v12;
	v15 =	vshll.u32 v19, $0x7;
	v22 =	vadd.s32 v24, v11  }
0x4f: {  	v24 =	vsub.s32 v19, v17;
	v11 =	vshll.u32 v14, $0x7;
	v14 =	vshll.u32 v18, $0x7  }
0x50: {  	v17 =	vshll.u32 v21, $0x7;
	v19 =	vshll.u32 v23, $0x7;
	v21 =	vshll.u32 v25, $0x7  }
0x51: {  	v23 =	vshll.u32 v27, $0x7;
	v29 =	vsub.s32 v22, v20;
	v30 =	vsub.s32 v16, v22  }
0x52: {  	v14 =	vadd.s32 $0x4000, v14;
	v16 =	vshll.u32 v20, $0x7;
	v18 =	vshll.u32 v22, $0x7  }
0x53: {  	v20 =	vshll.u32 v24, $0x7;
	v19 =	vadd.s32 $0xC000, v19;
	v22 =	vshll.u32 v26, $0x7  }
0x54: {  	v21 =	vadd.s32 $0xC000, v21;
	v23 =	vadd.s32 $0x14080, v23;
	v24 =	vshll.u32 v28, $0x7  }
0x55: {  	v16 =	vadd.s32 $0x4000, v16;
	v18 =	vadd.s32 $0x4000, v18;
	v20 =	vadd.s32 $0xC000, v20  }
0x56: {  	v22 =	vadd.s32 $0xC000, v22;
	v25 =	vshll.u32 v29, $0x7;
	v26 =	vshll.u32 v30, $0x7  }
0x57: {  	s24 =	simm.s32 $0x0;
	s23 =	smov.u32 s22;
	v24 =	vadd.s32 $0x14080, v24;
	v25 =	vadd.s32 $0x14080, v25;
	v26 =	vadd.s32 $0x14080, v26  }
.LBB2_4:
0x58: {  	v40 =	vmov s24  }
0x59: {  	v27 =	vperm.xlane v11, v40  }
0x5a: {  	v28 =	vperm.xlane v12, v40  }
0x5b: {  	v29 =	vperm.xlane v13, v40;
	v27 =	vadd.s32 v1, v27  }
0x5c: {  	v30 =	vperm.xlane v14, v40;
	v28 =	vadd.s32 v1, v28  }
0x5d: {  	v31 =	vperm.xlane v15, v40;
	v29 =	vadd.s32 v1, v29  }
0x5e: {  	v32 =	vperm.xlane v16, v40;
	v30 =	vadd.s32 v1, v30  }
0x5f: {  	v33 =	vperm.xlane v17, v40;
	v31 =	vadd.s32 v1, v31  }
0x60: {  	v34 =	vperm.xlane v18, v40;
	v32 =	vadd.s32 v1, v32;
	v43 =	vld.idx.msk [tilespmem:v27+s2+$0x0], $0xffff  }
0x61: {  	v35 =	vperm.xlane v19, v40;
	v33 =	vadd.s32 v1, v33;
	v44 =	vld.idx.msk [tilespmem:v28+s2+$0x0], $0xffff  }
0x62: {  	v36 =	vperm.xlane v20, v40;
	v34 =	vadd.s32 v1, v34;
	v45 =	vld.idx.msk [tilespmem:v29+s2+$0x0], $0xffff  }
0x63: {  	v37 =	vperm.xlane v21, v40;
	v35 =	vadd.s32 v1, v35;
	v46 =	vld.idx.msk [tilespmem:v30+s2+$0x0], $0xffff  }
0x64: {  	v38 =	vperm.xlane v22, v40;
	v36 =	vadd.s32 v1, v36;
	v47 =	vld.idx.msk [tilespmem:v31+s2+$0x0], $0xffff  }
0x65: {  	v39 =	vperm.xlane v23, v40;
	v37 =	vadd.s32 v1, v37;
	v48 =	vld.idx.msk [tilespmem:v32+s2+$0x0], $0xffff  }
0x66: {  	v41 =	vperm.xlane v24, v40;
	v38 =	vadd.s32 v1, v38;
	v49 =	vld.idx.msk [tilespmem:v33+s2+$0x0], $0xffff  }
0x67: {  	v42 =	vperm.xlane v25, v40;
	v39 =	vadd.s32 v1, v39;
	v50 =	vld.idx.msk [tilespmem:v34+s2+$0x0], $0xffff  }
0x68: {  	v40 =	vperm.xlane v26, v40;
	v41 =	vadd.s32 v1, v41;
	v51 =	vld.idx.msk [tilespmem:v35+s2+$0x0], $0xffff  }
0x69: {  	v42 =	vadd.s32 v1, v42;
	v52 =	vld.idx.msk [tilespmem:v36+s2+$0x0], $0xffff  }
0x6a: {  	v40 =	vadd.s32 v1, v40;
	v53 =	vld.idx.msk [tilespmem:v37+s2+$0x0], $0xffff  }
0x6b: {  	v54 =	vld.idx.msk [tilespmem:v38+s2+$0x0], $0xffff  }
0x6c: {  	v55 =	vld.idx.msk [tilespmem:v39+s2+$0x0], $0xffff  }
0x6d: {  	v56 =	vld.idx.msk [tilespmem:v41+s2+$0x0], $0xffff  }
0x6e: {  	v57 =	vld.idx.msk [tilespmem:v42+s2+$0x0], $0xffff  }
0x6f: {  	v58 =	vld.idx.msk [tilespmem:v40+s2+$0x0], $0xffff  }
0x70: {  	v59 =	vld.idx.msk [tilespmem:v27+s11+$0x0], $0xffff  }
0x71: {  	v60 =	vld.idx.msk [tilespmem:v28+s11+$0x0], $0xffff  }
0x72: {  	v61 =	vld.idx.msk [tilespmem:v29+s11+$0x0], $0xffff  }
0x73: {  	v62 =	vld.idx.msk [tilespmem:v30+s11+$0x0], $0xffff  }
0x74: {  	v63 =	vld.idx.msk [tilespmem:v31+s11+$0x0], $0xffff  }
0x75: {  	v2 =	vld.idx.msk [tilespmem:v32+s11+$0x0], $0xffff  }
0x76: {  	v3 =	vld.idx.msk [tilespmem:v33+s11+$0x0], $0xffff  }
0x77: {  	v4 =	vld.idx.msk [tilespmem:v34+s11+$0x0], $0xffff  }
0x78: {  	v5 =	vld.idx.msk [tilespmem:v35+s11+$0x0], $0xffff  }
0x79: {  	v6 =	vld.idx.msk [tilespmem:v36+s11+$0x0], $0xffff  }
0x7a: {  	v7 =	vld.idx.msk [tilespmem:v37+s11+$0x0], $0xffff  }
0x7b: {  	v8 =	vld.idx.msk [tilespmem:v38+s11+$0x0], $0xffff;
	v43 =	vadd.f32 v44, v43;
	v45 =	vadd.f32 v46, v45  }
0x7c: {  	v9 =	vld.idx.msk [tilespmem:v39+s11+$0x0], $0xffff;
	v47 =	vadd.f32 v48, v47;
	v48 =	vadd.f32 v50, v49  }
0x7d: {  	v44 =	vld.idx.msk [tilespmem:v41+s11+$0x0], $0xffff;
	v50 =	vadd.f32 v52, v51;
	v51 =	vadd.f32 v54, v53  }
0x7e: {  	v46 =	vld.idx.msk [tilespmem:v42+s11+$0x0], $0xffff;
	v52 =	vadd.f32 v56, v55;
	v53 =	vadd.f32 v58, v57  }
0x7f: {  	v49 =	vld.idx.msk [tilespmem:v40+s11+$0x0], $0xffff;
	v57 =	vadd.f32 v60, v59;
	v58 =	vadd.f32 v62, v61  }
0x80: {  	v2 =	vadd.f32 v2, v63;
	v3 =	vadd.f32 v4, v3  }
0x81: {  	v59 =	vadd.f32 v6, v5;
	v60 =	vadd.f32 v8, v7  }
0x82: {  	v8 =	vadd.f32 v45, v43;
	v63 =	vadd.f32 v51, v50  }
0x83: {  	v2 =	vadd.f32 v3, v2;
	v3 =	vadd.f32 v60, v59  }
0x84: {  	v61 =	vadd.f32 v44, v9;
	v62 =	vadd.f32 v49, v46  }
0x85: {  	v9 =	vadd.f32 v48, v47;
	v48 =	vadd.f32 v53, v52  }
0x86: {  	v49 =	vadd.f32 v58, v57;
	v50 =	vadd.f32 v62, v61  }
0x87: {  	v51 =	vadd.f32 v9, v8;
	v52 =	vadd.f32 v48, v63  }
0x88: {  	v2 =	vadd.f32 v2, v49;
	v3 =	vadd.f32 v50, v3  }
0x89: {  	v53 =	vadd.f32 v52, v51  }
0x8a: {  	v2 =	vadd.f32 v3, v2  }
0x8b: {  	[tilespmem:s23+$0xFFFFFF80] =	vst v53  }
0x8c: {  	[tilespmem:s23+$0xFFFFFF90] =	vst v2  }
0x8d: {  	v2 =	vld.idx.msk [tilespmem:v27+s12+$0x0], $0xffff  }
0x8e: {  	v3 =	vld.idx.msk [tilespmem:v28+s12+$0x0], $0xffff  }
0x8f: {  	v4 =	vld.idx.msk [tilespmem:v29+s12+$0x0], $0xffff  }
0x90: {  	v5 =	vld.idx.msk [tilespmem:v30+s12+$0x0], $0xffff  }
0x91: {  	v6 =	vld.idx.msk [tilespmem:v31+s12+$0x0], $0xffff  }
0x92: {  	v7 =	vld.idx.msk [tilespmem:v32+s12+$0x0], $0xffff  }
0x93: {  	v8 =	vld.idx.msk [tilespmem:v33+s12+$0x0], $0xffff  }
0x94: {  	v9 =	vld.idx.msk [tilespmem:v34+s12+$0x0], $0xffff  }
0x95: {  	v43 =	vld.idx.msk [tilespmem:v35+s12+$0x0], $0xffff  }
0x96: {  	v44 =	vld.idx.msk [tilespmem:v36+s12+$0x0], $0xffff  }
0x97: {  	v45 =	vld.idx.msk [tilespmem:v37+s12+$0x0], $0xffff  }
0x98: {  	v46 =	vld.idx.msk [tilespmem:v38+s12+$0x0], $0xffff  }
0x99: {  	v47 =	vld.idx.msk [tilespmem:v39+s12+$0x0], $0xffff  }
0x9a: {  	v48 =	vld.idx.msk [tilespmem:v41+s12+$0x0], $0xffff  }
0x9b: {  	v49 =	vld.idx.msk [tilespmem:v42+s12+$0x0], $0xffff  }
0x9c: {  	v50 =	vld.idx.msk [tilespmem:v40+s12+$0x0], $0xffff  }
0x9d: {  	v51 =	vld.idx.msk [tilespmem:v27+s13+$0x0], $0xffff  }
0x9e: {  	v52 =	vld.idx.msk [tilespmem:v28+s13+$0x0], $0xffff  }
0x9f: {  	v53 =	vld.idx.msk [tilespmem:v29+s13+$0x0], $0xffff  }
0xa0: {  	v54 =	vld.idx.msk [tilespmem:v30+s13+$0x0], $0xffff  }
0xa1: {  	v55 =	vld.idx.msk [tilespmem:v31+s13+$0x0], $0xffff  }
0xa2: {  	v56 =	vld.idx.msk [tilespmem:v32+s13+$0x0], $0xffff  }
0xa3: {  	v57 =	vld.idx.msk [tilespmem:v33+s13+$0x0], $0xffff  }
0xa4: {  	v58 =	vld.idx.msk [tilespmem:v34+s13+$0x0], $0xffff  }
0xa5: {  	v59 =	vld.idx.msk [tilespmem:v35+s13+$0x0], $0xffff  }
0xa6: {  	v60 =	vld.idx.msk [tilespmem:v36+s13+$0x0], $0xffff  }
0xa7: {  	v61 =	vld.idx.msk [tilespmem:v37+s13+$0x0], $0xffff  }
0xa8: {  	v62 =	vld.idx.msk [tilespmem:v38+s13+$0x0], $0xffff;
	v2 =	vadd.f32 v3, v2;
	v4 =	vadd.f32 v5, v4  }
0xa9: {  	v63 =	vld.idx.msk [tilespmem:v39+s13+$0x0], $0xffff;
	v6 =	vadd.f32 v7, v6;
	v7 =	vadd.f32 v9, v8  }
0xaa: {  	v3 =	vld.idx.msk [tilespmem:v41+s13+$0x0], $0xffff;
	v9 =	vadd.f32 v44, v43;
	v43 =	vadd.f32 v46, v45  }
0xab: {  	v5 =	vld.idx.msk [tilespmem:v42+s13+$0x0], $0xffff;
	v44 =	vadd.f32 v48, v47;
	v45 =	vadd.f32 v50, v49  }
0xac: {  	v8 =	vld.idx.msk [tilespmem:v40+s13+$0x0], $0xffff;
	v46 =	vadd.f32 v52, v51;
	v54 =	vadd.f32 v54, v53  }
0xad: {  	v56 =	vadd.f32 v56, v55;
	v58 =	vadd.f32 v58, v57  }
0xae: {  	v60 =	vadd.f32 v60, v59;
	v61 =	vadd.f32 v62, v61  }
0xaf: {  	v2 =	vadd.f32 v4, v2;
	v62 =	vadd.f32 v7, v6  }
0xb0: {  	v45 =	vadd.f32 v45, v44;
	v51 =	vadd.f32 v61, v60  }
0xb1: {  	v3 =	vadd.f32 v3, v63;
	v5 =	vadd.f32 v8, v5  }
0xb2: {  	v63 =	vadd.f32 v43, v9;
	v8 =	vadd.f32 v54, v46  }
0xb3: {  	v9 =	vadd.f32 v58, v56;
	v3 =	vadd.f32 v5, v3  }
0xb4: {  	v2 =	vadd.f32 v62, v2;
	v52 =	vadd.f32 v45, v63  }
0xb5: {  	v53 =	vadd.f32 v9, v8;
	v3 =	vadd.f32 v3, v51  }
0xb6: {  	v2 =	vadd.f32 v52, v2  }
0xb7: {  	v3 =	vadd.f32 v3, v53  }
0xb8: {  	[tilespmem:s23+$0xFFFFFFA0] =	vst v2  }
0xb9: {  	[tilespmem:s23+$0xFFFFFFB0] =	vst v3  }
0xba: {  	v2 =	vld.idx.msk [tilespmem:v27+s14+$0x0], $0xffff  }
0xbb: {  	v3 =	vld.idx.msk [tilespmem:v28+s14+$0x0], $0xffff  }
0xbc: {  	v4 =	vld.idx.msk [tilespmem:v29+s14+$0x0], $0xffff  }
0xbd: {  	v5 =	vld.idx.msk [tilespmem:v30+s14+$0x0], $0xffff  }
0xbe: {  	v6 =	vld.idx.msk [tilespmem:v31+s14+$0x0], $0xffff  }
0xbf: {  	v7 =	vld.idx.msk [tilespmem:v32+s14+$0x0], $0xffff  }
0xc0: {  	v8 =	vld.idx.msk [tilespmem:v33+s14+$0x0], $0xffff  }
0xc1: {  	v9 =	vld.idx.msk [tilespmem:v34+s14+$0x0], $0xffff  }
0xc2: {  	v43 =	vld.idx.msk [tilespmem:v35+s14+$0x0], $0xffff  }
0xc3: {  	v44 =	vld.idx.msk [tilespmem:v36+s14+$0x0], $0xffff  }
0xc4: {  	v45 =	vld.idx.msk [tilespmem:v37+s14+$0x0], $0xffff  }
0xc5: {  	v46 =	vld.idx.msk [tilespmem:v38+s14+$0x0], $0xffff  }
0xc6: {  	v47 =	vld.idx.msk [tilespmem:v39+s14+$0x0], $0xffff  }
0xc7: {  	v48 =	vld.idx.msk [tilespmem:v41+s14+$0x0], $0xffff  }
0xc8: {  	v49 =	vld.idx.msk [tilespmem:v42+s14+$0x0], $0xffff  }
0xc9: {  	v50 =	vld.idx.msk [tilespmem:v40+s14+$0x0], $0xffff  }
0xca: {  	v51 =	vld.idx.msk [tilespmem:v27+s15+$0x0], $0xffff  }
0xcb: {  	v52 =	vld.idx.msk [tilespmem:v28+s15+$0x0], $0xffff  }
0xcc: {  	v53 =	vld.idx.msk [tilespmem:v29+s15+$0x0], $0xffff  }
0xcd: {  	v54 =	vld.idx.msk [tilespmem:v30+s15+$0x0], $0xffff  }
0xce: {  	v55 =	vld.idx.msk [tilespmem:v31+s15+$0x0], $0xffff  }
0xcf: {  	v56 =	vld.idx.msk [tilespmem:v32+s15+$0x0], $0xffff  }
0xd0: {  	v57 =	vld.idx.msk [tilespmem:v33+s15+$0x0], $0xffff  }
0xd1: {  	v58 =	vld.idx.msk [tilespmem:v34+s15+$0x0], $0xffff  }
0xd2: {  	v59 =	vld.idx.msk [tilespmem:v35+s15+$0x0], $0xffff  }
0xd3: {  	v60 =	vld.idx.msk [tilespmem:v36+s15+$0x0], $0xffff  }
0xd4: {  	v61 =	vld.idx.msk [tilespmem:v37+s15+$0x0], $0xffff  }
0xd5: {  	v62 =	vld.idx.msk [tilespmem:v38+s15+$0x0], $0xffff;
	v2 =	vadd.f32 v3, v2;
	v4 =	vadd.f32 v5, v4  }
0xd6: {  	v63 =	vld.idx.msk [tilespmem:v39+s15+$0x0], $0xffff;
	v6 =	vadd.f32 v7, v6;
	v7 =	vadd.f32 v9, v8  }
0xd7: {  	v3 =	vld.idx.msk [tilespmem:v41+s15+$0x0], $0xffff;
	v9 =	vadd.f32 v44, v43;
	v43 =	vadd.f32 v46, v45  }
0xd8: {  	v5 =	vld.idx.msk [tilespmem:v42+s15+$0x0], $0xffff;
	v44 =	vadd.f32 v48, v47;
	v45 =	vadd.f32 v50, v49  }
0xd9: {  	v8 =	vld.idx.msk [tilespmem:v40+s15+$0x0], $0xffff;
	v46 =	vadd.f32 v52, v51;
	v47 =	vadd.f32 v54, v53  }
0xda: {  	v48 =	vadd.f32 v56, v55;
	v49 =	vadd.f32 v58, v57  }
0xdb: {  	v54 =	vadd.f32 v60, v59;
	v55 =	vadd.f32 v62, v61  }
0xdc: {  	v2 =	vadd.f32 v4, v2;
	v56 =	vadd.f32 v7, v6  }
0xdd: {  	v57 =	vadd.f32 v43, v9;
	v58 =	vadd.f32 v45, v44  }
0xde: {  	v3 =	vadd.f32 v3, v63;
	v5 =	vadd.f32 v8, v5  }
0xdf: {  	v9 =	vadd.f32 v49, v48;
	v59 =	vadd.f32 v55, v54  }
0xe0: {  	v8 =	vadd.f32 v47, v46;
	v3 =	vadd.f32 v5, v3  }
0xe1: {  	v2 =	vadd.f32 v56, v2;
	v60 =	vadd.f32 v58, v57  }
0xe2: {  	v61 =	vadd.f32 v9, v8;
	v3 =	vadd.f32 v3, v59  }
0xe3: {  	v2 =	vadd.f32 v60, v2  }
0xe4: {  	v3 =	vadd.f32 v3, v61  }
0xe5: {  	[tilespmem:s23+$0xFFFFFFC0] =	vst v2  }
0xe6: {  	[tilespmem:s23+$0xFFFFFFD0] =	vst v3  }
0xe7: {  	v2 =	vld.idx.msk [tilespmem:v27+s16+$0x0], $0xffff  }
0xe8: {  	v3 =	vld.idx.msk [tilespmem:v28+s16+$0x0], $0xffff  }
0xe9: {  	v62 =	vld.idx.msk [tilespmem:v29+s16+$0x0], $0xffff  }
0xea: {  	v63 =	vld.idx.msk [tilespmem:v30+s16+$0x0], $0xffff  }
0xeb: {  	v52 =	vld.idx.msk [tilespmem:v31+s16+$0x0], $0xffff  }
0xec: {  	v53 =	vld.idx.msk [tilespmem:v32+s16+$0x0], $0xffff  }
0xed: {  	v8 =	vld.idx.msk [tilespmem:v33+s16+$0x0], $0xffff  }
0xee: {  	v9 =	vld.idx.msk [tilespmem:v34+s16+$0x0], $0xffff  }
0xef: {  	v54 =	vld.idx.msk [tilespmem:v35+s16+$0x0], $0xffff  }
0xf0: {  	v55 =	vld.idx.msk [tilespmem:v36+s16+$0x0], $0xffff  }
0xf1: {  	v56 =	vld.idx.msk [tilespmem:v37+s16+$0x0], $0xffff  }
0xf2: {  	v57 =	vld.idx.msk [tilespmem:v38+s16+$0x0], $0xffff  }
0xf3: {  	v58 =	vld.idx.msk [tilespmem:v39+s16+$0x0], $0xffff  }
0xf4: {  	v59 =	vld.idx.msk [tilespmem:v41+s16+$0x0], $0xffff  }
0xf5: {  	v60 =	vld.idx.msk [tilespmem:v42+s16+$0x0], $0xffff  }
0xf6: {  	v61 =	vld.idx.msk [tilespmem:v40+s16+$0x0], $0xffff  }
0xf7: {  	v27 =	vld.idx.msk [tilespmem:v27+s17+$0x0], $0xffff  }
0xf8: {  	v28 =	vld.idx.msk [tilespmem:v28+s17+$0x0], $0xffff  }
0xf9: {  	v29 =	vld.idx.msk [tilespmem:v29+s17+$0x0], $0xffff  }
0xfa: {  	v30 =	vld.idx.msk [tilespmem:v30+s17+$0x0], $0xffff  }
0xfb: {  	v31 =	vld.idx.msk [tilespmem:v31+s17+$0x0], $0xffff  }
0xfc: {  	v32 =	vld.idx.msk [tilespmem:v32+s17+$0x0], $0xffff  }
0xfd: {  	v33 =	vld.idx.msk [tilespmem:v33+s17+$0x0], $0xffff  }
0xfe: {  	v34 =	vld.idx.msk [tilespmem:v34+s17+$0x0], $0xffff  }
0xff: {  	v35 =	vld.idx.msk [tilespmem:v35+s17+$0x0], $0xffff  }
0x100: {  	v36 =	vld.idx.msk [tilespmem:v36+s17+$0x0], $0xffff  }
0x101: {  	v37 =	vld.idx.msk [tilespmem:v37+s17+$0x0], $0xffff;
	v2 =	vadd.f32 v3, v2  }
0x102: {  	v38 =	vld.idx.msk [tilespmem:v38+s17+$0x0], $0xffff;
	v4 =	vadd.f32 v63, v62;
	v62 =	vadd.f32 v53, v52  }
0x103: {  	v39 =	vld.idx.msk [tilespmem:v39+s17+$0x0], $0xffff;
	v51 =	vadd.f32 v9, v8;
	v8 =	vadd.f32 v55, v54  }
0x104: {  	v3 =	vld.idx.msk [tilespmem:v41+s17+$0x0], $0xffff;
	v52 =	vadd.f32 v57, v56;
	v53 =	vadd.f32 v59, v58  }
0x105: {  	v63 =	vld.idx.msk [tilespmem:v42+s17+$0x0], $0xffff;
	v54 =	vadd.f32 v61, v60;
	v27 =	vadd.f32 v28, v27  }
0x106: {  	v9 =	vld.idx.msk [tilespmem:v40+s17+$0x0], $0xffff;
	v55 =	vadd.f32 v30, v29;
	v56 =	vadd.f32 v32, v31  }
0x107: {  	v57 =	vadd.f32 v34, v33;
	v58 =	vadd.f32 v36, v35  }
0x108: {  	v59 =	vadd.f32 v38, v37;
	v2 =	vadd.f32 v4, v2  }
0x109: {  	v60 =	vadd.f32 v51, v62;
	v61 =	vadd.f32 v52, v8  }
0x10a: {  	v62 =	vadd.f32 v54, v53;
	v8 =	vadd.f32 v55, v27  }
0x10b: {  	s25 =	sadd.s32 $0x1, s24;
	v3 =	vadd.f32 v3, v39;
	v6 =	vadd.f32 v9, v63  }
0x10c: {  	v27 =	vadd.f32 v59, v58;
	v2 =	vadd.f32 v60, v2;
	v63 =	vmov s25  }
0x10d: {  	v9 =	vadd.f32 v57, v56;
	v48 =	vperm.xlane v11, v63;
	v3 =	vadd.f32 v6, v3  }
0x10e: {  	v5 =	vadd.f32 v62, v61;
	v50 =	vperm.xlane v12, v63;
	v51 =	vperm.xlane v13, v63  }
0x10f: {  	v49 =	vadd.f32 v9, v8;
	v3 =	vadd.f32 v3, v27;
	v27 =	vadd.s32 v1, v48  }
0x110: {  	v2 =	vadd.f32 v5, v2;
	v52 =	vperm.xlane v14, v63;
	v28 =	vadd.s32 v1, v50  }
0x111: {  	v53 =	vperm.xlane v15, v63;
	v29 =	vadd.s32 v1, v51;
	v3 =	vadd.f32 v3, v49  }
0x112: {  	[tilespmem:s23+$0xFFFFFFE0] =	vst v2;
	v30 =	vadd.s32 v1, v52  }
0x113: {  	v31 =	vadd.s32 v1, v53;
	[tilespmem:s23+$0xFFFFFFF0] =	vst v3  }
0x114: {  	v4 =	vld.idx.msk [tilespmem:v27+s2+$0x0], $0xffff  }
0x115: {  	v5 =	vld.idx.msk [tilespmem:v28+s2+$0x0], $0xffff  }
0x116: {  	v6 =	vld.idx.msk [tilespmem:v29+s2+$0x0], $0xffff  }
0x117: {  	v2 =	vperm.xlane v16, v63;
	v7 =	vld.idx.msk [tilespmem:v30+s2+$0x0], $0xffff  }
0x118: {  	v8 =	vld.idx.msk [tilespmem:v31+s2+$0x0], $0xffff  }
0x119: {  	v32 =	vadd.s32 v1, v2;
	v2 =	vperm.xlane v18, v63;
	v51 =	vld.idx.msk [tilespmem:v27+s11+$0x0], $0xffff  }
0x11a: {  	v52 =	vld.idx.msk [tilespmem:v28+s11+$0x0], $0xffff  }
0x11b: {  	v34 =	vadd.s32 v1, v2;
	v2 =	vperm.xlane v20, v63;
	v53 =	vld.idx.msk [tilespmem:v29+s11+$0x0], $0xffff  }
0x11c: {  	v3 =	vperm.xlane v17, v63;
	v54 =	vld.idx.msk [tilespmem:v30+s11+$0x0], $0xffff  }
0x11d: {  	v36 =	vadd.s32 v1, v2;
	v55 =	vld.idx.msk [tilespmem:v31+s11+$0x0], $0xffff  }
0x11e: {  	v2 =	vperm.xlane v22, v63;
	v33 =	vadd.s32 v1, v3;
	v9 =	vld.idx.msk [tilespmem:v32+s2+$0x0], $0xffff  }
0x11f: {  	v56 =	vld.idx.msk [tilespmem:v32+s11+$0x0], $0xffff  }
0x120: {  	v3 =	vperm.xlane v19, v63;
	v38 =	vadd.s32 v1, v2;
	v44 =	vld.idx.msk [tilespmem:v34+s2+$0x0], $0xffff  }
0x121: {  	v58 =	vld.idx.msk [tilespmem:v34+s11+$0x0], $0xffff  }
0x122: {  	v35 =	vadd.s32 v1, v3;
	v60 =	vld.idx.msk [tilespmem:v36+s11+$0x0], $0xffff  }
0x123: {  	v2 =	vperm.xlane v24, v63;
	v3 =	vperm.xlane v21, v63;
	v43 =	vld.idx.msk [tilespmem:v33+s2+$0x0], $0xffff  }
0x124: {  	v57 =	vld.idx.msk [tilespmem:v33+s11+$0x0], $0xffff  }
0x125: {  	v41 =	vadd.s32 v1, v2;
	v37 =	vadd.s32 v1, v3;
	v3 =	vperm.xlane v23, v63;
	v46 =	vld.idx.msk [tilespmem:v38+s2+$0x0], $0xffff  }
0x126: {  	v62 =	vld.idx.msk [tilespmem:v38+s11+$0x0], $0xffff  }
0x127: {  	v2 =	vperm.xlane v26, v63;
	v40 =	vadd.s32 v1, v3;
	v3 =	vperm.xlane v25, v63;
	v45 =	vld.idx.msk [tilespmem:v35+s2+$0x0], $0xffff  }
0x128: {  	v59 =	vld.idx.msk [tilespmem:v35+s11+$0x0], $0xffff  }
0x129: {  	v39 =	vadd.s32 v1, v2;
	v42 =	vadd.s32 v1, v3;
	v3 =	vld.idx.msk [tilespmem:v36+s2+$0x0], $0xffff  }
0x12a: {  	v48 =	vld.idx.msk [tilespmem:v41+s2+$0x0], $0xffff  }
0x12b: {  	v4 =	vadd.f32 v5, v4;
	v5 =	vld.idx.msk [tilespmem:v41+s11+$0x0], $0xffff  }
0x12c: {  	v2 =	vld.idx.msk [tilespmem:v37+s2+$0x0], $0xffff  }
0x12d: {  	v61 =	vld.idx.msk [tilespmem:v37+s11+$0x0], $0xffff  }
0x12e: {  	v50 =	vld.idx.msk [tilespmem:v39+s2+$0x0], $0xffff  }
0x12f: {  	v8 =	vadd.f32 v9, v8;
	v9 =	vadd.f32 v44, v43;
	v43 =	vld.idx.msk [tilespmem:v39+s11+$0x0], $0xffff  }
0x130: {  	v6 =	vadd.f32 v7, v6;
	v47 =	vld.idx.msk [tilespmem:v40+s2+$0x0], $0xffff  }
0x131: {  	v54 =	vadd.f32 v54, v53;
	v56 =	vadd.f32 v56, v55;
	v63 =	vld.idx.msk [tilespmem:v40+s11+$0x0], $0xffff  }
0x132: {  	v4 =	vadd.f32 v6, v4;
	v58 =	vadd.f32 v58, v57;
	v49 =	vld.idx.msk [tilespmem:v42+s2+$0x0], $0xffff  }
0x133: {  	v60 =	vadd.f32 v60, v59;
	v7 =	vld.idx.msk [tilespmem:v42+s11+$0x0], $0xffff;
	v3 =	vadd.f32 v3, v45  }
0x134: {  	v2 =	vadd.f32 v46, v2;
	v46 =	vadd.f32 v52, v51  }
0x135: {  	v62 =	vadd.f32 v62, v61;
	v52 =	vadd.f32 v9, v8  }
0x136: {  	v9 =	vadd.f32 v58, v56;
	v44 =	vadd.f32 v48, v47  }
0x137: {  	v5 =	vadd.f32 v5, v63;
	v45 =	vadd.f32 v50, v49  }
0x138: {  	v2 =	vadd.f32 v2, v3;
	v7 =	vadd.f32 v43, v7  }
0x139: {  	v8 =	vadd.f32 v54, v46;
	v3 =	vadd.f32 v45, v44  }
0x13a: {  	v53 =	vadd.f32 v62, v60;
	v5 =	vadd.f32 v7, v5  }
0x13b: {  	v4 =	vadd.f32 v52, v4;
	v2 =	vadd.f32 v3, v2  }
0x13c: {  	v3 =	vadd.f32 v9, v8;
	v5 =	vadd.f32 v5, v53  }
0x13d: {  	v2 =	vadd.f32 v2, v4  }
0x13e: {  	v3 =	vadd.f32 v5, v3  }
0x13f: {  	[tilespmem:s23+$0x0] =	vst v2  }
0x140: {  	[tilespmem:s23+$0x10] =	vst v3  }
0x141: {  	v2 =	vld.idx.msk [tilespmem:v27+s12+$0x0], $0xffff  }
0x142: {  	v3 =	vld.idx.msk [tilespmem:v28+s12+$0x0], $0xffff  }
0x143: {  	v4 =	vld.idx.msk [tilespmem:v29+s12+$0x0], $0xffff  }
0x144: {  	v5 =	vld.idx.msk [tilespmem:v30+s12+$0x0], $0xffff  }
0x145: {  	v6 =	vld.idx.msk [tilespmem:v31+s12+$0x0], $0xffff  }
0x146: {  	v7 =	vld.idx.msk [tilespmem:v32+s12+$0x0], $0xffff  }
0x147: {  	v8 =	vld.idx.msk [tilespmem:v33+s12+$0x0], $0xffff  }
0x148: {  	v9 =	vld.idx.msk [tilespmem:v34+s12+$0x0], $0xffff  }
0x149: {  	v43 =	vld.idx.msk [tilespmem:v35+s12+$0x0], $0xffff  }
0x14a: {  	v44 =	vld.idx.msk [tilespmem:v36+s12+$0x0], $0xffff  }
0x14b: {  	v45 =	vld.idx.msk [tilespmem:v37+s12+$0x0], $0xffff  }
0x14c: {  	v46 =	vld.idx.msk [tilespmem:v38+s12+$0x0], $0xffff  }
0x14d: {  	v47 =	vld.idx.msk [tilespmem:v40+s12+$0x0], $0xffff  }
0x14e: {  	v48 =	vld.idx.msk [tilespmem:v41+s12+$0x0], $0xffff  }
0x14f: {  	v49 =	vld.idx.msk [tilespmem:v42+s12+$0x0], $0xffff  }
0x150: {  	v50 =	vld.idx.msk [tilespmem:v39+s12+$0x0], $0xffff  }
0x151: {  	v51 =	vld.idx.msk [tilespmem:v27+s13+$0x0], $0xffff  }
0x152: {  	v52 =	vld.idx.msk [tilespmem:v28+s13+$0x0], $0xffff  }
0x153: {  	v53 =	vld.idx.msk [tilespmem:v29+s13+$0x0], $0xffff  }
0x154: {  	v54 =	vld.idx.msk [tilespmem:v30+s13+$0x0], $0xffff  }
0x155: {  	v55 =	vld.idx.msk [tilespmem:v31+s13+$0x0], $0xffff  }
0x156: {  	v56 =	vld.idx.msk [tilespmem:v32+s13+$0x0], $0xffff  }
0x157: {  	v57 =	vld.idx.msk [tilespmem:v33+s13+$0x0], $0xffff  }
0x158: {  	v58 =	vld.idx.msk [tilespmem:v34+s13+$0x0], $0xffff  }
0x159: {  	v59 =	vld.idx.msk [tilespmem:v35+s13+$0x0], $0xffff  }
0x15a: {  	v60 =	vld.idx.msk [tilespmem:v36+s13+$0x0], $0xffff  }
0x15b: {  	v61 =	vld.idx.msk [tilespmem:v37+s13+$0x0], $0xffff  }
0x15c: {  	v62 =	vld.idx.msk [tilespmem:v38+s13+$0x0], $0xffff;
	v2 =	vadd.f32 v3, v2;
	v4 =	vadd.f32 v5, v4  }
0x15d: {  	v63 =	vld.idx.msk [tilespmem:v40+s13+$0x0], $0xffff;
	v6 =	vadd.f32 v7, v6;
	v7 =	vadd.f32 v9, v8  }
0x15e: {  	v3 =	vld.idx.msk [tilespmem:v41+s13+$0x0], $0xffff;
	v9 =	vadd.f32 v44, v43;
	v43 =	vadd.f32 v46, v45  }
0x15f: {  	v5 =	vld.idx.msk [tilespmem:v42+s13+$0x0], $0xffff;
	v44 =	vadd.f32 v48, v47;
	v45 =	vadd.f32 v50, v49  }
0x160: {  	v8 =	vld.idx.msk [tilespmem:v39+s13+$0x0], $0xffff;
	v46 =	vadd.f32 v52, v51;
	v54 =	vadd.f32 v54, v53  }
0x161: {  	v56 =	vadd.f32 v56, v55;
	v58 =	vadd.f32 v58, v57  }
0x162: {  	v60 =	vadd.f32 v60, v59;
	v61 =	vadd.f32 v62, v61  }
0x163: {  	v2 =	vadd.f32 v4, v2;
	v62 =	vadd.f32 v7, v6  }
0x164: {  	v45 =	vadd.f32 v45, v44;
	v51 =	vadd.f32 v61, v60  }
0x165: {  	v3 =	vadd.f32 v3, v63;
	v5 =	vadd.f32 v8, v5  }
0x166: {  	v63 =	vadd.f32 v43, v9;
	v8 =	vadd.f32 v54, v46  }
0x167: {  	v9 =	vadd.f32 v58, v56;
	v3 =	vadd.f32 v5, v3  }
0x168: {  	v2 =	vadd.f32 v62, v2;
	v52 =	vadd.f32 v45, v63  }
0x169: {  	v53 =	vadd.f32 v9, v8;
	v3 =	vadd.f32 v3, v51  }
0x16a: {  	v2 =	vadd.f32 v52, v2  }
0x16b: {  	v3 =	vadd.f32 v3, v53  }
0x16c: {  	[tilespmem:s23+$0x20] =	vst v2  }
0x16d: {  	[tilespmem:s23+$0x30] =	vst v3  }
0x16e: {  	v2 =	vld.idx.msk [tilespmem:v27+s14+$0x0], $0xffff  }
0x16f: {  	v3 =	vld.idx.msk [tilespmem:v28+s14+$0x0], $0xffff  }
0x170: {  	v4 =	vld.idx.msk [tilespmem:v29+s14+$0x0], $0xffff  }
0x171: {  	v5 =	vld.idx.msk [tilespmem:v30+s14+$0x0], $0xffff  }
0x172: {  	v6 =	vld.idx.msk [tilespmem:v31+s14+$0x0], $0xffff  }
0x173: {  	v7 =	vld.idx.msk [tilespmem:v32+s14+$0x0], $0xffff  }
0x174: {  	v8 =	vld.idx.msk [tilespmem:v33+s14+$0x0], $0xffff  }
0x175: {  	v9 =	vld.idx.msk [tilespmem:v34+s14+$0x0], $0xffff  }
0x176: {  	v43 =	vld.idx.msk [tilespmem:v35+s14+$0x0], $0xffff  }
0x177: {  	v44 =	vld.idx.msk [tilespmem:v36+s14+$0x0], $0xffff  }
0x178: {  	v45 =	vld.idx.msk [tilespmem:v37+s14+$0x0], $0xffff  }
0x179: {  	v46 =	vld.idx.msk [tilespmem:v38+s14+$0x0], $0xffff  }
0x17a: {  	v47 =	vld.idx.msk [tilespmem:v40+s14+$0x0], $0xffff  }
0x17b: {  	v48 =	vld.idx.msk [tilespmem:v41+s14+$0x0], $0xffff  }
0x17c: {  	v49 =	vld.idx.msk [tilespmem:v42+s14+$0x0], $0xffff  }
0x17d: {  	v50 =	vld.idx.msk [tilespmem:v39+s14+$0x0], $0xffff  }
0x17e: {  	v51 =	vld.idx.msk [tilespmem:v27+s15+$0x0], $0xffff  }
0x17f: {  	v52 =	vld.idx.msk [tilespmem:v28+s15+$0x0], $0xffff  }
0x180: {  	v53 =	vld.idx.msk [tilespmem:v29+s15+$0x0], $0xffff  }
0x181: {  	v54 =	vld.idx.msk [tilespmem:v30+s15+$0x0], $0xffff  }
0x182: {  	v55 =	vld.idx.msk [tilespmem:v31+s15+$0x0], $0xffff  }
0x183: {  	v56 =	vld.idx.msk [tilespmem:v32+s15+$0x0], $0xffff  }
0x184: {  	v57 =	vld.idx.msk [tilespmem:v33+s15+$0x0], $0xffff  }
0x185: {  	v58 =	vld.idx.msk [tilespmem:v34+s15+$0x0], $0xffff  }
0x186: {  	v59 =	vld.idx.msk [tilespmem:v35+s15+$0x0], $0xffff  }
0x187: {  	v60 =	vld.idx.msk [tilespmem:v36+s15+$0x0], $0xffff  }
0x188: {  	v61 =	vld.idx.msk [tilespmem:v37+s15+$0x0], $0xffff  }
0x189: {  	v62 =	vld.idx.msk [tilespmem:v38+s15+$0x0], $0xffff;
	v2 =	vadd.f32 v3, v2;
	v3 =	vadd.f32 v5, v4  }
0x18a: {  	v63 =	vld.idx.msk [tilespmem:v40+s15+$0x0], $0xffff;
	v5 =	vadd.f32 v7, v6;
	v6 =	vadd.f32 v9, v8  }
0x18b: {  	v4 =	vld.idx.msk [tilespmem:v41+s15+$0x0], $0xffff;
	v8 =	vadd.f32 v44, v43;
	v9 =	vadd.f32 v46, v45  }
0x18c: {  	v7 =	vld.idx.msk [tilespmem:v42+s15+$0x0], $0xffff;
	v44 =	vadd.f32 v48, v47;
	v45 =	vadd.f32 v50, v49  }
0x18d: {  	v43 =	vld.idx.msk [tilespmem:v39+s15+$0x0], $0xffff;
	v46 =	vadd.f32 v52, v51;
	v54 =	vadd.f32 v54, v53  }
0x18e: {  	v55 =	vadd.f32 v56, v55;
	v56 =	vadd.f32 v58, v57  }
0x18f: {  	v57 =	vadd.f32 v60, v59;
	v58 =	vadd.f32 v62, v61  }
0x190: {  	v2 =	vadd.f32 v3, v2;
	v3 =	vadd.f32 v6, v5  }
0x191: {  	v59 =	vadd.f32 v9, v8;
	v60 =	vadd.f32 v45, v44  }
0x192: {  	v4 =	vadd.f32 v4, v63;
	v7 =	vadd.f32 v43, v7  }
0x193: {  	v8 =	vadd.f32 v54, v46;
	v9 =	vadd.f32 v56, v55  }
0x194: {  	v61 =	vadd.f32 v58, v57;
	v4 =	vadd.f32 v7, v4  }
0x195: {  	v2 =	vadd.f32 v3, v2;
	v3 =	vadd.f32 v60, v59  }
0x196: {  	v62 =	vadd.f32 v9, v8;
	v4 =	vadd.f32 v4, v61  }
0x197: {  	v2 =	vadd.f32 v3, v2  }
0x198: {  	v3 =	vadd.f32 v4, v62  }
0x199: {  	[tilespmem:s23+$0x40] =	vst v2  }
0x19a: {  	[tilespmem:s23+$0x50] =	vst v3  }
0x19b: {  	v2 =	vld.idx.msk [tilespmem:v27+s16+$0x0], $0xffff  }
0x19c: {  	v3 =	vld.idx.msk [tilespmem:v28+s16+$0x0], $0xffff  }
0x19d: {  	v63 =	vld.idx.msk [tilespmem:v29+s16+$0x0], $0xffff  }
0x19e: {  	v52 =	vld.idx.msk [tilespmem:v30+s16+$0x0], $0xffff  }
0x19f: {  	v53 =	vld.idx.msk [tilespmem:v31+s16+$0x0], $0xffff  }
0x1a0: {  	v54 =	vld.idx.msk [tilespmem:v32+s16+$0x0], $0xffff  }
0x1a1: {  	v8 =	vld.idx.msk [tilespmem:v33+s16+$0x0], $0xffff  }
0x1a2: {  	v9 =	vld.idx.msk [tilespmem:v34+s16+$0x0], $0xffff  }
0x1a3: {  	v55 =	vld.idx.msk [tilespmem:v35+s16+$0x0], $0xffff  }
0x1a4: {  	v56 =	vld.idx.msk [tilespmem:v36+s16+$0x0], $0xffff  }
0x1a5: {  	v57 =	vld.idx.msk [tilespmem:v37+s16+$0x0], $0xffff  }
0x1a6: {  	v58 =	vld.idx.msk [tilespmem:v38+s16+$0x0], $0xffff  }
0x1a7: {  	v59 =	vld.idx.msk [tilespmem:v40+s16+$0x0], $0xffff  }
0x1a8: {  	v60 =	vld.idx.msk [tilespmem:v41+s16+$0x0], $0xffff  }
0x1a9: {  	v61 =	vld.idx.msk [tilespmem:v42+s16+$0x0], $0xffff  }
0x1aa: {  	v62 =	vld.idx.msk [tilespmem:v39+s16+$0x0], $0xffff  }
0x1ab: {  	v27 =	vld.idx.msk [tilespmem:v27+s17+$0x0], $0xffff  }
0x1ac: {  	v28 =	vld.idx.msk [tilespmem:v28+s17+$0x0], $0xffff  }
0x1ad: {  	v29 =	vld.idx.msk [tilespmem:v29+s17+$0x0], $0xffff  }
0x1ae: {  	v30 =	vld.idx.msk [tilespmem:v30+s17+$0x0], $0xffff  }
0x1af: {  	v31 =	vld.idx.msk [tilespmem:v31+s17+$0x0], $0xffff  }
0x1b0: {  	v32 =	vld.idx.msk [tilespmem:v32+s17+$0x0], $0xffff  }
0x1b1: {  	v33 =	vld.idx.msk [tilespmem:v33+s17+$0x0], $0xffff  }
0x1b2: {  	v34 =	vld.idx.msk [tilespmem:v34+s17+$0x0], $0xffff  }
0x1b3: {  	v35 =	vld.idx.msk [tilespmem:v35+s17+$0x0], $0xffff  }
0x1b4: {  	v36 =	vld.idx.msk [tilespmem:v36+s17+$0x0], $0xffff  }
0x1b5: {  	v37 =	vld.idx.msk [tilespmem:v37+s17+$0x0], $0xffff  }
0x1b6: {  	v38 =	vld.idx.msk [tilespmem:v38+s17+$0x0], $0xffff;
	v2 =	vadd.f32 v3, v2;
	v3 =	vadd.f32 v52, v63  }
0x1b7: {  	v40 =	vld.idx.msk [tilespmem:v40+s17+$0x0], $0xffff;
	v51 =	vadd.f32 v54, v53;
	v52 =	vadd.f32 v9, v8  }
0x1b8: {  	v39 =	vld.idx.msk [tilespmem:v39+s17+$0x0], $0xffff;
	v8 =	vadd.f32 v56, v55;
	v9 =	vadd.f32 v58, v57  }
0x1b9: {  	v63 =	vld.idx.msk [tilespmem:v41+s17+$0x0], $0xffff;
	v54 =	vadd.f32 v60, v59;
	v55 =	vadd.f32 v62, v61  }
0x1ba: {  	v53 =	vld.idx.msk [tilespmem:v42+s17+$0x0], $0xffff;
	v27 =	vadd.f32 v28, v27;
	v56 =	vadd.f32 v30, v29  }
0x1bb: {  	v57 =	vadd.f32 v32, v31;
	v58 =	vadd.f32 v34, v33  }
0x1bc: {  	v59 =	vadd.f32 v36, v35;
	v60 =	vadd.f32 v38, v37  }
0x1bd: {  	v2 =	vadd.f32 v3, v2;
	v3 =	vadd.f32 v52, v51  }
0x1be: {  	v61 =	vadd.f32 v9, v8;
	v62 =	vadd.f32 v55, v54  }
0x1bf: {  	v4 =	vadd.f32 v63, v40;
	v7 =	vadd.f32 v39, v53  }
0x1c0: {  	v8 =	vadd.f32 v56, v27;
	v9 =	vadd.f32 v58, v57  }
0x1c1: {  	v27 =	vadd.f32 v60, v59;
	v4 =	vadd.f32 v7, v4  }
0x1c2: {  	p0 =	sne.s32 s24, $0xE;
	v2 =	vadd.f32 v3, v2;
	v3 =	vadd.f32 v62, v61  }
.Ltmp0:
0x1c3: {  	v63 =	vadd.f32 v9, v8;
	v4 =	vadd.f32 v4, v27;
	(pc) =	sbr.rel @p0 .LBB2_4-.Ltmp0, $4  }
0x1c4: {  	v2 =	vadd.f32 v3, v2  }
0x1c5: {  	v3 =	vadd.f32 v4, v63  }
0x1c6: {  	[tilespmem:s23+$0x60] =	vst v2  }
0x1c7: {  	s24 =	sadd.s32 $0x2, s24;
	[tilespmem:s23+$0x70] =	vst v3;
	s23 =	sadd.s32 $0x100, s23  }
0x1c8: {  	s21 =	sadd.s32 $0x1, s21  }
0x1c9: {  	p0 =	sne.s32 s21, $0x8  }
.Ltmp1:
0x1ca: {  	_ = 	snop;
	(pc) =	sbr.rel @p0 .LBB2_3-.Ltmp1, $2  }
0x1cb: {  	_ =	sdelay $0x2  }
0x1cc: {  	s22 =	sadd.s32 $0x800, s22  }
0x1cd: {  	s21 =	sshll.u32 s20, $0xB;
	s20 =	sadd.s32 $0x1, s20  }
0x1ce: {  	p0 =	sne.s32 s20, $0x8  }
.Ltmp2:
0x1cf: {  	s21 =	sadd.s32 s21, s6;
	(pc) =	sbr.rel @p0 .LBB2_2-.Ltmp2, $4  }
0x1d0: {  	[hbm4b:s21+s2] =	stream.linear.scatter [tilespmem:s18], [sflag:$0x1], $0x4000, $0x38;
	[tilespmem:$0x1E800] =	vst v63  }
0x1d1: {  	_ =	swait.ge [sflag:s8], $0x4000  }
0x1d2: {  	[sflag:s8] =	ssyncset.done $0x0  }
0x1d3: {  	[sflag:s8] =	ssyncadd.s32 $0xFFFFC000  }
0x1d4: {  	s19 =	sadd.s32 $0x1, s19  }
0x1d5: {  	p0 =	sne.s32 s19, s7  }
.Ltmp3:
0x1d6: {  	_ = 	snop;
	(pc) =	sbr.rel @p0 .LBB2_1-.Ltmp3, $1  }
0x1d7: {  	_ =	sdelay $0x3  }
0x1d8: {  	_ =	sfence.sel $0x180000  }
0x1d9: {  	[bflag:$0x0] =	sbarrier.arrive $0xFFFF  }
0x1da: {  	p0 =	sne.s32 s1, $0x0;
	_ =	strace $0x90000047  }
0x1db: {  	s0 =	sadd.s32 @!p0 $0x100000, s0;
	[bflag:$0x2] =	sbarrier.arrive $0xFFFF  }
0x1dc: {  	[sflag:s0] =	ssyncadd.tile.s32 @!p0 $0x1;
	_ =	shalt  }
.Lfunc_end2:
_tile_overlayer_lowered:
.L_overlay_start_2:
0x1dd: {  	(tag) =	ssettag $0x2  }
0x1de: {  	s0 =	rddreg [dreg:$0x0];
	s2 =	stileid.u32  }
0x1df: {  	s1 =	rddreg [dreg:$0x1];
	p0 =	sne.s32 s2, $0x0  }
0x1e0: {  	s3 =	rddreg [dreg:$0x2];
	[bflag:$0x3] =	sbarrier.arrive $0xFFFF;
	s2 =	simm.s32 @!p0 $0x1C01  }
0x1e1: {  	[timem:s3], [sflag:s2] =	dma.local @!p0 [hbm:s0], s1  }
0x1e2: {  	s0 =	simm.s32 @!p0 $0x1  }
0x1e3: {  	_ =	swait.ge @!p0 [sflag:s0], s1  }
0x1e4: {  	s1 =	ssub.s32 @!p0 $0x0, s1;
	[sflag:s0] =	ssyncset.done @!p0 $0x0  }
0x1e5: {  	[sflag:s0] =	ssyncadd.s32 @!p0 s1  }
0x1e6: {  	[bflag:$0x3] =	sbarrier.arrive $0xFFFF  }
0x1e7: {  	_ =	shalt  }

</sc_bundles>
